<compile_context>
chip_gen: v7x
topology: tpu7x:2x2x1
jax: 0.10.2.dev20260603
libtpu: 0.0.44.dev20260713+nightly
codegen_flags: <defaults>
</compile_context>

<pallas_src>
import functools

import jax
import jax.numpy as jnp
from jax import lax
from jax.experimental import pallas as pl
from jax.experimental.pallas import tpu as pltpu
from jax.experimental.pallas import tpu_sc as plsc

_N = 100000
_E = 1600000
_G = 64
_L = 128
_NTILE = 16
_NP = 100352
_STRIPE = _NP // _NTILE
_EGP = 12544
_EPAD = _EGP * _L
_K = 4

_RB = 2048
_NBLK = _NP // _RB

_mesh = plsc.VectorSubcoreMesh(core_axis_name="c", subcore_axis_name="s")


def _prelu(x, a):
    return jnp.maximum(x, 0.0) + a * jnp.minimum(x, 0.0)


def _ln(x, w, b, eps=1e-5):
    mu = jnp.mean(x, axis=-1, keepdims=True)
    var = jnp.mean((x - mu) * (x - mu), axis=-1, keepdims=True)
    return (x - mu) * lax.rsqrt(var + eps) * w + b



def _deg_body(ep_hbm, ones_hbm, z16_hbm, out_hbm, idxa_v, idxb_v, ones_v, acc_sh, sem, semb):
    c = lax.axis_index("c")
    s = lax.axis_index("s")
    row = s * _STRIPE
    pltpu.sync_copy(z16_hbm.at[pl.ds(row, _STRIPE)], acc_sh.at[pl.ds(row, _STRIPE)])
    pltpu.sync_copy(ones_hbm, ones_v)
    plsc.subcore_barrier()
    npg = _EGP // 2 // _NTILE
    g0 = c * (_EGP // 2) + s * npg

    @pl.loop(0, npg, step=2 * _K)
    def _(i):
        lda = pltpu.async_copy(ep_hbm.at[1, pl.ds(g0 + i, _K)], idxa_v, sem)
        ldb = pltpu.async_copy(ep_hbm.at[1, pl.ds(g0 + i + _K, _K)], idxb_v, semb)
        lda.wait()
        sa = [
            pltpu.async_copy(ones_v, acc_sh.at[idxa_v.at[j]], sem, add=True)
            for j in range(_K)
        ]
        ldb.wait()
        for d in sa:
            d.wait()
        sb = [
            pltpu.async_copy(ones_v, acc_sh.at[idxb_v.at[j]], semb, add=True)
            for j in range(_K)
        ]
        for d in sb:
            d.wait()

    plsc.subcore_barrier()
    pltpu.sync_copy(acc_sh.at[pl.ds(row, _STRIPE)], out_hbm.at[c, pl.ds(row, _STRIPE)])


def _edge_loop(ep_hbm, tab, acc_sh, bufs, g0, npg):
    isa, ida, isb, idb, msga, msgb, sema, semb, semg, semh = bufs

    @pl.loop(0, npg, step=2 * _K)
    def _(i):
        ga = g0 + i
        gb = g0 + i + _K
        lsa = pltpu.async_copy(ep_hbm.at[0, pl.ds(ga, _K)], isa, sema)
        lda = pltpu.async_copy(ep_hbm.at[1, pl.ds(ga, _K)], ida, sema)
        lsb = pltpu.async_copy(ep_hbm.at[0, pl.ds(gb, _K)], isb, semb)
        ldb = pltpu.async_copy(ep_hbm.at[1, pl.ds(gb, _K)], idb, semb)
        lsa.wait()
        gas = [
            pltpu.async_copy(tab.at[isa.at[j]], msga.at[pl.ds(j * _L, _L)], semg)
            for j in range(_K)
        ]
        lda.wait()
        for d in gas:
            d.wait()
        sas = [
            pltpu.async_copy(msga.at[pl.ds(j * _L, _L)], acc_sh.at[ida.at[j]], sema, add=True)
            for j in range(_K)
        ]
        lsb.wait()
        gbs = [
            pltpu.async_copy(tab.at[isb.at[j]], msgb.at[pl.ds(j * _L, _L)], semh)
            for j in range(_K)
        ]
        ldb.wait()
        for d in gbs:
            d.wait()
        for d in sas:
            d.wait()
        sbs = [
            pltpu.async_copy(msgb.at[pl.ds(j * _L, _L)], acc_sh.at[idb.at[j]], semb, add=True)
            for j in range(_K)
        ]
        for d in sbs:
            d.wait()


def _agg1_body(ep_hbm, xs_hbm, z16_hbm, out_hbm, isa, ida, isb, idb, msga, msgb,
               acc_sh, sema, semb, semg, semh):
    c = lax.axis_index("c")
    s = lax.axis_index("s")
    row = s * _STRIPE
    pltpu.sync_copy(z16_hbm.at[pl.ds(row, _STRIPE)], acc_sh.at[pl.ds(row, _STRIPE)])
    plsc.subcore_barrier()
    npg = _EGP // 2 // _NTILE
    g0 = c * (_EGP // 2) + s * npg
    _edge_loop(ep_hbm, xs_hbm, acc_sh,
               (isa, ida, isb, idb, msga, msgb, sema, semb, semg, semh), g0, npg)
    plsc.subcore_barrier()
    pltpu.sync_copy(acc_sh.at[pl.ds(row, _STRIPE)], out_hbm.at[c, pl.ds(row, _STRIPE)])


def _agg16_body(ep_hbm, y2_hbm, z16_hbm, out_hbm, isa, ida, isb, idb, msga, msgb,
                acc_sh, sema, semb, semg, semh):
    c = lax.axis_index("c")
    s = lax.axis_index("s")
    row = s * _STRIPE
    pltpu.sync_copy(z16_hbm.at[pl.ds(row, _STRIPE)], acc_sh.at[pl.ds(row, _STRIPE)])
    plsc.subcore_barrier()
    npg = _EGP // _NTILE
    g0 = s * npg
    _edge_loop(ep_hbm, y2_hbm.at[c], acc_sh,
               (isa, ida, isb, idb, msga, msgb, sema, semb, semg, semh), g0, npg)
    plsc.subcore_barrier()
    pltpu.sync_copy(acc_sh.at[pl.ds(row, _STRIPE)], out_hbm.at[c, pl.ds(row, _STRIPE)])


_sc_params = pltpu.CompilerParams(use_tc_tiling_on_sc=False)

_sc_deg = functools.partial(
    pl.kernel,
    out_type=jax.ShapeDtypeStruct((2, _NP, 16), jnp.float32),
    mesh=_mesh,
    compiler_params=_sc_params,
    scratch_types=[
        pltpu.VMEM((_K, _L), jnp.int32),
        pltpu.VMEM((_K, _L), jnp.int32),
        pltpu.VMEM((_L, 16), jnp.float32),
        pltpu.VMEM_SHARED((_NP, 16), jnp.float32),
        pltpu.SemaphoreType.DMA,
        pltpu.SemaphoreType.DMA,
    ],
)(_deg_body)

_sc_agg1 = functools.partial(
    pl.kernel,
    out_type=jax.ShapeDtypeStruct((2, _NP, 16), jnp.float32),
    mesh=_mesh,
    compiler_params=_sc_params,
    scratch_types=[
        pltpu.VMEM((_K, _L), jnp.int32),
        pltpu.VMEM((_K, _L), jnp.int32),
        pltpu.VMEM((_K, _L), jnp.int32),
        pltpu.VMEM((_K, _L), jnp.int32),
        pltpu.VMEM((_K * _L, 16), jnp.float32),
        pltpu.VMEM((_K * _L, 16), jnp.float32),
        pltpu.VMEM_SHARED((_NP, 16), jnp.float32),
        pltpu.SemaphoreType.DMA,
        pltpu.SemaphoreType.DMA,
        pltpu.SemaphoreType.DMA,
        pltpu.SemaphoreType.DMA,
    ],
)(_agg1_body)

_sc_agg16 = functools.partial(
    pl.kernel,
    out_type=jax.ShapeDtypeStruct((2, _NP, 16), jnp.float32),
    mesh=_mesh,
    compiler_params=_sc_params,
    scratch_types=[
        pltpu.VMEM((_K, _L), jnp.int32),
        pltpu.VMEM((_K, _L), jnp.int32),
        pltpu.VMEM((_K, _L), jnp.int32),
        pltpu.VMEM((_K, _L), jnp.int32),
        pltpu.VMEM((_K * _L, 16), jnp.float32),
        pltpu.VMEM((_K * _L, 16), jnp.float32),
        pltpu.VMEM_SHARED((_NP, 16), jnp.float32),
        pltpu.SemaphoreType.DMA,
        pltpu.SemaphoreType.DMA,
        pltpu.SemaphoreType.DMA,
        pltpu.SemaphoreType.DMA,
    ],
)(_agg16_body)



def _dinv16(dp_ref):
    return lax.rsqrt(dp_ref[0] + dp_ref[1] + 1.0)


def _prep_body(x4_ref, dp_ref, xs_ref):
    dinv = _dinv16(dp_ref)
    xs_ref[...] = jnp.concatenate(
        [x4_ref[...] * dinv[:, :4], jnp.zeros((_RB, 12), jnp.float32)], axis=1)


def _tc_prep(x4, degp):
    return pl.pallas_call(
        _prep_body,
        grid=(_NBLK,),
        in_specs=[
            pl.BlockSpec((_RB, 4), lambda i: (i, 0)),
            pl.BlockSpec((2, _RB, 16), lambda i: (0, i, 0)),
        ],
        out_specs=pl.BlockSpec((_RB, 16), lambda i: (i, 0)),
        out_shape=jax.ShapeDtypeStruct((_NP, 16), jnp.float32),
    )(x4, degp)


def _post1_body(acc_ref, xs_ref, dp_ref, w_ref, b_ref, lnw_ref, lnb_ref, a_ref, y2_ref):
    dinv = _dinv16(dp_ref)
    s4 = (acc_ref[0] + acc_ref[1] + xs_ref[...]) * dinv
    h = jnp.dot(s4, w_ref[...], preferred_element_type=jnp.float32) + b_ref[...]
    y = _prelu(_ln(h, lnw_ref[...], lnb_ref[...]), a_ref[0, 0])
    y2_ref[0] = y[:, :16] * dinv
    y2_ref[1] = y[:, 16:] * dinv


def _tc_post1(acc1, xs4, degp, w1p, b1, lnw, lnb, a1):
    return pl.pallas_call(
        _post1_body,
        grid=(_NBLK,),
        in_specs=[
            pl.BlockSpec((2, _RB, 16), lambda i: (0, i, 0)),
            pl.BlockSpec((_RB, 16), lambda i: (i, 0)),
            pl.BlockSpec((2, _RB, 16), lambda i: (0, i, 0)),
            pl.BlockSpec((16, 32), lambda i: (0, 0)),
            pl.BlockSpec((1, 32), lambda i: (0, 0)),
            pl.BlockSpec((1, 32), lambda i: (0, 0)),
            pl.BlockSpec((1, 32), lambda i: (0, 0)),
            pl.BlockSpec((1, 1), lambda i: (0, 0)),
        ],
        out_specs=pl.BlockSpec((2, _RB, 16), lambda i: (0, i, 0)),
        out_shape=jax.ShapeDtypeStruct((2, _NP, 16), jnp.float32),
    )(acc1, xs4, degp, w1p, b1, lnw, lnb, a1)


def _post2_body(acc_ref, y2_ref, dp_ref, bat_ref, w2_ref, b2_ref, lnw_ref, lnb_ref,
                a2_ref, mw1_ref, mb1_ref, mlnw_ref, mlnb_ref, ma_ref, mw2_ref, mb2_ref,
                out_ref, sums_ref, cnt_ref):
    i = pl.program_id(0)

    @pl.when(i == 0)
    def _():
        sums_ref[...] = jnp.zeros_like(sums_ref)
        cnt_ref[...] = jnp.zeros_like(cnt_ref)

    dinv = _dinv16(dp_ref)
    h32 = jnp.concatenate([(acc_ref[0] + y2_ref[0]) * dinv,
                           (acc_ref[1] + y2_ref[1]) * dinv], axis=1)
    h = jnp.dot(h32, w2_ref[...], preferred_element_type=jnp.float32) + b2_ref[...]
    y = _prelu(_ln(h, lnw_ref[...], lnb_ref[...]), a2_ref[0, 0])
    ids = lax.broadcasted_iota(jnp.int32, (_G, _RB), 0)
    mt = (bat_ref[0] == ids).astype(jnp.float32)
    sums_ref[...] += lax.dot_general(mt, y, (((1,), (0,)), ((), ())),
                                     preferred_element_type=jnp.float32)
    cnt_ref[...] += lax.dot_general(mt, jnp.ones((_RB, 1), jnp.float32),
                                    (((1,), (0,)), ((), ())),
                                    preferred_element_type=jnp.float32)

    @pl.when(i == _NBLK - 1)
    def _():
        pooled = sums_ref[...] / jnp.maximum(cnt_ref[...], 1.0)
        p = jnp.dot(pooled, mw1_ref[...], preferred_element_type=jnp.float32) + mb1_ref[...]
        p = _prelu(_ln(p, mlnw_ref[...], mlnb_ref[...]), ma_ref[0, 0])
        out_ref[...] = jnp.dot(p, mw2_ref[...], preferred_element_type=jnp.float32) + mb2_ref[...]


def _tc_post2(acc2, y2, degp, batr, w2, b2, lnw, lnb, a2, mw1, mb1, mlnw, mlnb, ma, mw2, mb2):
    full = lambda r, c: pl.BlockSpec((r, c), lambda i: (0, 0))
    return pl.pallas_call(
        _post2_body,
        grid=(_NBLK,),
        in_specs=[
            pl.BlockSpec((2, _RB, 16), lambda i: (0, i, 0)),
            pl.BlockSpec((2, _RB, 16), lambda i: (0, i, 0)),
            pl.BlockSpec((2, _RB, 16), lambda i: (0, i, 0)),
            pl.BlockSpec((1, 1, _RB), lambda i: (i, 0, 0)),
            full(32, 32), full(1, 32), full(1, 32), full(1, 32), full(1, 1),
            full(32, 16), full(1, 16), full(1, 16), full(1, 16), full(1, 1),
            full(16, 10), full(1, 10),
        ],
        out_specs=pl.BlockSpec((_G, 10), lambda i: (0, 0)),
        out_shape=jax.ShapeDtypeStruct((_G, 10), jnp.float32),
        scratch_shapes=[
            pltpu.VMEM((_G, 32), jnp.float32),
            pltpu.VMEM((_G, 1), jnp.float32),
        ],
    )(acc2, y2, degp, batr, w2, b2, lnw, lnb, a2, mw1, mb1, mlnw, mlnb, ma, mw2, mb2)



def kernel(x, edge_index, batch, W1, b1, ln1_w, ln1_b, a1, W2, b2, ln2_w, ln2_b, a2,
           mW1, mb1, mln_w, mln_b, ma, mW2, mb2):
    f32 = jnp.float32
    ei = jnp.pad(edge_index, ((0, 0), (0, _EPAD - _E)), constant_values=_NP - 1)
    ep = ei.reshape(2, _EGP, _L)
    x4 = jnp.pad(x, ((0, _NP - _N), (0, 1)))
    batr = jnp.pad(batch, (0, _NP - _N),
                   constant_values=_G).reshape(_NBLK, 1, _RB)
    z16 = jnp.zeros((_NP, 16), f32)
    ones16 = jnp.ones((_L, 16), f32)
    w1p = jnp.pad(W1, ((0, 13), (0, 0)))

    degp = _sc_deg(ep, ones16, z16)
    xs16 = _tc_prep(x4, degp)
    acc1 = _sc_agg1(ep, xs16, z16)
    y2 = _tc_post1(acc1, xs16, degp, w1p, b1.reshape(1, 32),
                   ln1_w.reshape(1, 32), ln1_b.reshape(1, 32), a1.reshape(1, 1))
    acc2 = _sc_agg16(ep, y2, z16)
    return _tc_post2(acc2, y2, degp, batr, W2, b2.reshape(1, 32),
                     ln2_w.reshape(1, 32), ln2_b.reshape(1, 32), a2.reshape(1, 1),
                     mW1, mb1.reshape(1, 16), mln_w.reshape(1, 16),
                     mln_b.reshape(1, 16), ma.reshape(1, 1), mW2, mb2.reshape(1, 10))

# --- scband reference (transcript-rebuilt; emitter-appended) ---
"""Pipeline reference for scband-gcn-10282151707324 (READ-ONLY COPY).

The authoritative reference and input builder live on the scoring server;
editing this copy changes nothing except your own understanding.
"""

import jax, jax.numpy as jnp
import numpy as np

N = 100000
E = 1600000
IN = 3
HID = 32
OUT = 10
G = 64


def _prelu(x, a):
    return jnp.maximum(x, 0.0) + a * jnp.minimum(x, 0.0)


def _layer_norm(x, w, b, eps=1e-5):
    mu = jnp.mean(x, axis=-1, keepdims=True)
    var = jnp.var(x, axis=-1, keepdims=True)
    return (x - mu) / jnp.sqrt(var + eps) * w + b


def _gcn_conv(x, edge_index, W, b, num_nodes):
    # GCNConv with add_self_loops=True, symmetric normalization, bias
    src = edge_index[0]
    dst = edge_index[1]
    loop = jnp.arange(num_nodes, dtype=src.dtype)
    src = jnp.concatenate([src, loop])
    dst = jnp.concatenate([dst, loop])
    deg = jnp.zeros((num_nodes,), dtype=jnp.float32).at[dst].add(1.0)
    dinv = jnp.where(deg > 0, 1.0 / jnp.sqrt(deg), 0.0)
    norm = dinv[src] * dinv[dst]
    h = x @ W
    msg = h[src] * norm[:, None]
    out = jnp.zeros((num_nodes, h.shape[1]), dtype=h.dtype).at[dst].add(msg)
    return out + b


def setup_inputs(seed: int = 0):
    key = jax.random.key(seed)
    ks = jax.random.split(key, 24)
    inp = {}
    inp['x'] = jax.random.normal(ks[0], (N, IN), dtype=jnp.float32)
    inp['edge_index'] = jax.random.randint(ks[1], (2, E), 0, N, dtype=jnp.int32)
    inp['batch'] = jnp.sort(jax.random.randint(ks[2], (N,), 0, G, dtype=jnp.int32))
    # conv1 block params
    inp['W1'] = jax.random.normal(ks[3], (IN, HID), dtype=jnp.float32) * (1.0 / np.sqrt(IN))
    inp['b1'] = jnp.zeros((HID,), dtype=jnp.float32)
    inp['ln1_w'] = jnp.ones((HID,), dtype=jnp.float32)
    inp['ln1_b'] = jnp.zeros((HID,), dtype=jnp.float32)
    inp['a1'] = jnp.asarray(0.25, dtype=jnp.float32)
    # conv2 block params
    inp['W2'] = jax.random.normal(ks[4], (HID, HID), dtype=jnp.float32) * (1.0 / np.sqrt(HID))
    inp['b2'] = jnp.zeros((HID,), dtype=jnp.float32)
    inp['ln2_w'] = jnp.ones((HID,), dtype=jnp.float32)
    inp['ln2_b'] = jnp.zeros((HID,), dtype=jnp.float32)
    inp['a2'] = jnp.asarray(0.25, dtype=jnp.float32)
    # MLP classifier params (HID -> HID//2 -> OUT)
    inp['mW1'] = jax.random.normal(ks[5], (HID, HID // 2), dtype=jnp.float32) * (1.0 / np.sqrt(HID))
    inp['mb1'] = jnp.zeros((HID // 2,), dtype=jnp.float32)
    inp['mln_w'] = jnp.ones((HID // 2,), dtype=jnp.float32)
    inp['mln_b'] = jnp.zeros((HID // 2,), dtype=jnp.float32)
    inp['ma'] = jnp.asarray(0.25, dtype=jnp.float32)
    inp['mW2'] = jax.random.normal(ks[6], (HID // 2, OUT), dtype=jnp.float32) * (1.0 / np.sqrt(HID // 2))
    inp['mb2'] = jnp.zeros((OUT,), dtype=jnp.float32)
    return inp


def reference(x, edge_index, batch, W1, b1, ln1_w, ln1_b, a1, W2, b2, ln2_w, ln2_b, a2, mW1, mb1, mln_w, mln_b, ma, mW2, mb2):
    h = _gcn_conv(x, edge_index, W1, b1, N)
    h = _prelu(_layer_norm(h, ln1_w, ln1_b), a1)
    h = _gcn_conv(h, edge_index, W2, b2, N)
    h = _prelu(_layer_norm(h, ln2_w, ln2_b), a2)
    # global mean pool over graphs
    sums = jax.ops.segment_sum(h, batch, num_segments=G)
    cnt = jax.ops.segment_sum(jnp.ones((N, 1), dtype=jnp.float32), batch, num_segments=G)
    pooled = sums / jnp.maximum(cnt, 1.0)
    # MLP classifier
    z = pooled @ mW1 + mb1
    z = _prelu(_layer_norm(z, mln_w, mln_b), ma)
    z = z @ mW2 + mb2
    return z

if __name__ == "__main__":
    import jax
    _d = setup_inputs()
    print(jax.jit(kernel)(*tuple(_d.values())))

</pallas_src>

<mosaic_0001>
#map = affine_map<(d0, d1) -> (0, 0, 0)>
#map1 = affine_map<(d0, d1) -> (0, 0)>
module attributes {stable_mosaic.version = 14 : i64} {
  func.func @_agg1_body(%arg0: i32, %arg1: i32, %arg2: memref<2x12544x128xi32, #tpu.memory_space<hbm>>, %arg3: memref<100352x16xf32, #tpu.memory_space<hbm>>, %arg4: memref<100352x16xf32, #tpu.memory_space<hbm>>, %arg5: memref<2x100352x16xf32, #tpu.memory_space<hbm>>, %arg6: memref<4x128xi32, #tpu.memory_space<vmem>>, %arg7: memref<4x128xi32, #tpu.memory_space<vmem>>, %arg8: memref<4x128xi32, #tpu.memory_space<vmem>>, %arg9: memref<4x128xi32, #tpu.memory_space<vmem>>, %arg10: memref<512x16xf32, #tpu.memory_space<vmem>>, %arg11: memref<512x16xf32, #tpu.memory_space<vmem>>, %arg12: memref<100352x16xf32, #tpu.memory_space<vmem_shared>>, %arg13: memref<!tpu.dma_semaphore, #tpu.memory_space<semaphore_mem>>, %arg14: memref<!tpu.dma_semaphore, #tpu.memory_space<semaphore_mem>>, %arg15: memref<!tpu.dma_semaphore, #tpu.memory_space<semaphore_mem>>, %arg16: memref<!tpu.dma_semaphore, #tpu.memory_space<semaphore_mem>>) attributes {dimension_semantics = [#tpu.dimension_semantics<core_parallel>, #tpu.dimension_semantics<subcore_parallel>], iteration_bounds = array<i64: 2, 16>, scalar_prefetch = 0 : i64, scratch_operands = 11 : i64, tpu.core_type = #tpu.core_type<sc_vector_subcore>, window_params = [{transform_indices = #map}, {transform_indices = #map1}, {transform_indices = #map1}, {transform_indices = #map}]} {
    %mul3A = arith.constant 6272 : i32
    %mul3A_0 = arith.muli %arg1, %mul3A : i32
    "tpu.region"() ({
      %run_scoped3A = tpu.sem_alloc : memref<!tpu.dma_semaphore, #tpu.memory_space<semaphore_mem>>
      %dma_start3A = arith.constant 0 : i32
      %dma_start3A_10 = tpu.memref_slice %arg12[%mul3A_0, %dma_start3A] : memref<100352x16xf32, #tpu.memory_space<vmem_shared>> -> memref<6272x16xf32, #tpu.memory_space<vmem_shared>>
      %dma_start3A_11 = arith.constant 0 : i32
      %dma_start3A_12 = tpu.memref_slice %arg4[%mul3A_0, %dma_start3A_11] : memref<100352x16xf32, #tpu.memory_space<hbm>> -> memref<6272x16xf32, #tpu.memory_space<hbm>>
      tpu.enqueue_dma source(%dma_start3A_12 : memref<6272x16xf32, #tpu.memory_space<hbm>>) target(%dma_start3A_10 : memref<6272x16xf32, #tpu.memory_space<vmem_shared>>) target_semaphore(%run_scoped3A : memref<!tpu.dma_semaphore, #tpu.memory_space<semaphore_mem>>)
      %dma_wait3A = arith.constant 0 : i32
      %dma_wait3A_13 = tpu.memref_slice %arg12[%mul3A_0, %dma_wait3A] : memref<100352x16xf32, #tpu.memory_space<vmem_shared>> -> memref<6272x16xf32, #tpu.memory_space<vmem_shared>>
      %dma_wait3A_14 = arith.constant 0 : i32
      %dma_wait3A_15 = tpu.memref_slice %arg4[%mul3A_0, %dma_wait3A_14] : memref<100352x16xf32, #tpu.memory_space<hbm>> -> memref<6272x16xf32, #tpu.memory_space<hbm>>
      tpu.wait_dma2 semaphore(%run_scoped3A : memref<!tpu.dma_semaphore, #tpu.memory_space<semaphore_mem>>) src(%dma_wait3A_15 : memref<6272x16xf32, #tpu.memory_space<hbm>>) dst(%dma_wait3A_13 : memref<6272x16xf32, #tpu.memory_space<vmem_shared>>)
      tpu.yield
    }) : () -> ()
    %barrier3A = arith.constant 0 : index
    tpu.barrier barrier_id(%barrier3A)
    %mul3A_1 = arith.constant 6272 : i32
    %mul3A_2 = arith.muli %arg0, %mul3A_1 : i32
    %mul3A_3 = arith.constant 392 : i32
    %mul3A_4 = arith.muli %arg1, %mul3A_3 : i32
    %add3A = arith.addi %mul3A_2, %mul3A_4 : i32
    %scan3A = arith.constant 0 : i32
    %scan3A_5 = arith.constant 49 : i32
    %scan3A_6 = arith.addi %scan3A, %scan3A_5 : i32
    %scan3A_7 = arith.constant 1 : i32
    scf.for %scan3A_10 = %scan3A to %scan3A_6 step %scan3A_7  : i32 {
      %mul3A_11 = arith.constant 8 : i32
      %mul3A_12 = arith.muli %scan3A_10, %mul3A_11 : i32
      %add3A_13 = arith.constant 0 : i32
      %add3A_14 = arith.addi %add3A_13, %mul3A_12 : i32
      %add3A_15 = arith.addi %add3A, %add3A_14 : i32
      %add3A_16 = arith.addi %add3A, %add3A_14 : i32
      %add3A_17 = arith.constant 4 : i32
      %add3A_18 = arith.addi %add3A_16, %add3A_17 : i32
      %dma_start3A = arith.constant 0 : i32
      %dma_start3A_19 = arith.constant 0 : i32
      %dma_start3A_20 = tpu.memref_slice %arg2[%dma_start3A, %add3A_15, %dma_start3A_19] : memref<2x12544x128xi32, #tpu.memory_space<hbm>> -> memref<1x4x128xi32, #tpu.memory_space<hbm>>
      %dma_start3A_21 = tpu.memref_squeeze %dma_start3A_20 : memref<1x4x128xi32, #tpu.memory_space<hbm>> -> memref<4x128xi32, #tpu.memory_space<hbm>>
      %dma_start3A_22 = arith.constant 0 : i32
      %dma_start3A_23 = tpu.memref_slice %arg2[%dma_start3A, %add3A_15, %dma_start3A_22] : memref<2x12544x128xi32, #tpu.memory_space<hbm>> -> memref<1x4x128xi32, #tpu.memory_space<hbm>>
      %dma_start3A_24 = tpu.memref_squeeze %dma_start3A_23 : memref<1x4x128xi32, #tpu.memory_space<hbm>> -> memref<4x128xi32, #tpu.memory_space<hbm>>
      tpu.enqueue_dma source(%dma_start3A_24 : memref<4x128xi32, #tpu.memory_space<hbm>>) target(%arg6 : memref<4x128xi32, #tpu.memory_space<vmem>>) target_semaphore(%arg13 : memref<!tpu.dma_semaphore, #tpu.memory_space<semaphore_mem>>)
      %dma_start3A_25 = arith.constant 1 : i32
      %dma_start3A_26 = arith.constant 0 : i32
      %dma_start3A_27 = tpu.memref_slice %arg2[%dma_start3A_25, %add3A_15, %dma_start3A_26] : memref<2x12544x128xi32, #tpu.memory_space<hbm>> -> memref<1x4x128xi32, #tpu.memory_space<hbm>>
      %dma_start3A_28 = tpu.memref_squeeze %dma_start3A_27 : memref<1x4x128xi32, #tpu.memory_space<hbm>> -> memref<4x128xi32, #tpu.memory_space<hbm>>
      %dma_start3A_29 = arith.constant 0 : i32
      %dma_start3A_30 = tpu.memref_slice %arg2[%dma_start3A_25, %add3A_15, %dma_start3A_29] : memref<2x12544x128xi32, #tpu.memory_space<hbm>> -> memref<1x4x128xi32, #tpu.memory_space<hbm>>
      %dma_start3A_31 = tpu.memref_squeeze %dma_start3A_30 : memref<1x4x128xi32, #tpu.memory_space<hbm>> -> memref<4x128xi32, #tpu.memory_space<hbm>>
      tpu.enqueue_dma source(%dma_start3A_31 : memref<4x128xi32, #tpu.memory_space<hbm>>) target(%arg7 : memref<4x128xi32, #tpu.memory_space<vmem>>) target_semaphore(%arg13 : memref<!tpu.dma_semaphore, #tpu.memory_space<semaphore_mem>>)
      %dma_start3A_32 = arith.constant 0 : i32
      %dma_start3A_33 = arith.constant 0 : i32
      %dma_start3A_34 = tpu.memref_slice %arg2[%dma_start3A_32, %add3A_18, %dma_start3A_33] : memref<2x12544x128xi32, #tpu.memory_space<hbm>> -> memref<1x4x128xi32, #tpu.memory_space<hbm>>
      %dma_start3A_35 = tpu.memref_squeeze %dma_start3A_34 : memref<1x4x128xi32, #tpu.memory_space<hbm>> -> memref<4x128xi32, #tpu.memory_space<hbm>>
      %dma_start3A_36 = arith.constant 0 : i32
      %dma_start3A_37 = tpu.memref_slice %arg2[%dma_start3A_32, %add3A_18, %dma_start3A_36] : memref<2x12544x128xi32, #tpu.memory_space<hbm>> -> memref<1x4x128xi32, #tpu.memory_space<hbm>>
      %dma_start3A_38 = tpu.memref_squeeze %dma_start3A_37 : memref<1x4x128xi32, #tpu.memory_space<hbm>> -> memref<4x128xi32, #tpu.memory_space<hbm>>
      tpu.enqueue_dma source(%dma_start3A_38 : memref<4x128xi32, #tpu.memory_space<hbm>>) target(%arg8 : memref<4x128xi32, #tpu.memory_space<vmem>>) target_semaphore(%arg14 : memref<!tpu.dma_semaphore, #tpu.memory_space<semaphore_mem>>)
      %dma_start3A_39 = arith.constant 1 : i32
      %dma_start3A_40 = arith.constant 0 : i32
      %dma_start3A_41 = tpu.memref_slice %arg2[%dma_start3A_39, %add3A_18, %dma_start3A_40] : memref<2x12544x128xi32, #tpu.memory_space<hbm>> -> memref<1x4x128xi32, #tpu.memory_space<hbm>>
      %dma_start3A_42 = tpu.memref_squeeze %dma_start3A_41 : memref<1x4x128xi32, #tpu.memory_space<hbm>> -> memref<4x128xi32, #tpu.memory_space<hbm>>
      %dma_start3A_43 = arith.constant 0 : i32
      %dma_start3A_44 = tpu.memref_slice %arg2[%dma_start3A_39, %add3A_18, %dma_start3A_43] : memref<2x12544x128xi32, #tpu.memory_space<hbm>> -> memref<1x4x128xi32, #tpu.memory_space<hbm>>
      %dma_start3A_45 = tpu.memref_squeeze %dma_start3A_44 : memref<1x4x128xi32, #tpu.memory_space<hbm>> -> memref<4x128xi32, #tpu.memory_space<hbm>>
      tpu.enqueue_dma source(%dma_start3A_45 : memref<4x128xi32, #tpu.memory_space<hbm>>) target(%arg9 : memref<4x128xi32, #tpu.memory_space<vmem>>) target_semaphore(%arg14 : memref<!tpu.dma_semaphore, #tpu.memory_space<semaphore_mem>>)
      %dma_wait3A = arith.constant 0 : i32
      %dma_wait3A_46 = arith.constant 0 : i32
      %dma_wait3A_47 = tpu.memref_slice %arg2[%dma_wait3A, %add3A_15, %dma_wait3A_46] : memref<2x12544x128xi32, #tpu.memory_space<hbm>> -> memref<1x4x128xi32, #tpu.memory_space<hbm>>
      %dma_wait3A_48 = tpu.memref_squeeze %dma_wait3A_47 : memref<1x4x128xi32, #tpu.memory_space<hbm>> -> memref<4x128xi32, #tpu.memory_space<hbm>>
      %dma_wait3A_49 = arith.constant 0 : i32
      %dma_wait3A_50 = tpu.memref_slice %arg2[%dma_wait3A, %add3A_15, %dma_wait3A_49] : memref<2x12544x128xi32, #tpu.memory_space<hbm>> -> memref<1x4x128xi32, #tpu.memory_space<hbm>>
      %dma_wait3A_51 = tpu.memref_squeeze %dma_wait3A_50 : memref<1x4x128xi32, #tpu.memory_space<hbm>> -> memref<4x128xi32, #tpu.memory_space<hbm>>
      tpu.wait_dma2 semaphore(%arg13 : memref<!tpu.dma_semaphore, #tpu.memory_space<semaphore_mem>>) src(%dma_wait3A_51 : memref<4x128xi32, #tpu.memory_space<hbm>>) dst(%arg6 : memref<4x128xi32, #tpu.memory_space<vmem>>)
      %dma_start3A_52 = arith.constant 0 : i32
      %dma_start3A_53 = arith.constant 0 : i32
      %dma_start3A_54 = arith.constant 0 : i32
      %dma_start3A_55 = tpu.memref_slice %arg10[%dma_start3A_53, %dma_start3A_54] : memref<512x16xf32, #tpu.memory_space<vmem>> -> memref<128x16xf32, #tpu.memory_space<vmem>>
      %dma_start3A_56 = arith.constant 0 : i32
      %dma_start3A_57 = tpu.memref_slice %arg6[%dma_start3A_52, %dma_start3A_56] : memref<4x128xi32, #tpu.memory_space<vmem>> -> memref<1x128xi32, #tpu.memory_space<vmem>>
      %dma_start3A_58 = tpu.memref_squeeze %dma_start3A_57 : memref<1x128xi32, #tpu.memory_space<vmem>> -> memref<128xi32, #tpu.memory_space<vmem>>
      %dma_start3A_59 = arith.constant 0 : i32
      %dma_start3A_60 = arith.constant 0 : i32
      %dma_start3A_61 = tpu.memref_slice %arg3[%dma_start3A_59, %dma_start3A_60] : memref<100352x16xf32, #tpu.memory_space<hbm>> -> memref<100352x16xf32, #tpu.memory_space<hbm>>
      tpu.enqueue_indirect_dma source(%dma_start3A_61 : memref<100352x16xf32, #tpu.memory_space<hbm>>) target(%dma_start3A_55 : memref<128x16xf32, #tpu.memory_space<vmem>>) offsets(%dma_start3A_58 : memref<128xi32, #tpu.memory_space<vmem>>) semaphore(%arg15 : memref<!tpu.dma_semaphore, #tpu.memory_space<semaphore_mem>>)
      %dma_start3A_62 = arith.constant 1 : i32
      %dma_start3A_63 = arith.constant 128 : i32
      %dma_start3A_64 = arith.constant 0 : i32
      %dma_start3A_65 = tpu.memref_slice %arg10[%dma_start3A_63, %dma_start3A_64] : memref<512x16xf32, #tpu.memory_space<vmem>> -> memref<128x16xf32, #tpu.memory_space<vmem>>
      %dma_start3A_66 = arith.constant 0 : i32
      %dma_start3A_67 = tpu.memref_slice %arg6[%dma_start3A_62, %dma_start3A_66] : memref<4x128xi32, #tpu.memory_space<vmem>> -> memref<1x128xi32, #tpu.memory_space<vmem>>
      %dma_start3A_68 = tpu.memref_squeeze %dma_start3A_67 : memref<1x128xi32, #tpu.memory_space<vmem>> -> memref<128xi32, #tpu.memory_space<vmem>>
      %dma_start3A_69 = arith.constant 0 : i32
      %dma_start3A_70 = arith.constant 0 : i32
      %dma_start3A_71 = tpu.memref_slice %arg3[%dma_start3A_69, %dma_start3A_70] : memref<100352x16xf32, #tpu.memory_space<hbm>> -> memref<100352x16xf32, #tpu.memory_space<hbm>>
      tpu.enqueue_indirect_dma source(%dma_start3A_71 : memref<100352x16xf32, #tpu.memory_space<hbm>>) target(%dma_start3A_65 : memref<128x16xf32, #tpu.memory_space<vmem>>) offsets(%dma_start3A_68 : memref<128xi32, #tpu.memory_space<vmem>>) semaphore(%arg15 : memref<!tpu.dma_semaphore, #tpu.memory_space<semaphore_mem>>)
      %dma_start3A_72 = arith.constant 2 : i32
      %dma_start3A_73 = arith.constant 256 : i32
      %dma_start3A_74 = arith.constant 0 : i32
      %dma_start3A_75 = tpu.memref_slice %arg10[%dma_start3A_73, %dma_start3A_74] : memref<512x16xf32, #tpu.memory_space<vmem>> -> memref<128x16xf32, #tpu.memory_space<vmem>>
      %dma_start3A_76 = arith.constant 0 : i32
      %dma_start3A_77 = tpu.memref_slice %arg6[%dma_start3A_72, %dma_start3A_76] : memref<4x128xi32, #tpu.memory_space<vmem>> -> memref<1x128xi32, #tpu.memory_space<vmem>>
      %dma_start3A_78 = tpu.memref_squeeze %dma_start3A_77 : memref<1x128xi32, #tpu.memory_space<vmem>> -> memref<128xi32, #tpu.memory_space<vmem>>
      %dma_start3A_79 = arith.constant 0 : i32
      %dma_start3A_80 = arith.constant 0 : i32
      %dma_start3A_81 = tpu.memref_slice %arg3[%dma_start3A_79, %dma_start3A_80] : memref<100352x16xf32, #tpu.memory_space<hbm>> -> memref<100352x16xf32, #tpu.memory_space<hbm>>
      tpu.enqueue_indirect_dma source(%dma_start3A_81 : memref<100352x16xf32, #tpu.memory_space<hbm>>) target(%dma_start3A_75 : memref<128x16xf32, #tpu.memory_space<vmem>>) offsets(%dma_start3A_78 : memref<128xi32, #tpu.memory_space<vmem>>) semaphore(%arg15 : memref<!tpu.dma_semaphore, #tpu.memory_space<semaphore_mem>>)
      %dma_start3A_82 = arith.constant 3 : i32
      %dma_start3A_83 = arith.constant 384 : i32
      %dma_start3A_84 = arith.constant 0 : i32
      %dma_start3A_85 = tpu.memref_slice %arg10[%dma_start3A_83, %dma_start3A_84] : memref<512x16xf32, #tpu.memory_space<vmem>> -> memref<128x16xf32, #tpu.memory_space<vmem>>
      %dma_start3A_86 = arith.constant 0 : i32
      %dma_start3A_87 = tpu.memref_slice %arg6[%dma_start3A_82, %dma_start3A_86] : memref<4x128xi32, #tpu.memory_space<vmem>> -> memref<1x128xi32, #tpu.memory_space<vmem>>
      %dma_start3A_88 = tpu.memref_squeeze %dma_start3A_87 : memref<1x128xi32, #tpu.memory_space<vmem>> -> memref<128xi32, #tpu.memory_space<vmem>>
      %dma_start3A_89 = arith.constant 0 : i32
      %dma_start3A_90 = arith.constant 0 : i32
      %dma_start3A_91 = tpu.memref_slice %arg3[%dma_start3A_89, %dma_start3A_90] : memref<100352x16xf32, #tpu.memory_space<hbm>> -> memref<100352x16xf32, #tpu.memory_space<hbm>>
      tpu.enqueue_indirect_dma source(%dma_start3A_91 : memref<100352x16xf32, #tpu.memory_space<hbm>>) target(%dma_start3A_85 : memref<128x16xf32, #tpu.memory_space<vmem>>) offsets(%dma_start3A_88 : memref<128xi32, #tpu.memory_space<vmem>>) semaphore(%arg15 : memref<!tpu.dma_semaphore, #tpu.memory_space<semaphore_mem>>)
      %dma_wait3A_92 = arith.constant 1 : i32
      %dma_wait3A_93 = arith.constant 0 : i32
      %dma_wait3A_94 = tpu.memref_slice %arg2[%dma_wait3A_92, %add3A_15, %dma_wait3A_93] : memref<2x12544x128xi32, #tpu.memory_space<hbm>> -> memref<1x4x128xi32, #tpu.memory_space<hbm>>
      %dma_wait3A_95 = tpu.memref_squeeze %dma_wait3A_94 : memref<1x4x128xi32, #tpu.memory_space<hbm>> -> memref<4x128xi32, #tpu.memory_space<hbm>>
      %dma_wait3A_96 = arith.constant 0 : i32
      %dma_wait3A_97 = tpu.memref_slice %arg2[%dma_wait3A_92, %add3A_15, %dma_wait3A_96] : memref<2x12544x128xi32, #tpu.memory_space<hbm>> -> memref<1x4x128xi32, #tpu.memory_space<hbm>>
      %dma_wait3A_98 = tpu.memref_squeeze %dma_wait3A_97 : memref<1x4x128xi32, #tpu.memory_space<hbm>> -> memref<4x128xi32, #tpu.memory_space<hbm>>
      tpu.wait_dma2 semaphore(%arg13 : memref<!tpu.dma_semaphore, #tpu.memory_space<semaphore_mem>>) src(%dma_wait3A_98 : memref<4x128xi32, #tpu.memory_space<hbm>>) dst(%arg7 : memref<4x128xi32, #tpu.memory_space<vmem>>)
      %dma_wait3A_99 = arith.constant 0 : i32
      %dma_wait3A_100 = arith.constant 0 : i32
      %dma_wait3A_101 = arith.constant 0 : i32
      %dma_wait3A_102 = tpu.memref_slice %arg10[%dma_wait3A_100, %dma_wait3A_101] : memref<512x16xf32, #tpu.memory_space<vmem>> -> memref<128x16xf32, #tpu.memory_space<vmem>>
      %dma_wait3A_103 = arith.constant 0 : i32
      %dma_wait3A_104 = tpu.memref_slice %arg6[%dma_wait3A_99, %dma_wait3A_103] : memref<4x128xi32, #tpu.memory_space<vmem>> -> memref<1x128xi32, #tpu.memory_space<vmem>>
      %dma_wait3A_105 = tpu.memref_squeeze %dma_wait3A_104 : memref<1x128xi32, #tpu.memory_space<vmem>> -> memref<128xi32, #tpu.memory_space<vmem>>
      %dma_wait3A_106 = arith.constant 0 : i32
      %dma_wait3A_107 = arith.constant 0 : i32
      %dma_wait3A_108 = tpu.memref_slice %arg3[%dma_wait3A_106, %dma_wait3A_107] : memref<100352x16xf32, #tpu.memory_space<hbm>> -> memref<100352x16xf32, #tpu.memory_space<hbm>>
      tpu.wait_indirect_dma semaphore(%arg15 : memref<!tpu.dma_semaphore, #tpu.memory_space<semaphore_mem>>) src(%dma_wait3A_108 : memref<100352x16xf32, #tpu.memory_space<hbm>>) dst(%dma_wait3A_102 : memref<128x16xf32, #tpu.memory_space<vmem>>)
      %dma_wait3A_109 = arith.constant 1 : i32
      %dma_wait3A_110 = arith.constant 128 : i32
      %dma_wait3A_111 = arith.constant 0 : i32
      %dma_wait3A_112 = tpu.memref_slice %arg10[%dma_wait3A_110, %dma_wait3A_111] : memref<512x16xf32, #tpu.memory_space<vmem>> -> memref<128x16xf32, #tpu.memory_space<vmem>>
      %dma_wait3A_113 = arith.constant 0 : i32
      %dma_wait3A_114 = tpu.memref_slice %arg6[%dma_wait3A_109, %dma_wait3A_113] : memref<4x128xi32, #tpu.memory_space<vmem>> -> memref<1x128xi32, #tpu.memory_space<vmem>>
      %dma_wait3A_115 = tpu.memref_squeeze %dma_wait3A_114 : memref<1x128xi32, #tpu.memory_space<vmem>> -> memref<128xi32, #tpu.memory_space<vmem>>
      %dma_wait3A_116 = arith.constant 0 : i32
      %dma_wait3A_117 = arith.constant 0 : i32
      %dma_wait3A_118 = tpu.memref_slice %arg3[%dma_wait3A_116, %dma_wait3A_117] : memref<100352x16xf32, #tpu.memory_space<hbm>> -> memref<100352x16xf32, #tpu.memory_space<hbm>>
      tpu.wait_indirect_dma semaphore(%arg15 : memref<!tpu.dma_semaphore, #tpu.memory_space<semaphore_mem>>) src(%dma_wait3A_118 : memref<100352x16xf32, #tpu.memory_space<hbm>>) dst(%dma_wait3A_112 : memref<128x16xf32, #tpu.memory_space<vmem>>)
      %dma_wait3A_119 = arith.constant 2 : i32
      %dma_wait3A_120 = arith.constant 256 : i32
      %dma_wait3A_121 = arith.constant 0 : i32
      %dma_wait3A_122 = tpu.memref_slice %arg10[%dma_wait3A_120, %dma_wait3A_121] : memref<512x16xf32, #tpu.memory_space<vmem>> -> memref<128x16xf32, #tpu.memory_space<vmem>>
      %dma_wait3A_123 = arith.constant 0 : i32
      %dma_wait3A_124 = tpu.memref_slice %arg6[%dma_wait3A_119, %dma_wait3A_123] : memref<4x128xi32, #tpu.memory_space<vmem>> -> memref<1x128xi32, #tpu.memory_space<vmem>>
      %dma_wait3A_125 = tpu.memref_squeeze %dma_wait3A_124 : memref<1x128xi32, #tpu.memory_space<vmem>> -> memref<128xi32, #tpu.memory_space<vmem>>
      %dma_wait3A_126 = arith.constant 0 : i32
      %dma_wait3A_127 = arith.constant 0 : i32
      %dma_wait3A_128 = tpu.memref_slice %arg3[%dma_wait3A_126, %dma_wait3A_127] : memref<100352x16xf32, #tpu.memory_space<hbm>> -> memref<100352x16xf32, #tpu.memory_space<hbm>>
      tpu.wait_indirect_dma semaphore(%arg15 : memref<!tpu.dma_semaphore, #tpu.memory_space<semaphore_mem>>) src(%dma_wait3A_128 : memref<100352x16xf32, #tpu.memory_space<hbm>>) dst(%dma_wait3A_122 : memref<128x16xf32, #tpu.memory_space<vmem>>)
      %dma_wait3A_129 = arith.constant 3 : i32
      %dma_wait3A_130 = arith.constant 384 : i32
      %dma_wait3A_131 = arith.constant 0 : i32
      %dma_wait3A_132 = tpu.memref_slice %arg10[%dma_wait3A_130, %dma_wait3A_131] : memref<512x16xf32, #tpu.memory_space<vmem>> -> memref<128x16xf32, #tpu.memory_space<vmem>>
      %dma_wait3A_133 = arith.constant 0 : i32
      %dma_wait3A_134 = tpu.memref_slice %arg6[%dma_wait3A_129, %dma_wait3A_133] : memref<4x128xi32, #tpu.memory_space<vmem>> -> memref<1x128xi32, #tpu.memory_space<vmem>>
      %dma_wait3A_135 = tpu.memref_squeeze %dma_wait3A_134 : memref<1x128xi32, #tpu.memory_space<vmem>> -> memref<128xi32, #tpu.memory_space<vmem>>
      %dma_wait3A_136 = arith.constant 0 : i32
      %dma_wait3A_137 = arith.constant 0 : i32
      %dma_wait3A_138 = tpu.memref_slice %arg3[%dma_wait3A_136, %dma_wait3A_137] : memref<100352x16xf32, #tpu.memory_space<hbm>> -> memref<100352x16xf32, #tpu.memory_space<hbm>>
      tpu.wait_indirect_dma semaphore(%arg15 : memref<!tpu.dma_semaphore, #tpu.memory_space<semaphore_mem>>) src(%dma_wait3A_138 : memref<100352x16xf32, #tpu.memory_space<hbm>>) dst(%dma_wait3A_132 : memref<128x16xf32, #tpu.memory_space<vmem>>)
      %dma_start3A_139 = arith.constant 0 : i32
      %dma_start3A_140 = arith.constant 0 : i32
      %dma_start3A_141 = arith.constant 0 : i32
      %dma_start3A_142 = tpu.memref_slice %arg10[%dma_start3A_140, %dma_start3A_141] : memref<512x16xf32, #tpu.memory_space<vmem>> -> memref<128x16xf32, #tpu.memory_space<vmem>>
      %dma_start3A_143 = arith.constant 0 : i32
      %dma_start3A_144 = tpu.memref_slice %arg7[%dma_start3A_139, %dma_start3A_143] : memref<4x128xi32, #tpu.memory_space<vmem>> -> memref<1x128xi32, #tpu.memory_space<vmem>>
      %dma_start3A_145 = tpu.memref_squeeze %dma_start3A_144 : memref<1x128xi32, #tpu.memory_space<vmem>> -> memref<128xi32, #tpu.memory_space<vmem>>
      %dma_start3A_146 = arith.constant 0 : i32
      %dma_start3A_147 = arith.constant 0 : i32
      %dma_start3A_148 = tpu.memref_slice %arg12[%dma_start3A_146, %dma_start3A_147] : memref<100352x16xf32, #tpu.memory_space<vmem_shared>> -> memref<100352x16xf32, #tpu.memory_space<vmem_shared>>
      tpu.enqueue_indirect_dma source(%dma_start3A_142 : memref<128x16xf32, #tpu.memory_space<vmem>>) target(%dma_start3A_148 : memref<100352x16xf32, #tpu.memory_space<vmem_shared>>) offsets(%dma_start3A_145 : memref<128xi32, #tpu.memory_space<vmem>>) semaphore(%arg13 : memref<!tpu.dma_semaphore, #tpu.memory_space<semaphore_mem>>) {add = true}
      %dma_start3A_149 = arith.constant 1 : i32
      %dma_start3A_150 = arith.constant 128 : i32
      %dma_start3A_151 = arith.constant 0 : i32
      %dma_start3A_152 = tpu.memref_slice %arg10[%dma_start3A_150, %dma_start3A_151] : memref<512x16xf32, #tpu.memory_space<vmem>> -> memref<128x16xf32, #tpu.memory_space<vmem>>
      %dma_start3A_153 = arith.constant 0 : i32
      %dma_start3A_154 = tpu.memref_slice %arg7[%dma_start3A_149, %dma_start3A_153] : memref<4x128xi32, #tpu.memory_space<vmem>> -> memref<1x128xi32, #tpu.memory_space<vmem>>
      %dma_start3A_155 = tpu.memref_squeeze %dma_start3A_154 : memref<1x128xi32, #tpu.memory_space<vmem>> -> memref<128xi32, #tpu.memory_space<vmem>>
      %dma_start3A_156 = arith.constant 0 : i32
      %dma_start3A_157 = arith.constant 0 : i32
      %dma_start3A_158 = tpu.memref_slice %arg12[%dma_start3A_156, %dma_start3A_157] : memref<100352x16xf32, #tpu.memory_space<vmem_shared>> -> memref<100352x16xf32, #tpu.memory_space<vmem_shared>>
      tpu.enqueue_indirect_dma source(%dma_start3A_152 : memref<128x16xf32, #tpu.memory_space<vmem>>) target(%dma_start3A_158 : memref<100352x16xf32, #tpu.memory_space<vmem_shared>>) offsets(%dma_start3A_155 : memref<128xi32, #tpu.memory_space<vmem>>) semaphore(%arg13 : memref<!tpu.dma_semaphore, #tpu.memory_space<semaphore_mem>>) {add = true}
      %dma_start3A_159 = arith.constant 2 : i32
      %dma_start3A_160 = arith.constant 256 : i32
      %dma_start3A_161 = arith.constant 0 : i32
      %dma_start3A_162 = tpu.memref_slice %arg10[%dma_start3A_160, %dma_start3A_161] : memref<512x16xf32, #tpu.memory_space<vmem>> -> memref<128x16xf32, #tpu.memory_space<vmem>>
      %dma_start3A_163 = arith.constant 0 : i32
      %dma_start3A_164 = tpu.memref_slice %arg7[%dma_start3A_159, %dma_start3A_163] : memref<4x128xi32, #tpu.memory_space<vmem>> -> memref<1x128xi32, #tpu.memory_space<vmem>>
      %dma_start3A_165 = tpu.memref_squeeze %dma_start3A_164 : memref<1x128xi32, #tpu.memory_space<vmem>> -> memref<128xi32, #tpu.memory_space<vmem>>
      %dma_start3A_166 = arith.constant 0 : i32
      %dma_start3A_167 = arith.constant 0 : i32
      %dma_start3A_168 = tpu.memref_slice %arg12[%dma_start3A_166, %dma_start3A_167] : memref<100352x16xf32, #tpu.memory_space<vmem_shared>> -> memref<100352x16xf32, #tpu.memory_space<vmem_shared>>
      tpu.enqueue_indirect_dma source(%dma_start3A_162 : memref<128x16xf32, #tpu.memory_space<vmem>>) target(%dma_start3A_168 : memref<100352x16xf32, #tpu.memory_space<vmem_shared>>) offsets(%dma_start3A_165 : memref<128xi32, #tpu.memory_space<vmem>>) semaphore(%arg13 : memref<!tpu.dma_semaphore, #tpu.memory_space<semaphore_mem>>) {add = true}
      %dma_start3A_169 = arith.constant 3 : i32
      %dma_start3A_170 = arith.constant 384 : i32
      %dma_start3A_171 = arith.constant 0 : i32
      %dma_start3A_172 = tpu.memref_slice %arg10[%dma_start3A_170, %dma_start3A_171] : memref<512x16xf32, #tpu.memory_space<vmem>> -> memref<128x16xf32, #tpu.memory_space<vmem>>
      %dma_start3A_173 = arith.constant 0 : i32
      %dma_start3A_174 = tpu.memref_slice %arg7[%dma_start3A_169, %dma_start3A_173] : memref<4x128xi32, #tpu.memory_space<vmem>> -> memref<1x128xi32, #tpu.memory_space<vmem>>
      %dma_start3A_175 = tpu.memref_squeeze %dma_start3A_174 : memref<1x128xi32, #tpu.memory_space<vmem>> -> memref<128xi32, #tpu.memory_space<vmem>>
      %dma_start3A_176 = arith.constant 0 : i32
      %dma_start3A_177 = arith.constant 0 : i32
      %dma_start3A_178 = tpu.memref_slice %arg12[%dma_start3A_176, %dma_start3A_177] : memref<100352x16xf32, #tpu.memory_space<vmem_shared>> -> memref<100352x16xf32, #tpu.memory_space<vmem_shared>>
      tpu.enqueue_indirect_dma source(%dma_start3A_172 : memref<128x16xf32, #tpu.memory_space<vmem>>) target(%dma_start3A_178 : memref<100352x16xf32, #tpu.memory_space<vmem_shared>>) offsets(%dma_start3A_175 : memref<128xi32, #tpu.memory_space<vmem>>) semaphore(%arg13 : memref<!tpu.dma_semaphore, #tpu.memory_space<semaphore_mem>>) {add = true}
      %dma_wait3A_179 = arith.constant 0 : i32
      %dma_wait3A_180 = arith.constant 0 : i32
      %dma_wait3A_181 = tpu.memref_slice %arg2[%dma_wait3A_179, %add3A_18, %dma_wait3A_180] : memref<2x12544x128xi32, #tpu.memory_space<hbm>> -> memref<1x4x128xi32, #tpu.memory_space<hbm>>
      %dma_wait3A_182 = tpu.memref_squeeze %dma_wait3A_181 : memref<1x4x128xi32, #tpu.memory_space<hbm>> -> memref<4x128xi32, #tpu.memory_space<hbm>>
      %dma_wait3A_183 = arith.constant 0 : i32
      %dma_wait3A_184 = tpu.memref_slice %arg2[%dma_wait3A_179, %add3A_18, %dma_wait3A_183] : memref<2x12544x128xi32, #tpu.memory_space<hbm>> -> memref<1x4x128xi32, #tpu.memory_space<hbm>>
      %dma_wait3A_185 = tpu.memref_squeeze %dma_wait3A_184 : memref<1x4x128xi32, #tpu.memory_space<hbm>> -> memref<4x128xi32, #tpu.memory_space<hbm>>
      tpu.wait_dma2 semaphore(%arg14 : memref<!tpu.dma_semaphore, #tpu.memory_space<semaphore_mem>>) src(%dma_wait3A_185 : memref<4x128xi32, #tpu.memory_space<hbm>>) dst(%arg8 : memref<4x128xi32, #tpu.memory_space<vmem>>)
      %dma_start3A_186 = arith.constant 0 : i32
      %dma_start3A_187 = arith.constant 0 : i32
      %dma_start3A_188 = arith.constant 0 : i32
      %dma_start3A_189 = tpu.memref_slice %arg11[%dma_start3A_187, %dma_start3A_188] : memref<512x16xf32, #tpu.memory_space<vmem>> -> memref<128x16xf32, #tpu.memory_space<vmem>>
      %dma_start3A_190 = arith.constant 0 : i32
      %dma_start3A_191 = tpu.memref_slice %arg8[%dma_start3A_186, %dma_start3A_190] : memref<4x128xi32, #tpu.memory_space<vmem>> -> memref<1x128xi32, #tpu.memory_space<vmem>>
      %dma_start3A_192 = tpu.memref_squeeze %dma_start3A_191 : memref<1x128xi32, #tpu.memory_space<vmem>> -> memref<128xi32, #tpu.memory_space<vmem>>
      %dma_start3A_193 = arith.constant 0 : i32
      %dma_start3A_194 = arith.constant 0 : i32
      %dma_start3A_195 = tpu.memref_slice %arg3[%dma_start3A_193, %dma_start3A_194] : memref<100352x16xf32, #tpu.memory_space<hbm>> -> memref<100352x16xf32, #tpu.memory_space<hbm>>
      tpu.enqueue_indirect_dma source(%dma_start3A_195 : memref<100352x16xf32, #tpu.memory_space<hbm>>) target(%dma_start3A_189 : memref<128x16xf32, #tpu.memory_space<vmem>>) offsets(%dma_start3A_192 : memref<128xi32, #tpu.memory_space<vmem>>) semaphore(%arg16 : memref<!tpu.dma_semaphore, #tpu.memory_space<semaphore_mem>>)
      %dma_start3A_196 = arith.constant 1 : i32
      %dma_start3A_197 = arith.constant 128 : i32
      %dma_start3A_198 = arith.constant 0 : i32
      %dma_start3A_199 = tpu.memref_slice %arg11[%dma_start3A_197, %dma_start3A_198] : memref<512x16xf32, #tpu.memory_space<vmem>> -> memref<128x16xf32, #tpu.memory_space<vmem>>
      %dma_start3A_200 = arith.constant 0 : i32
      %dma_start3A_201 = tpu.memref_slice %arg8[%dma_start3A_196, %dma_start3A_200] : memref<4x128xi32, #tpu.memory_space<vmem>> -> memref<1x128xi32, #tpu.memory_space<vmem>>
      %dma_start3A_202 = tpu.memref_squeeze %dma_start3A_201 : memref<1x128xi32, #tpu.memory_space<vmem>> -> memref<128xi32, #tpu.memory_space<vmem>>
      %dma_start3A_203 = arith.constant 0 : i32
      %dma_start3A_204 = arith.constant 0 : i32
      %dma_start3A_205 = tpu.memref_slice %arg3[%dma_start3A_203, %dma_start3A_204] : memref<100352x16xf32, #tpu.memory_space<hbm>> -> memref<100352x16xf32, #tpu.memory_space<hbm>>
      tpu.enqueue_indirect_dma source(%dma_start3A_205 : memref<100352x16xf32, #tpu.memory_space<hbm>>) target(%dma_start3A_199 : memref<128x16xf32, #tpu.memory_space<vmem>>) offsets(%dma_start3A_202 : memref<128xi32, #tpu.memory_space<vmem>>) semaphore(%arg16 : memref<!tpu.dma_semaphore, #tpu.memory_space<semaphore_mem>>)
      %dma_start3A_206 = arith.constant 2 : i32
      %dma_start3A_207 = arith.constant 256 : i32
      %dma_start3A_208 = arith.constant 0 : i32
      %dma_start3A_209 = tpu.memref_slice %arg11[%dma_start3A_207, %dma_start3A_208] : memref<512x16xf32, #tpu.memory_space<vmem>> -> memref<128x16xf32, #tpu.memory_space<vmem>>
      %dma_start3A_210 = arith.constant 0 : i32
      %dma_start3A_211 = tpu.memref_slice %arg8[%dma_start3A_206, %dma_start3A_210] : memref<4x128xi32, #tpu.memory_space<vmem>> -> memref<1x128xi32, #tpu.memory_space<vmem>>
      %dma_start3A_212 = tpu.memref_squeeze %dma_start3A_211 : memref<1x128xi32, #tpu.memory_space<vmem>> -> memref<128xi32, #tpu.memory_space<vmem>>
      %dma_start3A_213 = arith.constant 0 : i32
      %dma_start3A_214 = arith.constant 0 : i32
      %dma_start3A_215 = tpu.memref_slice %arg3[%dma_start3A_213, %dma_start3A_214] : memref<100352x16xf32, #tpu.memory_space<hbm>> -> memref<100352x16xf32, #tpu.memory_space<hbm>>
      tpu.enqueue_indirect_dma source(%dma_start3A_215 : memref<100352x16xf32, #tpu.memory_space<hbm>>) target(%dma_start3A_209 : memref<128x16xf32, #tpu.memory_space<vmem>>) offsets(%dma_start3A_212 : memref<128xi32, #tpu.memory_space<vmem>>) semaphore(%arg16 : memref<!tpu.dma_semaphore, #tpu.memory_space<semaphore_mem>>)
      %dma_start3A_216 = arith.constant 3 : i32
      %dma_start3A_217 = arith.constant 384 : i32
      %dma_start3A_218 = arith.constant 0 : i32
      %dma_start3A_219 = tpu.memref_slice %arg11[%dma_start3A_217, %dma_start3A_218] : memref<512x16xf32, #tpu.memory_space<vmem>> -> memref<128x16xf32, #tpu.memory_space<vmem>>
      %dma_start3A_220 = arith.constant 0 : i32
      %dma_start3A_221 = tpu.memref_slice %arg8[%dma_start3A_216, %dma_start3A_220] : memref<4x128xi32, #tpu.memory_space<vmem>> -> memref<1x128xi32, #tpu.memory_space<vmem>>
      %dma_start3A_222 = tpu.memref_squeeze %dma_start3A_221 : memref<1x128xi32, #tpu.memory_space<vmem>> -> memref<128xi32, #tpu.memory_space<vmem>>
      %dma_start3A_223 = arith.constant 0 : i32
      %dma_start3A_224 = arith.constant 0 : i32
      %dma_start3A_225 = tpu.memref_slice %arg3[%dma_start3A_223, %dma_start3A_224] : memref<100352x16xf32, #tpu.memory_space<hbm>> -> memref<100352x16xf32, #tpu.memory_space<hbm>>
      tpu.enqueue_indirect_dma source(%dma_start3A_225 : memref<100352x16xf32, #tpu.memory_space<hbm>>) target(%dma_start3A_219 : memref<128x16xf32, #tpu.memory_space<vmem>>) offsets(%dma_start3A_222 : memref<128xi32, #tpu.memory_space<vmem>>) semaphore(%arg16 : memref<!tpu.dma_semaphore, #tpu.memory_space<semaphore_mem>>)
      %dma_wait3A_226 = arith.constant 1 : i32
      %dma_wait3A_227 = arith.constant 0 : i32
      %dma_wait3A_228 = tpu.memref_slice %arg2[%dma_wait3A_226, %add3A_18, %dma_wait3A_227] : memref<2x12544x128xi32, #tpu.memory_space<hbm>> -> memref<1x4x128xi32, #tpu.memory_space<hbm>>
      %dma_wait3A_229 = tpu.memref_squeeze %dma_wait3A_228 : memref<1x4x128xi32, #tpu.memory_space<hbm>> -> memref<4x128xi32, #tpu.memory_space<hbm>>
      %dma_wait3A_230 = arith.constant 0 : i32
      %dma_wait3A_231 = tpu.memref_slice %arg2[%dma_wait3A_226, %add3A_18, %dma_wait3A_230] : memref<2x12544x128xi32, #tpu.memory_space<hbm>> -> memref<1x4x128xi32, #tpu.memory_space<hbm>>
      %dma_wait3A_232 = tpu.memref_squeeze %dma_wait3A_231 : memref<1x4x128xi32, #tpu.memory_space<hbm>> -> memref<4x128xi32, #tpu.memory_space<hbm>>
      tpu.wait_dma2 semaphore(%arg14 : memref<!tpu.dma_semaphore, #tpu.memory_space<semaphore_mem>>) src(%dma_wait3A_232 : memref<4x128xi32, #tpu.memory_space<hbm>>) dst(%arg9 : memref<4x128xi32, #tpu.memory_space<vmem>>)
      %dma_wait3A_233 = arith.constant 0 : i32
      %dma_wait3A_234 = arith.constant 0 : i32
      %dma_wait3A_235 = arith.constant 0 : i32
      %dma_wait3A_236 = tpu.memref_slice %arg11[%dma_wait3A_234, %dma_wait3A_235] : memref<512x16xf32, #tpu.memory_space<vmem>> -> memref<128x16xf32, #tpu.memory_space<vmem>>
      %dma_wait3A_237 = arith.constant 0 : i32
      %dma_wait3A_238 = tpu.memref_slice %arg8[%dma_wait3A_233, %dma_wait3A_237] : memref<4x128xi32, #tpu.memory_space<vmem>> -> memref<1x128xi32, #tpu.memory_space<vmem>>
      %dma_wait3A_239 = tpu.memref_squeeze %dma_wait3A_238 : memref<1x128xi32, #tpu.memory_space<vmem>> -> memref<128xi32, #tpu.memory_space<vmem>>
      %dma_wait3A_240 = arith.constant 0 : i32
      %dma_wait3A_241 = arith.constant 0 : i32
      %dma_wait3A_242 = tpu.memref_slice %arg3[%dma_wait3A_240, %dma_wait3A_241] : memref<100352x16xf32, #tpu.memory_space<hbm>> -> memref<100352x16xf32, #tpu.memory_space<hbm>>
      tpu.wait_indirect_dma semaphore(%arg16 : memref<!tpu.dma_semaphore, #tpu.memory_space<semaphore_mem>>) src(%dma_wait3A_242 : memref<100352x16xf32, #tpu.memory_space<hbm>>) dst(%dma_wait3A_236 : memref<128x16xf32, #tpu.memory_space<vmem>>)
      %dma_wait3A_243 = arith.constant 1 : i32
      %dma_wait3A_244 = arith.constant 128 : i32
      %dma_wait3A_245 = arith.constant 0 : i32
      %dma_wait3A_246 = tpu.memref_slice %arg11[%dma_wait3A_244, %dma_wait3A_245] : memref<512x16xf32, #tpu.memory_space<vmem>> -> memref<128x16xf32, #tpu.memory_space<vmem>>
      %dma_wait3A_247 = arith.constant 0 : i32
      %dma_wait3A_248 = tpu.memref_slice %arg8[%dma_wait3A_243, %dma_wait3A_247] : memref<4x128xi32, #tpu.memory_space<vmem>> -> memref<1x128xi32, #tpu.memory_space<vmem>>
      %dma_wait3A_249 = tpu.memref_squeeze %dma_wait3A_248 : memref<1x128xi32, #tpu.memory_space<vmem>> -> memref<128xi32, #tpu.memory_space<vmem>>
      %dma_wait3A_250 = arith.constant 0 : i32
      %dma_wait3A_251 = arith.constant 0 : i32
      %dma_wait3A_252 = tpu.memref_slice %arg3[%dma_wait3A_250, %dma_wait3A_251] : memref<100352x16xf32, #tpu.memory_space<hbm>> -> memref<100352x16xf32, #tpu.memory_space<hbm>>
      tpu.wait_indirect_dma semaphore(%arg16 : memref<!tpu.dma_semaphore, #tpu.memory_space<semaphore_mem>>) src(%dma_wait3A_252 : memref<100352x16xf32, #tpu.memory_space<hbm>>) dst(%dma_wait3A_246 : memref<128x16xf32, #tpu.memory_space<vmem>>)
      %dma_wait3A_253 = arith.constant 2 : i32
      %dma_wait3A_254 = arith.constant 256 : i32
      %dma_wait3A_255 = arith.constant 0 : i32
      %dma_wait3A_256 = tpu.memref_slice %arg11[%dma_wait3A_254, %dma_wait3A_255] : memref<512x16xf32, #tpu.memory_space<vmem>> -> memref<128x16xf32, #tpu.memory_space<vmem>>
      %dma_wait3A_257 = arith.constant 0 : i32
      %dma_wait3A_258 = tpu.memref_slice %arg8[%dma_wait3A_253, %dma_wait3A_257] : memref<4x128xi32, #tpu.memory_space<vmem>> -> memref<1x128xi32, #tpu.memory_space<vmem>>
      %dma_wait3A_259 = tpu.memref_squeeze %dma_wait3A_258 : memref<1x128xi32, #tpu.memory_space<vmem>> -> memref<128xi32, #tpu.memory_space<vmem>>
      %dma_wait3A_260 = arith.constant 0 : i32
      %dma_wait3A_261 = arith.constant 0 : i32
      %dma_wait3A_262 = tpu.memref_slice %arg3[%dma_wait3A_260, %dma_wait3A_261] : memref<100352x16xf32, #tpu.memory_space<hbm>> -> memref<100352x16xf32, #tpu.memory_space<hbm>>
      tpu.wait_indirect_dma semaphore(%arg16 : memref<!tpu.dma_semaphore, #tpu.memory_space<semaphore_mem>>) src(%dma_wait3A_262 : memref<100352x16xf32, #tpu.memory_space<hbm>>) dst(%dma_wait3A_256 : memref<128x16xf32, #tpu.memory_space<vmem>>)
      %dma_wait3A_263 = arith.constant 3 : i32
      %dma_wait3A_264 = arith.constant 384 : i32
      %dma_wait3A_265 = arith.constant 0 : i32
      %dma_wait3A_266 = tpu.memref_slice %arg11[%dma_wait3A_264, %dma_wait3A_265] : memref<512x16xf32, #tpu.memory_space<vmem>> -> memref<128x16xf32, #tpu.memory_space<vmem>>
      %dma_wait3A_267 = arith.constant 0 : i32
      %dma_wait3A_268 = tpu.memref_slice %arg8[%dma_wait3A_263, %dma_wait3A_267] : memref<4x128xi32, #tpu.memory_space<vmem>> -> memref<1x128xi32, #tpu.memory_space<vmem>>
      %dma_wait3A_269 = tpu.memref_squeeze %dma_wait3A_268 : memref<1x128xi32, #tpu.memory_space<vmem>> -> memref<128xi32, #tpu.memory_space<vmem>>
      %dma_wait3A_270 = arith.constant 0 : i32
      %dma_wait3A_271 = arith.constant 0 : i32
      %dma_wait3A_272 = tpu.memref_slice %arg3[%dma_wait3A_270, %dma_wait3A_271] : memref<100352x16xf32, #tpu.memory_space<hbm>> -> memref<100352x16xf32, #tpu.memory_space<hbm>>
      tpu.wait_indirect_dma semaphore(%arg16 : memref<!tpu.dma_semaphore, #tpu.memory_space<semaphore_mem>>) src(%dma_wait3A_272 : memref<100352x16xf32, #tpu.memory_space<hbm>>) dst(%dma_wait3A_266 : memref<128x16xf32, #tpu.memory_space<vmem>>)
      %dma_wait3A_273 = arith.constant 0 : i32
      %dma_wait3A_274 = arith.constant 0 : i32
      %dma_wait3A_275 = arith.constant 0 : i32
      %dma_wait3A_276 = tpu.memref_slice %arg10[%dma_wait3A_274, %dma_wait3A_275] : memref<512x16xf32, #tpu.memory_space<vmem>> -> memref<128x16xf32, #tpu.memory_space<vmem>>
      %dma_wait3A_277 = arith.constant 0 : i32
      %dma_wait3A_278 = tpu.memref_slice %arg7[%dma_wait3A_273, %dma_wait3A_277] : memref<4x128xi32, #tpu.memory_space<vmem>> -> memref<1x128xi32, #tpu.memory_space<vmem>>
      %dma_wait3A_279 = tpu.memref_squeeze %dma_wait3A_278 : memref<1x128xi32, #tpu.memory_space<vmem>> -> memref<128xi32, #tpu.memory_space<vmem>>
      %dma_wait3A_280 = arith.constant 0 : i32
      %dma_wait3A_281 = arith.constant 0 : i32
      %dma_wait3A_282 = tpu.memref_slice %arg12[%dma_wait3A_280, %dma_wait3A_281] : memref<100352x16xf32, #tpu.memory_space<vmem_shared>> -> memref<100352x16xf32, #tpu.memory_space<vmem_shared>>
      tpu.wait_indirect_dma semaphore(%arg13 : memref<!tpu.dma_semaphore, #tpu.memory_space<semaphore_mem>>) src(%dma_wait3A_276 : memref<128x16xf32, #tpu.memory_space<vmem>>) dst(%dma_wait3A_282 : memref<100352x16xf32, #tpu.memory_space<vmem_shared>>)
      %dma_wait3A_283 = arith.constant 1 : i32
      %dma_wait3A_284 = arith.constant 128 : i32
      %dma_wait3A_285 = arith.constant 0 : i32
      %dma_wait3A_286 = tpu.memref_slice %arg10[%dma_wait3A_284, %dma_wait3A_285] : memref<512x16xf32, #tpu.memory_space<vmem>> -> memref<128x16xf32, #tpu.memory_space<vmem>>
      %dma_wait3A_287 = arith.constant 0 : i32
      %dma_wait3A_288 = tpu.memref_slice %arg7[%dma_wait3A_283, %dma_wait3A_287] : memref<4x128xi32, #tpu.memory_space<vmem>> -> memref<1x128xi32, #tpu.memory_space<vmem>>
      %dma_wait3A_289 = tpu.memref_squeeze %dma_wait3A_288 : memref<1x128xi32, #tpu.memory_space<vmem>> -> memref<128xi32, #tpu.memory_space<vmem>>
      %dma_wait3A_290 = arith.constant 0 : i32
      %dma_wait3A_291 = arith.constant 0 : i32
      %dma_wait3A_292 = tpu.memref_slice %arg12[%dma_wait3A_290, %dma_wait3A_291] : memref<100352x16xf32, #tpu.memory_space<vmem_shared>> -> memref<100352x16xf32, #tpu.memory_space<vmem_shared>>
      tpu.wait_indirect_dma semaphore(%arg13 : memref<!tpu.dma_semaphore, #tpu.memory_space<semaphore_mem>>) src(%dma_wait3A_286 : memref<128x16xf32, #tpu.memory_space<vmem>>) dst(%dma_wait3A_292 : memref<100352x16xf32, #tpu.memory_space<vmem_shared>>)
      %dma_wait3A_293 = arith.constant 2 : i32
      %dma_wait3A_294 = arith.constant 256 : i32
      %dma_wait3A_295 = arith.constant 0 : i32
      %dma_wait3A_296 = tpu.memref_slice %arg10[%dma_wait3A_294, %dma_wait3A_295] : memref<512x16xf32, #tpu.memory_space<vmem>> -> memref<128x16xf32, #tpu.memory_space<vmem>>
      %dma_wait3A_297 = arith.constant 0 : i32
      %dma_wait3A_298 = tpu.memref_slice %arg7[%dma_wait3A_293, %dma_wait3A_297] : memref<4x128xi32, #tpu.memory_space<vmem>> -> memref<1x128xi32, #tpu.memory_space<vmem>>
      %dma_wait3A_299 = tpu.memref_squeeze %dma_wait3A_298 : memref<1x128xi32, #tpu.memory_space<vmem>> -> memref<128xi32, #tpu.memory_space<vmem>>
      %dma_wait3A_300 = arith.constant 0 : i32
      %dma_wait3A_301 = arith.constant 0 : i32
      %dma_wait3A_302 = tpu.memref_slice %arg12[%dma_wait3A_300, %dma_wait3A_301] : memref<100352x16xf32, #tpu.memory_space<vmem_shared>> -> memref<100352x16xf32, #tpu.memory_space<vmem_shared>>
      tpu.wait_indirect_dma semaphore(%arg13 : memref<!tpu.dma_semaphore, #tpu.memory_space<semaphore_mem>>) src(%dma_wait3A_296 : memref<128x16xf32, #tpu.memory_space<vmem>>) dst(%dma_wait3A_302 : memref<100352x16xf32, #tpu.memory_space<vmem_shared>>)
      %dma_wait3A_303 = arith.constant 3 : i32
      %dma_wait3A_304 = arith.constant 384 : i32
      %dma_wait3A_305 = arith.constant 0 : i32
      %dma_wait3A_306 = tpu.memref_slice %arg10[%dma_wait3A_304, %dma_wait3A_305] : memref<512x16xf32, #tpu.memory_space<vmem>> -> memref<128x16xf32, #tpu.memory_space<vmem>>
      %dma_wait3A_307 = arith.constant 0 : i32
      %dma_wait3A_308 = tpu.memref_slice %arg7[%dma_wait3A_303, %dma_wait3A_307] : memref<4x128xi32, #tpu.memory_space<vmem>> -> memref<1x128xi32, #tpu.memory_space<vmem>>
      %dma_wait3A_309 = tpu.memref_squeeze %dma_wait3A_308 : memref<1x128xi32, #tpu.memory_space<vmem>> -> memref<128xi32, #tpu.memory_space<vmem>>
      %dma_wait3A_310 = arith.constant 0 : i32
      %dma_wait3A_311 = arith.constant 0 : i32
      %dma_wait3A_312 = tpu.memref_slice %arg12[%dma_wait3A_310, %dma_wait3A_311] : memref<100352x16xf32, #tpu.memory_space<vmem_shared>> -> memref<100352x16xf32, #tpu.memory_space<vmem_shared>>
      tpu.wait_indirect_dma semaphore(%arg13 : memref<!tpu.dma_semaphore, #tpu.memory_space<semaphore_mem>>) src(%dma_wait3A_306 : memref<128x16xf32, #tpu.memory_space<vmem>>) dst(%dma_wait3A_312 : memref<100352x16xf32, #tpu.memory_space<vmem_shared>>)
      %dma_start3A_313 = arith.constant 0 : i32
      %dma_start3A_314 = arith.constant 0 : i32
      %dma_start3A_315 = arith.constant 0 : i32
      %dma_start3A_316 = tpu.memref_slice %arg11[%dma_start3A_314, %dma_start3A_315] : memref<512x16xf32, #tpu.memory_space<vmem>> -> memref<128x16xf32, #tpu.memory_space<vmem>>
      %dma_start3A_317 = arith.constant 0 : i32
      %dma_start3A_318 = tpu.memref_slice %arg9[%dma_start3A_313, %dma_start3A_317] : memref<4x128xi32, #tpu.memory_space<vmem>> -> memref<1x128xi32, #tpu.memory_space<vmem>>
      %dma_start3A_319 = tpu.memref_squeeze %dma_start3A_318 : memref<1x128xi32, #tpu.memory_space<vmem>> -> memref<128xi32, #tpu.memory_space<vmem>>
      %dma_start3A_320 = arith.constant 0 : i32
      %dma_start3A_321 = arith.constant 0 : i32
      %dma_start3A_322 = tpu.memref_slice %arg12[%dma_start3A_320, %dma_start3A_321] : memref<100352x16xf32, #tpu.memory_space<vmem_shared>> -> memref<100352x16xf32, #tpu.memory_space<vmem_shared>>
      tpu.enqueue_indirect_dma source(%dma_start3A_316 : memref<128x16xf32, #tpu.memory_space<vmem>>) target(%dma_start3A_322 : memref<100352x16xf32, #tpu.memory_space<vmem_shared>>) offsets(%dma_start3A_319 : memref<128xi32, #tpu.memory_space<vmem>>) semaphore(%arg14 : memref<!tpu.dma_semaphore, #tpu.memory_space<semaphore_mem>>) {add = true}
      %dma_start3A_323 = arith.constant 1 : i32
      %dma_start3A_324 = arith.constant 128 : i32
      %dma_start3A_325 = arith.constant 0 : i32
      %dma_start3A_326 = tpu.memref_slice %arg11[%dma_start3A_324, %dma_start3A_325] : memref<512x16xf32, #tpu.memory_space<vmem>> -> memref<128x16xf32, #tpu.memory_space<vmem>>
      %dma_start3A_327 = arith.constant 0 : i32
      %dma_start3A_328 = tpu.memref_slice %arg9[%dma_start3A_323, %dma_start3A_327] : memref<4x128xi32, #tpu.memory_space<vmem>> -> memref<1x128xi32, #tpu.memory_space<vmem>>
      %dma_start3A_329 = tpu.memref_squeeze %dma_start3A_328 : memref<1x128xi32, #tpu.memory_space<vmem>> -> memref<128xi32, #tpu.memory_space<vmem>>
      %dma_start3A_330 = arith.constant 0 : i32
      %dma_start3A_331 = arith.constant 0 : i32
      %dma_start3A_332 = tpu.memref_slice %arg12[%dma_start3A_330, %dma_start3A_331] : memref<100352x16xf32, #tpu.memory_space<vmem_shared>> -> memref<100352x16xf32, #tpu.memory_space<vmem_shared>>
      tpu.enqueue_indirect_dma source(%dma_start3A_326 : memref<128x16xf32, #tpu.memory_space<vmem>>) target(%dma_start3A_332 : memref<100352x16xf32, #tpu.memory_space<vmem_shared>>) offsets(%dma_start3A_329 : memref<128xi32, #tpu.memory_space<vmem>>) semaphore(%arg14 : memref<!tpu.dma_semaphore, #tpu.memory_space<semaphore_mem>>) {add = true}
      %dma_start3A_333 = arith.constant 2 : i32
      %dma_start3A_334 = arith.constant 256 : i32
      %dma_start3A_335 = arith.constant 0 : i32
      %dma_start3A_336 = tpu.memref_slice %arg11[%dma_start3A_334, %dma_start3A_335] : memref<512x16xf32, #tpu.memory_space<vmem>> -> memref<128x16xf32, #tpu.memory_space<vmem>>
      %dma_start3A_337 = arith.constant 0 : i32
      %dma_start3A_338 = tpu.memref_slice %arg9[%dma_start3A_333, %dma_start3A_337] : memref<4x128xi32, #tpu.memory_space<vmem>> -> memref<1x128xi32, #tpu.memory_space<vmem>>
      %dma_start3A_339 = tpu.memref_squeeze %dma_start3A_338 : memref<1x128xi32, #tpu.memory_space<vmem>> -> memref<128xi32, #tpu.memory_space<vmem>>
      %dma_start3A_340 = arith.constant 0 : i32
      %dma_start3A_341 = arith.constant 0 : i32
      %dma_start3A_342 = tpu.memref_slice %arg12[%dma_start3A_340, %dma_start3A_341] : memref<100352x16xf32, #tpu.memory_space<vmem_shared>> -> memref<100352x16xf32, #tpu.memory_space<vmem_shared>>
      tpu.enqueue_indirect_dma source(%dma_start3A_336 : memref<128x16xf32, #tpu.memory_space<vmem>>) target(%dma_start3A_342 : memref<100352x16xf32, #tpu.memory_space<vmem_shared>>) offsets(%dma_start3A_339 : memref<128xi32, #tpu.memory_space<vmem>>) semaphore(%arg14 : memref<!tpu.dma_semaphore, #tpu.memory_space<semaphore_mem>>) {add = true}
      %dma_start3A_343 = arith.constant 3 : i32
      %dma_start3A_344 = arith.constant 384 : i32
      %dma_start3A_345 = arith.constant 0 : i32
      %dma_start3A_346 = tpu.memref_slice %arg11[%dma_start3A_344, %dma_start3A_345] : memref<512x16xf32, #tpu.memory_space<vmem>> -> memref<128x16xf32, #tpu.memory_space<vmem>>
      %dma_start3A_347 = arith.constant 0 : i32
      %dma_start3A_348 = tpu.memref_slice %arg9[%dma_start3A_343, %dma_start3A_347] : memref<4x128xi32, #tpu.memory_space<vmem>> -> memref<1x128xi32, #tpu.memory_space<vmem>>
      %dma_start3A_349 = tpu.memref_squeeze %dma_start3A_348 : memref<1x128xi32, #tpu.memory_space<vmem>> -> memref<128xi32, #tpu.memory_space<vmem>>
      %dma_start3A_350 = arith.constant 0 : i32
      %dma_start3A_351 = arith.constant 0 : i32
      %dma_start3A_352 = tpu.memref_slice %arg12[%dma_start3A_350, %dma_start3A_351] : memref<100352x16xf32, #tpu.memory_space<vmem_shared>> -> memref<100352x16xf32, #tpu.memory_space<vmem_shared>>
      tpu.enqueue_indirect_dma source(%dma_start3A_346 : memref<128x16xf32, #tpu.memory_space<vmem>>) target(%dma_start3A_352 : memref<100352x16xf32, #tpu.memory_space<vmem_shared>>) offsets(%dma_start3A_349 : memref<128xi32, #tpu.memory_space<vmem>>) semaphore(%arg14 : memref<!tpu.dma_semaphore, #tpu.memory_space<semaphore_mem>>) {add = true}
      %dma_wait3A_353 = arith.constant 0 : i32
      %dma_wait3A_354 = arith.constant 0 : i32
      %dma_wait3A_355 = arith.constant 0 : i32
      %dma_wait3A_356 = tpu.memref_slice %arg11[%dma_wait3A_354, %dma_wait3A_355] : memref<512x16xf32, #tpu.memory_space<vmem>> -> memref<128x16xf32, #tpu.memory_space<vmem>>
      %dma_wait3A_357 = arith.constant 0 : i32
      %dma_wait3A_358 = tpu.memref_slice %arg9[%dma_wait3A_353, %dma_wait3A_357] : memref<4x128xi32, #tpu.memory_space<vmem>> -> memref<1x128xi32, #tpu.memory_space<vmem>>
      %dma_wait3A_359 = tpu.memref_squeeze %dma_wait3A_358 : memref<1x128xi32, #tpu.memory_space<vmem>> -> memref<128xi32, #tpu.memory_space<vmem>>
      %dma_wait3A_360 = arith.constant 0 : i32
      %dma_wait3A_361 = arith.constant 0 : i32
      %dma_wait3A_362 = tpu.memref_slice %arg12[%dma_wait3A_360, %dma_wait3A_361] : memref<100352x16xf32, #tpu.memory_space<vmem_shared>> -> memref<100352x16xf32, #tpu.memory_space<vmem_shared>>
      tpu.wait_indirect_dma semaphore(%arg14 : memref<!tpu.dma_semaphore, #tpu.memory_space<semaphore_mem>>) src(%dma_wait3A_356 : memref<128x16xf32, #tpu.memory_space<vmem>>) dst(%dma_wait3A_362 : memref<100352x16xf32, #tpu.memory_space<vmem_shared>>)
      %dma_wait3A_363 = arith.constant 1 : i32
      %dma_wait3A_364 = arith.constant 128 : i32
      %dma_wait3A_365 = arith.constant 0 : i32
      %dma_wait3A_366 = tpu.memref_slice %arg11[%dma_wait3A_364, %dma_wait3A_365] : memref<512x16xf32, #tpu.memory_space<vmem>> -> memref<128x16xf32, #tpu.memory_space<vmem>>
      %dma_wait3A_367 = arith.constant 0 : i32
      %dma_wait3A_368 = tpu.memref_slice %arg9[%dma_wait3A_363, %dma_wait3A_367] : memref<4x128xi32, #tpu.memory_space<vmem>> -> memref<1x128xi32, #tpu.memory_space<vmem>>
      %dma_wait3A_369 = tpu.memref_squeeze %dma_wait3A_368 : memref<1x128xi32, #tpu.memory_space<vmem>> -> memref<128xi32, #tpu.memory_space<vmem>>
      %dma_wait3A_370 = arith.constant 0 : i32
      %dma_wait3A_371 = arith.constant 0 : i32
      %dma_wait3A_372 = tpu.memref_slice %arg12[%dma_wait3A_370, %dma_wait3A_371] : memref<100352x16xf32, #tpu.memory_space<vmem_shared>> -> memref<100352x16xf32, #tpu.memory_space<vmem_shared>>
      tpu.wait_indirect_dma semaphore(%arg14 : memref<!tpu.dma_semaphore, #tpu.memory_space<semaphore_mem>>) src(%dma_wait3A_366 : memref<128x16xf32, #tpu.memory_space<vmem>>) dst(%dma_wait3A_372 : memref<100352x16xf32, #tpu.memory_space<vmem_shared>>)
      %dma_wait3A_373 = arith.constant 2 : i32
      %dma_wait3A_374 = arith.constant 256 : i32
      %dma_wait3A_375 = arith.constant 0 : i32
      %dma_wait3A_376 = tpu.memref_slice %arg11[%dma_wait3A_374, %dma_wait3A_375] : memref<512x16xf32, #tpu.memory_space<vmem>> -> memref<128x16xf32, #tpu.memory_space<vmem>>
      %dma_wait3A_377 = arith.constant 0 : i32
      %dma_wait3A_378 = tpu.memref_slice %arg9[%dma_wait3A_373, %dma_wait3A_377] : memref<4x128xi32, #tpu.memory_space<vmem>> -> memref<1x128xi32, #tpu.memory_space<vmem>>
      %dma_wait3A_379 = tpu.memref_squeeze %dma_wait3A_378 : memref<1x128xi32, #tpu.memory_space<vmem>> -> memref<128xi32, #tpu.memory_space<vmem>>
      %dma_wait3A_380 = arith.constant 0 : i32
      %dma_wait3A_381 = arith.constant 0 : i32
      %dma_wait3A_382 = tpu.memref_slice %arg12[%dma_wait3A_380, %dma_wait3A_381] : memref<100352x16xf32, #tpu.memory_space<vmem_shared>> -> memref<100352x16xf32, #tpu.memory_space<vmem_shared>>
      tpu.wait_indirect_dma semaphore(%arg14 : memref<!tpu.dma_semaphore, #tpu.memory_space<semaphore_mem>>) src(%dma_wait3A_376 : memref<128x16xf32, #tpu.memory_space<vmem>>) dst(%dma_wait3A_382 : memref<100352x16xf32, #tpu.memory_space<vmem_shared>>)
      %dma_wait3A_383 = arith.constant 3 : i32
      %dma_wait3A_384 = arith.constant 384 : i32
      %dma_wait3A_385 = arith.constant 0 : i32
      %dma_wait3A_386 = tpu.memref_slice %arg11[%dma_wait3A_384, %dma_wait3A_385] : memref<512x16xf32, #tpu.memory_space<vmem>> -> memref<128x16xf32, #tpu.memory_space<vmem>>
      %dma_wait3A_387 = arith.constant 0 : i32
      %dma_wait3A_388 = tpu.memref_slice %arg9[%dma_wait3A_383, %dma_wait3A_387] : memref<4x128xi32, #tpu.memory_space<vmem>> -> memref<1x128xi32, #tpu.memory_space<vmem>>
      %dma_wait3A_389 = tpu.memref_squeeze %dma_wait3A_388 : memref<1x128xi32, #tpu.memory_space<vmem>> -> memref<128xi32, #tpu.memory_space<vmem>>
      %dma_wait3A_390 = arith.constant 0 : i32
      %dma_wait3A_391 = arith.constant 0 : i32
      %dma_wait3A_392 = tpu.memref_slice %arg12[%dma_wait3A_390, %dma_wait3A_391] : memref<100352x16xf32, #tpu.memory_space<vmem_shared>> -> memref<100352x16xf32, #tpu.memory_space<vmem_shared>>
      tpu.wait_indirect_dma semaphore(%arg14 : memref<!tpu.dma_semaphore, #tpu.memory_space<semaphore_mem>>) src(%dma_wait3A_386 : memref<128x16xf32, #tpu.memory_space<vmem>>) dst(%dma_wait3A_392 : memref<100352x16xf32, #tpu.memory_space<vmem_shared>>)
    }
    %scan3A_8 = arith.constant 49 : i32
    %barrier3A_9 = arith.constant 0 : index
    tpu.barrier barrier_id(%barrier3A_9)
    "tpu.region"() ({
      %run_scoped3A = tpu.sem_alloc : memref<!tpu.dma_semaphore, #tpu.memory_space<semaphore_mem>>
      %dma_start3A = arith.constant 0 : i32
      %dma_start3A_10 = tpu.memref_slice %arg5[%arg0, %mul3A_0, %dma_start3A] : memref<2x100352x16xf32, #tpu.memory_space<hbm>> -> memref<1x6272x16xf32, #tpu.memory_space<hbm>>
      %dma_start3A_11 = tpu.memref_squeeze %dma_start3A_10 : memref<1x6272x16xf32, #tpu.memory_space<hbm>> -> memref<6272x16xf32, #tpu.memory_space<hbm>>
      %dma_start3A_12 = arith.constant 0 : i32
      %dma_start3A_13 = tpu.memref_slice %arg12[%mul3A_0, %dma_start3A_12] : memref<100352x16xf32, #tpu.memory_space<vmem_shared>> -> memref<6272x16xf32, #tpu.memory_space<vmem_shared>>
      tpu.enqueue_dma source(%dma_start3A_13 : memref<6272x16xf32, #tpu.memory_space<vmem_shared>>) target(%dma_start3A_11 : memref<6272x16xf32, #tpu.memory_space<hbm>>) target_semaphore(%run_scoped3A : memref<!tpu.dma_semaphore, #tpu.memory_space<semaphore_mem>>)
      %dma_wait3A = arith.constant 0 : i32
      %dma_wait3A_14 = tpu.memref_slice %arg5[%arg0, %mul3A_0, %dma_wait3A] : memref<2x100352x16xf32, #tpu.memory_space<hbm>> -> memref<1x6272x16xf32, #tpu.memory_space<hbm>>
      %dma_wait3A_15 = tpu.memref_squeeze %dma_wait3A_14 : memref<1x6272x16xf32, #tpu.memory_space<hbm>> -> memref<6272x16xf32, #tpu.memory_space<hbm>>
      %dma_wait3A_16 = arith.constant 0 : i32
      %dma_wait3A_17 = tpu.memref_slice %arg12[%mul3A_0, %dma_wait3A_16] : memref<100352x16xf32, #tpu.memory_space<vmem_shared>> -> memref<6272x16xf32, #tpu.memory_space<vmem_shared>>
      tpu.wait_dma2 semaphore(%run_scoped3A : memref<!tpu.dma_semaphore, #tpu.memory_space<semaphore_mem>>) src(%dma_wait3A_17 : memref<6272x16xf32, #tpu.memory_space<vmem_shared>>) dst(%dma_wait3A_15 : memref<6272x16xf32, #tpu.memory_space<hbm>>)
      tpu.yield
    }) : () -> ()
    return
  }
}

#map = affine_map<(d0, d1) -> (0, 0, 0)>
#map1 = affine_map<(d0, d1) -> (0, 0)>
module attributes {stable_mosaic.version = 14 : i64} {
  func.func @_deg_body(%arg0: i32, %arg1: i32, %arg2: memref<2x12544x128xi32, #tpu.memory_space<hbm>>, %arg3: memref<128x16xf32, #tpu.memory_space<hbm>>, %arg4: memref<100352x16xf32, #tpu.memory_space<hbm>>, %arg5: memref<2x100352x16xf32, #tpu.memory_space<hbm>>, %arg6: memref<4x128xi32, #tpu.memory_space<vmem>>, %arg7: memref<4x128xi32, #tpu.memory_space<vmem>>, %arg8: memref<128x16xf32, #tpu.memory_space<vmem>>, %arg9: memref<100352x16xf32, #tpu.memory_space<vmem_shared>>, %arg10: memref<!tpu.dma_semaphore, #tpu.memory_space<semaphore_mem>>, %arg11: memref<!tpu.dma_semaphore, #tpu.memory_space<semaphore_mem>>) attributes {dimension_semantics = [#tpu.dimension_semantics<core_parallel>, #tpu.dimension_semantics<subcore_parallel>], iteration_bounds = array<i64: 2, 16>, scalar_prefetch = 0 : i64, scratch_operands = 6 : i64, tpu.core_type = #tpu.core_type<sc_vector_subcore>, window_params = [{transform_indices = #map}, {transform_indices = #map1}, {transform_indices = #map1}, {transform_indices = #map}]} {
    %mul3A = arith.constant 6272 : i32
    %mul3A_0 = arith.muli %arg1, %mul3A : i32
    "tpu.region"() ({
      %run_scoped3A = tpu.sem_alloc : memref<!tpu.dma_semaphore, #tpu.memory_space<semaphore_mem>>
      %dma_start3A = arith.constant 0 : i32
      %dma_start3A_10 = tpu.memref_slice %arg9[%mul3A_0, %dma_start3A] : memref<100352x16xf32, #tpu.memory_space<vmem_shared>> -> memref<6272x16xf32, #tpu.memory_space<vmem_shared>>
      %dma_start3A_11 = arith.constant 0 : i32
      %dma_start3A_12 = tpu.memref_slice %arg4[%mul3A_0, %dma_start3A_11] : memref<100352x16xf32, #tpu.memory_space<hbm>> -> memref<6272x16xf32, #tpu.memory_space<hbm>>
      tpu.enqueue_dma source(%dma_start3A_12 : memref<6272x16xf32, #tpu.memory_space<hbm>>) target(%dma_start3A_10 : memref<6272x16xf32, #tpu.memory_space<vmem_shared>>) target_semaphore(%run_scoped3A : memref<!tpu.dma_semaphore, #tpu.memory_space<semaphore_mem>>)
      %dma_wait3A = arith.constant 0 : i32
      %dma_wait3A_13 = tpu.memref_slice %arg9[%mul3A_0, %dma_wait3A] : memref<100352x16xf32, #tpu.memory_space<vmem_shared>> -> memref<6272x16xf32, #tpu.memory_space<vmem_shared>>
      %dma_wait3A_14 = arith.constant 0 : i32
      %dma_wait3A_15 = tpu.memref_slice %arg4[%mul3A_0, %dma_wait3A_14] : memref<100352x16xf32, #tpu.memory_space<hbm>> -> memref<6272x16xf32, #tpu.memory_space<hbm>>
      tpu.wait_dma2 semaphore(%run_scoped3A : memref<!tpu.dma_semaphore, #tpu.memory_space<semaphore_mem>>) src(%dma_wait3A_15 : memref<6272x16xf32, #tpu.memory_space<hbm>>) dst(%dma_wait3A_13 : memref<6272x16xf32, #tpu.memory_space<vmem_shared>>)
      tpu.yield
    }) : () -> ()
    "tpu.region"() ({
      %run_scoped3A = tpu.sem_alloc : memref<!tpu.dma_semaphore, #tpu.memory_space<semaphore_mem>>
      tpu.enqueue_dma source(%arg3 : memref<128x16xf32, #tpu.memory_space<hbm>>) target(%arg8 : memref<128x16xf32, #tpu.memory_space<vmem>>) target_semaphore(%run_scoped3A : memref<!tpu.dma_semaphore, #tpu.memory_space<semaphore_mem>>)
      tpu.wait_dma2 semaphore(%run_scoped3A : memref<!tpu.dma_semaphore, #tpu.memory_space<semaphore_mem>>) src(%arg3 : memref<128x16xf32, #tpu.memory_space<hbm>>) dst(%arg8 : memref<128x16xf32, #tpu.memory_space<vmem>>)
      tpu.yield
    }) : () -> ()
    %barrier3A = arith.constant 0 : index
    tpu.barrier barrier_id(%barrier3A)
    %mul3A_1 = arith.constant 6272 : i32
    %mul3A_2 = arith.muli %arg0, %mul3A_1 : i32
    %mul3A_3 = arith.constant 392 : i32
    %mul3A_4 = arith.muli %arg1, %mul3A_3 : i32
    %add3A = arith.addi %mul3A_2, %mul3A_4 : i32
    %scan3A = arith.constant 0 : i32
    %scan3A_5 = arith.constant 49 : i32
    %scan3A_6 = arith.addi %scan3A, %scan3A_5 : i32
    %scan3A_7 = arith.constant 1 : i32
    scf.for %scan3A_10 = %scan3A to %scan3A_6 step %scan3A_7  : i32 {
      %mul3A_11 = arith.constant 8 : i32
      %mul3A_12 = arith.muli %scan3A_10, %mul3A_11 : i32
      %add3A_13 = arith.constant 0 : i32
      %add3A_14 = arith.addi %add3A_13, %mul3A_12 : i32
      %add3A_15 = arith.addi %add3A, %add3A_14 : i32
      %dma_start3A = arith.constant 1 : i32
      %dma_start3A_16 = arith.constant 0 : i32
      %dma_start3A_17 = tpu.memref_slice %arg2[%dma_start3A, %add3A_15, %dma_start3A_16] : memref<2x12544x128xi32, #tpu.memory_space<hbm>> -> memref<1x4x128xi32, #tpu.memory_space<hbm>>
      %dma_start3A_18 = tpu.memref_squeeze %dma_start3A_17 : memref<1x4x128xi32, #tpu.memory_space<hbm>> -> memref<4x128xi32, #tpu.memory_space<hbm>>
      %dma_start3A_19 = arith.constant 0 : i32
      %dma_start3A_20 = tpu.memref_slice %arg2[%dma_start3A, %add3A_15, %dma_start3A_19] : memref<2x12544x128xi32, #tpu.memory_space<hbm>> -> memref<1x4x128xi32, #tpu.memory_space<hbm>>
      %dma_start3A_21 = tpu.memref_squeeze %dma_start3A_20 : memref<1x4x128xi32, #tpu.memory_space<hbm>> -> memref<4x128xi32, #tpu.memory_space<hbm>>
      tpu.enqueue_dma source(%dma_start3A_21 : memref<4x128xi32, #tpu.memory_space<hbm>>) target(%arg6 : memref<4x128xi32, #tpu.memory_space<vmem>>) target_semaphore(%arg10 : memref<!tpu.dma_semaphore, #tpu.memory_space<semaphore_mem>>)
      %add3A_22 = arith.addi %add3A, %add3A_14 : i32
      %add3A_23 = arith.constant 4 : i32
      %add3A_24 = arith.addi %add3A_22, %add3A_23 : i32
      %dma_start3A_25 = arith.constant 1 : i32
      %dma_start3A_26 = arith.constant 0 : i32
      %dma_start3A_27 = tpu.memref_slice %arg2[%dma_start3A_25, %add3A_24, %dma_start3A_26] : memref<2x12544x128xi32, #tpu.memory_space<hbm>> -> memref<1x4x128xi32, #tpu.memory_space<hbm>>
      %dma_start3A_28 = tpu.memref_squeeze %dma_start3A_27 : memref<1x4x128xi32, #tpu.memory_space<hbm>> -> memref<4x128xi32, #tpu.memory_space<hbm>>
      %dma_start3A_29 = arith.constant 0 : i32
      %dma_start3A_30 = tpu.memref_slice %arg2[%dma_start3A_25, %add3A_24, %dma_start3A_29] : memref<2x12544x128xi32, #tpu.memory_space<hbm>> -> memref<1x4x128xi32, #tpu.memory_space<hbm>>
      %dma_start3A_31 = tpu.memref_squeeze %dma_start3A_30 : memref<1x4x128xi32, #tpu.memory_space<hbm>> -> memref<4x128xi32, #tpu.memory_space<hbm>>
      tpu.enqueue_dma source(%dma_start3A_31 : memref<4x128xi32, #tpu.memory_space<hbm>>) target(%arg7 : memref<4x128xi32, #tpu.memory_space<vmem>>) target_semaphore(%arg11 : memref<!tpu.dma_semaphore, #tpu.memory_space<semaphore_mem>>)
      %dma_wait3A = arith.constant 1 : i32
      %dma_wait3A_32 = arith.constant 0 : i32
      %dma_wait3A_33 = tpu.memref_slice %arg2[%dma_wait3A, %add3A_15, %dma_wait3A_32] : memref<2x12544x128xi32, #tpu.memory_space<hbm>> -> memref<1x4x128xi32, #tpu.memory_space<hbm>>
      %dma_wait3A_34 = tpu.memref_squeeze %dma_wait3A_33 : memref<1x4x128xi32, #tpu.memory_space<hbm>> -> memref<4x128xi32, #tpu.memory_space<hbm>>
      %dma_wait3A_35 = arith.constant 0 : i32
      %dma_wait3A_36 = tpu.memref_slice %arg2[%dma_wait3A, %add3A_15, %dma_wait3A_35] : memref<2x12544x128xi32, #tpu.memory_space<hbm>> -> memref<1x4x128xi32, #tpu.memory_space<hbm>>
      %dma_wait3A_37 = tpu.memref_squeeze %dma_wait3A_36 : memref<1x4x128xi32, #tpu.memory_space<hbm>> -> memref<4x128xi32, #tpu.memory_space<hbm>>
      tpu.wait_dma2 semaphore(%arg10 : memref<!tpu.dma_semaphore, #tpu.memory_space<semaphore_mem>>) src(%dma_wait3A_37 : memref<4x128xi32, #tpu.memory_space<hbm>>) dst(%arg6 : memref<4x128xi32, #tpu.memory_space<vmem>>)
      %dma_start3A_38 = arith.constant 0 : i32
      %dma_start3A_39 = arith.constant 0 : i32
      %dma_start3A_40 = tpu.memref_slice %arg6[%dma_start3A_38, %dma_start3A_39] : memref<4x128xi32, #tpu.memory_space<vmem>> -> memref<1x128xi32, #tpu.memory_space<vmem>>
      %dma_start3A_41 = tpu.memref_squeeze %dma_start3A_40 : memref<1x128xi32, #tpu.memory_space<vmem>> -> memref<128xi32, #tpu.memory_space<vmem>>
      %dma_start3A_42 = arith.constant 0 : i32
      %dma_start3A_43 = arith.constant 0 : i32
      %dma_start3A_44 = tpu.memref_slice %arg9[%dma_start3A_42, %dma_start3A_43] : memref<100352x16xf32, #tpu.memory_space<vmem_shared>> -> memref<100352x16xf32, #tpu.memory_space<vmem_shared>>
      tpu.enqueue_indirect_dma source(%arg8 : memref<128x16xf32, #tpu.memory_space<vmem>>) target(%dma_start3A_44 : memref<100352x16xf32, #tpu.memory_space<vmem_shared>>) offsets(%dma_start3A_41 : memref<128xi32, #tpu.memory_space<vmem>>) semaphore(%arg10 : memref<!tpu.dma_semaphore, #tpu.memory_space<semaphore_mem>>) {add = true}
      %dma_start3A_45 = arith.constant 1 : i32
      %dma_start3A_46 = arith.constant 0 : i32
      %dma_start3A_47 = tpu.memref_slice %arg6[%dma_start3A_45, %dma_start3A_46] : memref<4x128xi32, #tpu.memory_space<vmem>> -> memref<1x128xi32, #tpu.memory_space<vmem>>
      %dma_start3A_48 = tpu.memref_squeeze %dma_start3A_47 : memref<1x128xi32, #tpu.memory_space<vmem>> -> memref<128xi32, #tpu.memory_space<vmem>>
      %dma_start3A_49 = arith.constant 0 : i32
      %dma_start3A_50 = arith.constant 0 : i32
      %dma_start3A_51 = tpu.memref_slice %arg9[%dma_start3A_49, %dma_start3A_50] : memref<100352x16xf32, #tpu.memory_space<vmem_shared>> -> memref<100352x16xf32, #tpu.memory_space<vmem_shared>>
      tpu.enqueue_indirect_dma source(%arg8 : memref<128x16xf32, #tpu.memory_space<vmem>>) target(%dma_start3A_51 : memref<100352x16xf32, #tpu.memory_space<vmem_shared>>) offsets(%dma_start3A_48 : memref<128xi32, #tpu.memory_space<vmem>>) semaphore(%arg10 : memref<!tpu.dma_semaphore, #tpu.memory_space<semaphore_mem>>) {add = true}
      %dma_start3A_52 = arith.constant 2 : i32
      %dma_start3A_53 = arith.constant 0 : i32
      %dma_start3A_54 = tpu.memref_slice %arg6[%dma_start3A_52, %dma_start3A_53] : memref<4x128xi32, #tpu.memory_space<vmem>> -> memref<1x128xi32, #tpu.memory_space<vmem>>
      %dma_start3A_55 = tpu.memref_squeeze %dma_start3A_54 : memref<1x128xi32, #tpu.memory_space<vmem>> -> memref<128xi32, #tpu.memory_space<vmem>>
      %dma_start3A_56 = arith.constant 0 : i32
      %dma_start3A_57 = arith.constant 0 : i32
      %dma_start3A_58 = tpu.memref_slice %arg9[%dma_start3A_56, %dma_start3A_57] : memref<100352x16xf32, #tpu.memory_space<vmem_shared>> -> memref<100352x16xf32, #tpu.memory_space<vmem_shared>>
      tpu.enqueue_indirect_dma source(%arg8 : memref<128x16xf32, #tpu.memory_space<vmem>>) target(%dma_start3A_58 : memref<100352x16xf32, #tpu.memory_space<vmem_shared>>) offsets(%dma_start3A_55 : memref<128xi32, #tpu.memory_space<vmem>>) semaphore(%arg10 : memref<!tpu.dma_semaphore, #tpu.memory_space<semaphore_mem>>) {add = true}
      %dma_start3A_59 = arith.constant 3 : i32
      %dma_start3A_60 = arith.constant 0 : i32
      %dma_start3A_61 = tpu.memref_slice %arg6[%dma_start3A_59, %dma_start3A_60] : memref<4x128xi32, #tpu.memory_space<vmem>> -> memref<1x128xi32, #tpu.memory_space<vmem>>
      %dma_start3A_62 = tpu.memref_squeeze %dma_start3A_61 : memref<1x128xi32, #tpu.memory_space<vmem>> -> memref<128xi32, #tpu.memory_space<vmem>>
      %dma_start3A_63 = arith.constant 0 : i32
      %dma_start3A_64 = arith.constant 0 : i32
      %dma_start3A_65 = tpu.memref_slice %arg9[%dma_start3A_63, %dma_start3A_64] : memref<100352x16xf32, #tpu.memory_space<vmem_shared>> -> memref<100352x16xf32, #tpu.memory_space<vmem_shared>>
      tpu.enqueue_indirect_dma source(%arg8 : memref<128x16xf32, #tpu.memory_space<vmem>>) target(%dma_start3A_65 : memref<100352x16xf32, #tpu.memory_space<vmem_shared>>) offsets(%dma_start3A_62 : memref<128xi32, #tpu.memory_space<vmem>>) semaphore(%arg10 : memref<!tpu.dma_semaphore, #tpu.memory_space<semaphore_mem>>) {add = true}
      %dma_wait3A_66 = arith.constant 1 : i32
      %dma_wait3A_67 = arith.constant 0 : i32
      %dma_wait3A_68 = tpu.memref_slice %arg2[%dma_wait3A_66, %add3A_24, %dma_wait3A_67] : memref<2x12544x128xi32, #tpu.memory_space<hbm>> -> memref<1x4x128xi32, #tpu.memory_space<hbm>>
      %dma_wait3A_69 = tpu.memref_squeeze %dma_wait3A_68 : memref<1x4x128xi32, #tpu.memory_space<hbm>> -> memref<4x128xi32, #tpu.memory_space<hbm>>
      %dma_wait3A_70 = arith.constant 0 : i32
      %dma_wait3A_71 = tpu.memref_slice %arg2[%dma_wait3A_66, %add3A_24, %dma_wait3A_70] : memref<2x12544x128xi32, #tpu.memory_space<hbm>> -> memref<1x4x128xi32, #tpu.memory_space<hbm>>
      %dma_wait3A_72 = tpu.memref_squeeze %dma_wait3A_71 : memref<1x4x128xi32, #tpu.memory_space<hbm>> -> memref<4x128xi32, #tpu.memory_space<hbm>>
      tpu.wait_dma2 semaphore(%arg11 : memref<!tpu.dma_semaphore, #tpu.memory_space<semaphore_mem>>) src(%dma_wait3A_72 : memref<4x128xi32, #tpu.memory_space<hbm>>) dst(%arg7 : memref<4x128xi32, #tpu.memory_space<vmem>>)
      %dma_wait3A_73 = arith.constant 0 : i32
      %dma_wait3A_74 = arith.constant 0 : i32
      %dma_wait3A_75 = tpu.memref_slice %arg6[%dma_wait3A_73, %dma_wait3A_74] : memref<4x128xi32, #tpu.memory_space<vmem>> -> memref<1x128xi32, #tpu.memory_space<vmem>>
      %dma_wait3A_76 = tpu.memref_squeeze %dma_wait3A_75 : memref<1x128xi32, #tpu.memory_space<vmem>> -> memref<128xi32, #tpu.memory_space<vmem>>
      %dma_wait3A_77 = arith.constant 0 : i32
      %dma_wait3A_78 = arith.constant 0 : i32
      %dma_wait3A_79 = tpu.memref_slice %arg9[%dma_wait3A_77, %dma_wait3A_78] : memref<100352x16xf32, #tpu.memory_space<vmem_shared>> -> memref<100352x16xf32, #tpu.memory_space<vmem_shared>>
      tpu.wait_indirect_dma semaphore(%arg10 : memref<!tpu.dma_semaphore, #tpu.memory_space<semaphore_mem>>) src(%arg8 : memref<128x16xf32, #tpu.memory_space<vmem>>) dst(%dma_wait3A_79 : memref<100352x16xf32, #tpu.memory_space<vmem_shared>>)
      %dma_wait3A_80 = arith.constant 1 : i32
      %dma_wait3A_81 = arith.constant 0 : i32
      %dma_wait3A_82 = tpu.memref_slice %arg6[%dma_wait3A_80, %dma_wait3A_81] : memref<4x128xi32, #tpu.memory_space<vmem>> -> memref<1x128xi32, #tpu.memory_space<vmem>>
      %dma_wait3A_83 = tpu.memref_squeeze %dma_wait3A_82 : memref<1x128xi32, #tpu.memory_space<vmem>> -> memref<128xi32, #tpu.memory_space<vmem>>
      %dma_wait3A_84 = arith.constant 0 : i32
      %dma_wait3A_85 = arith.constant 0 : i32
      %dma_wait3A_86 = tpu.memref_slice %arg9[%dma_wait3A_84, %dma_wait3A_85] : memref<100352x16xf32, #tpu.memory_space<vmem_shared>> -> memref<100352x16xf32, #tpu.memory_space<vmem_shared>>
      tpu.wait_indirect_dma semaphore(%arg10 : memref<!tpu.dma_semaphore, #tpu.memory_space<semaphore_mem>>) src(%arg8 : memref<128x16xf32, #tpu.memory_space<vmem>>) dst(%dma_wait3A_86 : memref<100352x16xf32, #tpu.memory_space<vmem_shared>>)
      %dma_wait3A_87 = arith.constant 2 : i32
      %dma_wait3A_88 = arith.constant 0 : i32
      %dma_wait3A_89 = tpu.memref_slice %arg6[%dma_wait3A_87, %dma_wait3A_88] : memref<4x128xi32, #tpu.memory_space<vmem>> -> memref<1x128xi32, #tpu.memory_space<vmem>>
      %dma_wait3A_90 = tpu.memref_squeeze %dma_wait3A_89 : memref<1x128xi32, #tpu.memory_space<vmem>> -> memref<128xi32, #tpu.memory_space<vmem>>
      %dma_wait3A_91 = arith.constant 0 : i32
      %dma_wait3A_92 = arith.constant 0 : i32
      %dma_wait3A_93 = tpu.memref_slice %arg9[%dma_wait3A_91, %dma_wait3A_92] : memref<100352x16xf32, #tpu.memory_space<vmem_shared>> -> memref<100352x16xf32, #tpu.memory_space<vmem_shared>>
      tpu.wait_indirect_dma semaphore(%arg10 : memref<!tpu.dma_semaphore, #tpu.memory_space<semaphore_mem>>) src(%arg8 : memref<128x16xf32, #tpu.memory_space<vmem>>) dst(%dma_wait3A_93 : memref<100352x16xf32, #tpu.memory_space<vmem_shared>>)
      %dma_wait3A_94 = arith.constant 3 : i32
      %dma_wait3A_95 = arith.constant 0 : i32
      %dma_wait3A_96 = tpu.memref_slice %arg6[%dma_wait3A_94, %dma_wait3A_95] : memref<4x128xi32, #tpu.memory_space<vmem>> -> memref<1x128xi32, #tpu.memory_space<vmem>>
      %dma_wait3A_97 = tpu.memref_squeeze %dma_wait3A_96 : memref<1x128xi32, #tpu.memory_space<vmem>> -> memref<128xi32, #tpu.memory_space<vmem>>
      %dma_wait3A_98 = arith.constant 0 : i32
      %dma_wait3A_99 = arith.constant 0 : i32
      %dma_wait3A_100 = tpu.memref_slice %arg9[%dma_wait3A_98, %dma_wait3A_99] : memref<100352x16xf32, #tpu.memory_space<vmem_shared>> -> memref<100352x16xf32, #tpu.memory_space<vmem_shared>>
      tpu.wait_indirect_dma semaphore(%arg10 : memref<!tpu.dma_semaphore, #tpu.memory_space<semaphore_mem>>) src(%arg8 : memref<128x16xf32, #tpu.memory_space<vmem>>) dst(%dma_wait3A_100 : memref<100352x16xf32, #tpu.memory_space<vmem_shared>>)
      %dma_start3A_101 = arith.constant 0 : i32
      %dma_start3A_102 = arith.constant 0 : i32
      %dma_start3A_103 = tpu.memref_slice %arg7[%dma_start3A_101, %dma_start3A_102] : memref<4x128xi32, #tpu.memory_space<vmem>> -> memref<1x128xi32, #tpu.memory_space<vmem>>
      %dma_start3A_104 = tpu.memref_squeeze %dma_start3A_103 : memref<1x128xi32, #tpu.memory_space<vmem>> -> memref<128xi32, #tpu.memory_space<vmem>>
      %dma_start3A_105 = arith.constant 0 : i32
      %dma_start3A_106 = arith.constant 0 : i32
      %dma_start3A_107 = tpu.memref_slice %arg9[%dma_start3A_105, %dma_start3A_106] : memref<100352x16xf32, #tpu.memory_space<vmem_shared>> -> memref<100352x16xf32, #tpu.memory_space<vmem_shared>>
      tpu.enqueue_indirect_dma source(%arg8 : memref<128x16xf32, #tpu.memory_space<vmem>>) target(%dma_start3A_107 : memref<100352x16xf32, #tpu.memory_space<vmem_shared>>) offsets(%dma_start3A_104 : memref<128xi32, #tpu.memory_space<vmem>>) semaphore(%arg11 : memref<!tpu.dma_semaphore, #tpu.memory_space<semaphore_mem>>) {add = true}
      %dma_start3A_108 = arith.constant 1 : i32
      %dma_start3A_109 = arith.constant 0 : i32
      %dma_start3A_110 = tpu.memref_slice %arg7[%dma_start3A_108, %dma_start3A_109] : memref<4x128xi32, #tpu.memory_space<vmem>> -> memref<1x128xi32, #tpu.memory_space<vmem>>
      %dma_start3A_111 = tpu.memref_squeeze %dma_start3A_110 : memref<1x128xi32, #tpu.memory_space<vmem>> -> memref<128xi32, #tpu.memory_space<vmem>>
      %dma_start3A_112 = arith.constant 0 : i32
      %dma_start3A_113 = arith.constant 0 : i32
      %dma_start3A_114 = tpu.memref_slice %arg9[%dma_start3A_112, %dma_start3A_113] : memref<100352x16xf32, #tpu.memory_space<vmem_shared>> -> memref<100352x16xf32, #tpu.memory_space<vmem_shared>>
      tpu.enqueue_indirect_dma source(%arg8 : memref<128x16xf32, #tpu.memory_space<vmem>>) target(%dma_start3A_114 : memref<100352x16xf32, #tpu.memory_space<vmem_shared>>) offsets(%dma_start3A_111 : memref<128xi32, #tpu.memory_space<vmem>>) semaphore(%arg11 : memref<!tpu.dma_semaphore, #tpu.memory_space<semaphore_mem>>) {add = true}
      %dma_start3A_115 = arith.constant 2 : i32
      %dma_start3A_116 = arith.constant 0 : i32
      %dma_start3A_117 = tpu.memref_slice %arg7[%dma_start3A_115, %dma_start3A_116] : memref<4x128xi32, #tpu.memory_space<vmem>> -> memref<1x128xi32, #tpu.memory_space<vmem>>
      %dma_start3A_118 = tpu.memref_squeeze %dma_start3A_117 : memref<1x128xi32, #tpu.memory_space<vmem>> -> memref<128xi32, #tpu.memory_space<vmem>>
      %dma_start3A_119 = arith.constant 0 : i32
      %dma_start3A_120 = arith.constant 0 : i32
      %dma_start3A_121 = tpu.memref_slice %arg9[%dma_start3A_119, %dma_start3A_120] : memref<100352x16xf32, #tpu.memory_space<vmem_shared>> -> memref<100352x16xf32, #tpu.memory_space<vmem_shared>>
      tpu.enqueue_indirect_dma source(%arg8 : memref<128x16xf32, #tpu.memory_space<vmem>>) target(%dma_start3A_121 : memref<100352x16xf32, #tpu.memory_space<vmem_shared>>) offsets(%dma_start3A_118 : memref<128xi32, #tpu.memory_space<vmem>>) semaphore(%arg11 : memref<!tpu.dma_semaphore, #tpu.memory_space<semaphore_mem>>) {add = true}
      %dma_start3A_122 = arith.constant 3 : i32
      %dma_start3A_123 = arith.constant 0 : i32
      %dma_start3A_124 = tpu.memref_slice %arg7[%dma_start3A_122, %dma_start3A_123] : memref<4x128xi32, #tpu.memory_space<vmem>> -> memref<1x128xi32, #tpu.memory_space<vmem>>
      %dma_start3A_125 = tpu.memref_squeeze %dma_start3A_124 : memref<1x128xi32, #tpu.memory_space<vmem>> -> memref<128xi32, #tpu.memory_space<vmem>>
      %dma_start3A_126 = arith.constant 0 : i32
      %dma_start3A_127 = arith.constant 0 : i32
      %dma_start3A_128 = tpu.memref_slice %arg9[%dma_start3A_126, %dma_start3A_127] : memref<100352x16xf32, #tpu.memory_space<vmem_shared>> -> memref<100352x16xf32, #tpu.memory_space<vmem_shared>>
      tpu.enqueue_indirect_dma source(%arg8 : memref<128x16xf32, #tpu.memory_space<vmem>>) target(%dma_start3A_128 : memref<100352x16xf32, #tpu.memory_space<vmem_shared>>) offsets(%dma_start3A_125 : memref<128xi32, #tpu.memory_space<vmem>>) semaphore(%arg11 : memref<!tpu.dma_semaphore, #tpu.memory_space<semaphore_mem>>) {add = true}
      %dma_wait3A_129 = arith.constant 0 : i32
      %dma_wait3A_130 = arith.constant 0 : i32
      %dma_wait3A_131 = tpu.memref_slice %arg7[%dma_wait3A_129, %dma_wait3A_130] : memref<4x128xi32, #tpu.memory_space<vmem>> -> memref<1x128xi32, #tpu.memory_space<vmem>>
      %dma_wait3A_132 = tpu.memref_squeeze %dma_wait3A_131 : memref<1x128xi32, #tpu.memory_space<vmem>> -> memref<128xi32, #tpu.memory_space<vmem>>
      %dma_wait3A_133 = arith.constant 0 : i32
      %dma_wait3A_134 = arith.constant 0 : i32
      %dma_wait3A_135 = tpu.memref_slice %arg9[%dma_wait3A_133, %dma_wait3A_134] : memref<100352x16xf32, #tpu.memory_space<vmem_shared>> -> memref<100352x16xf32, #tpu.memory_space<vmem_shared>>
      tpu.wait_indirect_dma semaphore(%arg11 : memref<!tpu.dma_semaphore, #tpu.memory_space<semaphore_mem>>) src(%arg8 : memref<128x16xf32, #tpu.memory_space<vmem>>) dst(%dma_wait3A_135 : memref<100352x16xf32, #tpu.memory_space<vmem_shared>>)
      %dma_wait3A_136 = arith.constant 1 : i32
      %dma_wait3A_137 = arith.constant 0 : i32
      %dma_wait3A_138 = tpu.memref_slice %arg7[%dma_wait3A_136, %dma_wait3A_137] : memref<4x128xi32, #tpu.memory_space<vmem>> -> memref<1x128xi32, #tpu.memory_space<vmem>>
      %dma_wait3A_139 = tpu.memref_squeeze %dma_wait3A_138 : memref<1x128xi32, #tpu.memory_space<vmem>> -> memref<128xi32, #tpu.memory_space<vmem>>
      %dma_wait3A_140 = arith.constant 0 : i32
      %dma_wait3A_141 = arith.constant 0 : i32
      %dma_wait3A_142 = tpu.memref_slice %arg9[%dma_wait3A_140, %dma_wait3A_141] : memref<100352x16xf32, #tpu.memory_space<vmem_shared>> -> memref<100352x16xf32, #tpu.memory_space<vmem_shared>>
      tpu.wait_indirect_dma semaphore(%arg11 : memref<!tpu.dma_semaphore, #tpu.memory_space<semaphore_mem>>) src(%arg8 : memref<128x16xf32, #tpu.memory_space<vmem>>) dst(%dma_wait3A_142 : memref<100352x16xf32, #tpu.memory_space<vmem_shared>>)
      %dma_wait3A_143 = arith.constant 2 : i32
      %dma_wait3A_144 = arith.constant 0 : i32
      %dma_wait3A_145 = tpu.memref_slice %arg7[%dma_wait3A_143, %dma_wait3A_144] : memref<4x128xi32, #tpu.memory_space<vmem>> -> memref<1x128xi32, #tpu.memory_space<vmem>>
      %dma_wait3A_146 = tpu.memref_squeeze %dma_wait3A_145 : memref<1x128xi32, #tpu.memory_space<vmem>> -> memref<128xi32, #tpu.memory_space<vmem>>
      %dma_wait3A_147 = arith.constant 0 : i32
      %dma_wait3A_148 = arith.constant 0 : i32
      %dma_wait3A_149 = tpu.memref_slice %arg9[%dma_wait3A_147, %dma_wait3A_148] : memref<100352x16xf32, #tpu.memory_space<vmem_shared>> -> memref<100352x16xf32, #tpu.memory_space<vmem_shared>>
      tpu.wait_indirect_dma semaphore(%arg11 : memref<!tpu.dma_semaphore, #tpu.memory_space<semaphore_mem>>) src(%arg8 : memref<128x16xf32, #tpu.memory_space<vmem>>) dst(%dma_wait3A_149 : memref<100352x16xf32, #tpu.memory_space<vmem_shared>>)
      %dma_wait3A_150 = arith.constant 3 : i32
      %dma_wait3A_151 = arith.constant 0 : i32
      %dma_wait3A_152 = tpu.memref_slice %arg7[%dma_wait3A_150, %dma_wait3A_151] : memref<4x128xi32, #tpu.memory_space<vmem>> -> memref<1x128xi32, #tpu.memory_space<vmem>>
      %dma_wait3A_153 = tpu.memref_squeeze %dma_wait3A_152 : memref<1x128xi32, #tpu.memory_space<vmem>> -> memref<128xi32, #tpu.memory_space<vmem>>
      %dma_wait3A_154 = arith.constant 0 : i32
      %dma_wait3A_155 = arith.constant 0 : i32
      %dma_wait3A_156 = tpu.memref_slice %arg9[%dma_wait3A_154, %dma_wait3A_155] : memref<100352x16xf32, #tpu.memory_space<vmem_shared>> -> memref<100352x16xf32, #tpu.memory_space<vmem_shared>>
      tpu.wait_indirect_dma semaphore(%arg11 : memref<!tpu.dma_semaphore, #tpu.memory_space<semaphore_mem>>) src(%arg8 : memref<128x16xf32, #tpu.memory_space<vmem>>) dst(%dma_wait3A_156 : memref<100352x16xf32, #tpu.memory_space<vmem_shared>>)
    }
    %scan3A_8 = arith.constant 49 : i32
    %barrier3A_9 = arith.constant 0 : index
    tpu.barrier barrier_id(%barrier3A_9)
    "tpu.region"() ({
      %run_scoped3A = tpu.sem_alloc : memref<!tpu.dma_semaphore, #tpu.memory_space<semaphore_mem>>
      %dma_start3A = arith.constant 0 : i32
      %dma_start3A_10 = tpu.memref_slice %arg5[%arg0, %mul3A_0, %dma_start3A] : memref<2x100352x16xf32, #tpu.memory_space<hbm>> -> memref<1x6272x16xf32, #tpu.memory_space<hbm>>
      %dma_start3A_11 = tpu.memref_squeeze %dma_start3A_10 : memref<1x6272x16xf32, #tpu.memory_space<hbm>> -> memref<6272x16xf32, #tpu.memory_space<hbm>>
      %dma_start3A_12 = arith.constant 0 : i32
      %dma_start3A_13 = tpu.memref_slice %arg9[%mul3A_0, %dma_start3A_12] : memref<100352x16xf32, #tpu.memory_space<vmem_shared>> -> memref<6272x16xf32, #tpu.memory_space<vmem_shared>>
      tpu.enqueue_dma source(%dma_start3A_13 : memref<6272x16xf32, #tpu.memory_space<vmem_shared>>) target(%dma_start3A_11 : memref<6272x16xf32, #tpu.memory_space<hbm>>) target_semaphore(%run_scoped3A : memref<!tpu.dma_semaphore, #tpu.memory_space<semaphore_mem>>)
      %dma_wait3A = arith.constant 0 : i32
      %dma_wait3A_14 = tpu.memref_slice %arg5[%arg0, %mul3A_0, %dma_wait3A] : memref<2x100352x16xf32, #tpu.memory_space<hbm>> -> memref<1x6272x16xf32, #tpu.memory_space<hbm>>
      %dma_wait3A_15 = tpu.memref_squeeze %dma_wait3A_14 : memref<1x6272x16xf32, #tpu.memory_space<hbm>> -> memref<6272x16xf32, #tpu.memory_space<hbm>>
      %dma_wait3A_16 = arith.constant 0 : i32
      %dma_wait3A_17 = tpu.memref_slice %arg9[%mul3A_0, %dma_wait3A_16] : memref<100352x16xf32, #tpu.memory_space<vmem_shared>> -> memref<6272x16xf32, #tpu.memory_space<vmem_shared>>
      tpu.wait_dma2 semaphore(%run_scoped3A : memref<!tpu.dma_semaphore, #tpu.memory_space<semaphore_mem>>) src(%dma_wait3A_17 : memref<6272x16xf32, #tpu.memory_space<vmem_shared>>) dst(%dma_wait3A_15 : memref<6272x16xf32, #tpu.memory_space<hbm>>)
      tpu.yield
    }) : () -> ()
    return
  }
}

#map = affine_map<(d0, d1) -> (0, 0, 0)>
#map1 = affine_map<(d0, d1) -> (0, 0)>
module attributes {stable_mosaic.version = 14 : i64} {
  func.func @_agg16_body(%arg0: i32, %arg1: i32, %arg2: memref<2x12544x128xi32, #tpu.memory_space<hbm>>, %arg3: memref<2x100352x16xf32, #tpu.memory_space<hbm>>, %arg4: memref<100352x16xf32, #tpu.memory_space<hbm>>, %arg5: memref<2x100352x16xf32, #tpu.memory_space<hbm>>, %arg6: memref<4x128xi32, #tpu.memory_space<vmem>>, %arg7: memref<4x128xi32, #tpu.memory_space<vmem>>, %arg8: memref<4x128xi32, #tpu.memory_space<vmem>>, %arg9: memref<4x128xi32, #tpu.memory_space<vmem>>, %arg10: memref<512x16xf32, #tpu.memory_space<vmem>>, %arg11: memref<512x16xf32, #tpu.memory_space<vmem>>, %arg12: memref<100352x16xf32, #tpu.memory_space<vmem_shared>>, %arg13: memref<!tpu.dma_semaphore, #tpu.memory_space<semaphore_mem>>, %arg14: memref<!tpu.dma_semaphore, #tpu.memory_space<semaphore_mem>>, %arg15: memref<!tpu.dma_semaphore, #tpu.memory_space<semaphore_mem>>, %arg16: memref<!tpu.dma_semaphore, #tpu.memory_space<semaphore_mem>>) attributes {dimension_semantics = [#tpu.dimension_semantics<core_parallel>, #tpu.dimension_semantics<subcore_parallel>], iteration_bounds = array<i64: 2, 16>, scalar_prefetch = 0 : i64, scratch_operands = 11 : i64, tpu.core_type = #tpu.core_type<sc_vector_subcore>, window_params = [{transform_indices = #map}, {transform_indices = #map}, {transform_indices = #map1}, {transform_indices = #map}]} {
    %mul3A = arith.constant 6272 : i32
    %mul3A_0 = arith.muli %arg1, %mul3A : i32
    "tpu.region"() ({
      %run_scoped3A = tpu.sem_alloc : memref<!tpu.dma_semaphore, #tpu.memory_space<semaphore_mem>>
      %dma_start3A = arith.constant 0 : i32
      %dma_start3A_8 = tpu.memref_slice %arg12[%mul3A_0, %dma_start3A] : memref<100352x16xf32, #tpu.memory_space<vmem_shared>> -> memref<6272x16xf32, #tpu.memory_space<vmem_shared>>
      %dma_start3A_9 = arith.constant 0 : i32
      %dma_start3A_10 = tpu.memref_slice %arg4[%mul3A_0, %dma_start3A_9] : memref<100352x16xf32, #tpu.memory_space<hbm>> -> memref<6272x16xf32, #tpu.memory_space<hbm>>
      tpu.enqueue_dma source(%dma_start3A_10 : memref<6272x16xf32, #tpu.memory_space<hbm>>) target(%dma_start3A_8 : memref<6272x16xf32, #tpu.memory_space<vmem_shared>>) target_semaphore(%run_scoped3A : memref<!tpu.dma_semaphore, #tpu.memory_space<semaphore_mem>>)
      %dma_wait3A = arith.constant 0 : i32
      %dma_wait3A_11 = tpu.memref_slice %arg12[%mul3A_0, %dma_wait3A] : memref<100352x16xf32, #tpu.memory_space<vmem_shared>> -> memref<6272x16xf32, #tpu.memory_space<vmem_shared>>
      %dma_wait3A_12 = arith.constant 0 : i32
      %dma_wait3A_13 = tpu.memref_slice %arg4[%mul3A_0, %dma_wait3A_12] : memref<100352x16xf32, #tpu.memory_space<hbm>> -> memref<6272x16xf32, #tpu.memory_space<hbm>>
      tpu.wait_dma2 semaphore(%run_scoped3A : memref<!tpu.dma_semaphore, #tpu.memory_space<semaphore_mem>>) src(%dma_wait3A_13 : memref<6272x16xf32, #tpu.memory_space<hbm>>) dst(%dma_wait3A_11 : memref<6272x16xf32, #tpu.memory_space<vmem_shared>>)
      tpu.yield
    }) : () -> ()
    %barrier3A = arith.constant 0 : index
    tpu.barrier barrier_id(%barrier3A)
    %mul3A_1 = arith.constant 784 : i32
    %mul3A_2 = arith.muli %arg1, %mul3A_1 : i32
    %scan3A = arith.constant 0 : i32
    %scan3A_3 = arith.constant 98 : i32
    %scan3A_4 = arith.addi %scan3A, %scan3A_3 : i32
    %scan3A_5 = arith.constant 1 : i32
    scf.for %scan3A_8 = %scan3A to %scan3A_4 step %scan3A_5  : i32 {
      %mul3A_9 = arith.constant 8 : i32
      %mul3A_10 = arith.muli %scan3A_8, %mul3A_9 : i32
      %add3A = arith.constant 0 : i32
      %add3A_11 = arith.addi %add3A, %mul3A_10 : i32
      %add3A_12 = arith.addi %mul3A_2, %add3A_11 : i32
      %add3A_13 = arith.addi %mul3A_2, %add3A_11 : i32
      %add3A_14 = arith.constant 4 : i32
      %add3A_15 = arith.addi %add3A_13, %add3A_14 : i32
      %dma_start3A = arith.constant 0 : i32
      %dma_start3A_16 = arith.constant 0 : i32
      %dma_start3A_17 = tpu.memref_slice %arg2[%dma_start3A, %add3A_12, %dma_start3A_16] : memref<2x12544x128xi32, #tpu.memory_space<hbm>> -> memref<1x4x128xi32, #tpu.memory_space<hbm>>
      %dma_start3A_18 = tpu.memref_squeeze %dma_start3A_17 : memref<1x4x128xi32, #tpu.memory_space<hbm>> -> memref<4x128xi32, #tpu.memory_space<hbm>>
      %dma_start3A_19 = arith.constant 0 : i32
      %dma_start3A_20 = tpu.memref_slice %arg2[%dma_start3A, %add3A_12, %dma_start3A_19] : memref<2x12544x128xi32, #tpu.memory_space<hbm>> -> memref<1x4x128xi32, #tpu.memory_space<hbm>>
      %dma_start3A_21 = tpu.memref_squeeze %dma_start3A_20 : memref<1x4x128xi32, #tpu.memory_space<hbm>> -> memref<4x128xi32, #tpu.memory_space<hbm>>
      tpu.enqueue_dma source(%dma_start3A_21 : memref<4x128xi32, #tpu.memory_space<hbm>>) target(%arg6 : memref<4x128xi32, #tpu.memory_space<vmem>>) target_semaphore(%arg13 : memref<!tpu.dma_semaphore, #tpu.memory_space<semaphore_mem>>)
      %dma_start3A_22 = arith.constant 1 : i32
      %dma_start3A_23 = arith.constant 0 : i32
      %dma_start3A_24 = tpu.memref_slice %arg2[%dma_start3A_22, %add3A_12, %dma_start3A_23] : memref<2x12544x128xi32, #tpu.memory_space<hbm>> -> memref<1x4x128xi32, #tpu.memory_space<hbm>>
      %dma_start3A_25 = tpu.memref_squeeze %dma_start3A_24 : memref<1x4x128xi32, #tpu.memory_space<hbm>> -> memref<4x128xi32, #tpu.memory_space<hbm>>
      %dma_start3A_26 = arith.constant 0 : i32
      %dma_start3A_27 = tpu.memref_slice %arg2[%dma_start3A_22, %add3A_12, %dma_start3A_26] : memref<2x12544x128xi32, #tpu.memory_space<hbm>> -> memref<1x4x128xi32, #tpu.memory_space<hbm>>
      %dma_start3A_28 = tpu.memref_squeeze %dma_start3A_27 : memref<1x4x128xi32, #tpu.memory_space<hbm>> -> memref<4x128xi32, #tpu.memory_space<hbm>>
      tpu.enqueue_dma source(%dma_start3A_28 : memref<4x128xi32, #tpu.memory_space<hbm>>) target(%arg7 : memref<4x128xi32, #tpu.memory_space<vmem>>) target_semaphore(%arg13 : memref<!tpu.dma_semaphore, #tpu.memory_space<semaphore_mem>>)
      %dma_start3A_29 = arith.constant 0 : i32
      %dma_start3A_30 = arith.constant 0 : i32
      %dma_start3A_31 = tpu.memref_slice %arg2[%dma_start3A_29, %add3A_15, %dma_start3A_30] : memref<2x12544x128xi32, #tpu.memory_space<hbm>> -> memref<1x4x128xi32, #tpu.memory_space<hbm>>
      %dma_start3A_32 = tpu.memref_squeeze %dma_start3A_31 : memref<1x4x128xi32, #tpu.memory_space<hbm>> -> memref<4x128xi32, #tpu.memory_space<hbm>>
      %dma_start3A_33 = arith.constant 0 : i32
      %dma_start3A_34 = tpu.memref_slice %arg2[%dma_start3A_29, %add3A_15, %dma_start3A_33] : memref<2x12544x128xi32, #tpu.memory_space<hbm>> -> memref<1x4x128xi32, #tpu.memory_space<hbm>>
      %dma_start3A_35 = tpu.memref_squeeze %dma_start3A_34 : memref<1x4x128xi32, #tpu.memory_space<hbm>> -> memref<4x128xi32, #tpu.memory_space<hbm>>
      tpu.enqueue_dma source(%dma_start3A_35 : memref<4x128xi32, #tpu.memory_space<hbm>>) target(%arg8 : memref<4x128xi32, #tpu.memory_space<vmem>>) target_semaphore(%arg14 : memref<!tpu.dma_semaphore, #tpu.memory_space<semaphore_mem>>)
      %dma_start3A_36 = arith.constant 1 : i32
      %dma_start3A_37 = arith.constant 0 : i32
      %dma_start3A_38 = tpu.memref_slice %arg2[%dma_start3A_36, %add3A_15, %dma_start3A_37] : memref<2x12544x128xi32, #tpu.memory_space<hbm>> -> memref<1x4x128xi32, #tpu.memory_space<hbm>>
      %dma_start3A_39 = tpu.memref_squeeze %dma_start3A_38 : memref<1x4x128xi32, #tpu.memory_space<hbm>> -> memref<4x128xi32, #tpu.memory_space<hbm>>
      %dma_start3A_40 = arith.constant 0 : i32
      %dma_start3A_41 = tpu.memref_slice %arg2[%dma_start3A_36, %add3A_15, %dma_start3A_40] : memref<2x12544x128xi32, #tpu.memory_space<hbm>> -> memref<1x4x128xi32, #tpu.memory_space<hbm>>
      %dma_start3A_42 = tpu.memref_squeeze %dma_start3A_41 : memref<1x4x128xi32, #tpu.memory_space<hbm>> -> memref<4x128xi32, #tpu.memory_space<hbm>>
      tpu.enqueue_dma source(%dma_start3A_42 : memref<4x128xi32, #tpu.memory_space<hbm>>) target(%arg9 : memref<4x128xi32, #tpu.memory_space<vmem>>) target_semaphore(%arg14 : memref<!tpu.dma_semaphore, #tpu.memory_space<semaphore_mem>>)
      %dma_wait3A = arith.constant 0 : i32
      %dma_wait3A_43 = arith.constant 0 : i32
      %dma_wait3A_44 = tpu.memref_slice %arg2[%dma_wait3A, %add3A_12, %dma_wait3A_43] : memref<2x12544x128xi32, #tpu.memory_space<hbm>> -> memref<1x4x128xi32, #tpu.memory_space<hbm>>
      %dma_wait3A_45 = tpu.memref_squeeze %dma_wait3A_44 : memref<1x4x128xi32, #tpu.memory_space<hbm>> -> memref<4x128xi32, #tpu.memory_space<hbm>>
      %dma_wait3A_46 = arith.constant 0 : i32
      %dma_wait3A_47 = tpu.memref_slice %arg2[%dma_wait3A, %add3A_12, %dma_wait3A_46] : memref<2x12544x128xi32, #tpu.memory_space<hbm>> -> memref<1x4x128xi32, #tpu.memory_space<hbm>>
      %dma_wait3A_48 = tpu.memref_squeeze %dma_wait3A_47 : memref<1x4x128xi32, #tpu.memory_space<hbm>> -> memref<4x128xi32, #tpu.memory_space<hbm>>
      tpu.wait_dma2 semaphore(%arg13 : memref<!tpu.dma_semaphore, #tpu.memory_space<semaphore_mem>>) src(%dma_wait3A_48 : memref<4x128xi32, #tpu.memory_space<hbm>>) dst(%arg6 : memref<4x128xi32, #tpu.memory_space<vmem>>)
      %dma_start3A_49 = arith.constant 0 : i32
      %dma_start3A_50 = arith.constant 0 : i32
      %dma_start3A_51 = arith.constant 0 : i32
      %dma_start3A_52 = tpu.memref_slice %arg10[%dma_start3A_50, %dma_start3A_51] : memref<512x16xf32, #tpu.memory_space<vmem>> -> memref<128x16xf32, #tpu.memory_space<vmem>>
      %dma_start3A_53 = arith.constant 0 : i32
      %dma_start3A_54 = tpu.memref_slice %arg6[%dma_start3A_49, %dma_start3A_53] : memref<4x128xi32, #tpu.memory_space<vmem>> -> memref<1x128xi32, #tpu.memory_space<vmem>>
      %dma_start3A_55 = tpu.memref_squeeze %dma_start3A_54 : memref<1x128xi32, #tpu.memory_space<vmem>> -> memref<128xi32, #tpu.memory_space<vmem>>
      %dma_start3A_56 = arith.constant 0 : i32
      %dma_start3A_57 = arith.constant 0 : i32
      %dma_start3A_58 = tpu.memref_slice %arg3[%arg0, %dma_start3A_56, %dma_start3A_57] : memref<2x100352x16xf32, #tpu.memory_space<hbm>> -> memref<1x100352x16xf32, #tpu.memory_space<hbm>>
      %dma_start3A_59 = tpu.memref_squeeze %dma_start3A_58 : memref<1x100352x16xf32, #tpu.memory_space<hbm>> -> memref<100352x16xf32, #tpu.memory_space<hbm>>
      %dma_start3A_60 = arith.constant 0 : i32
      %dma_start3A_61 = arith.constant 0 : i32
      %dma_start3A_62 = tpu.memref_slice %dma_start3A_59[%dma_start3A_60, %dma_start3A_61] : memref<100352x16xf32, #tpu.memory_space<hbm>> -> memref<100352x16xf32, #tpu.memory_space<hbm>>
      tpu.enqueue_indirect_dma source(%dma_start3A_62 : memref<100352x16xf32, #tpu.memory_space<hbm>>) target(%dma_start3A_52 : memref<128x16xf32, #tpu.memory_space<vmem>>) offsets(%dma_start3A_55 : memref<128xi32, #tpu.memory_space<vmem>>) semaphore(%arg15 : memref<!tpu.dma_semaphore, #tpu.memory_space<semaphore_mem>>)
      %dma_start3A_63 = arith.constant 1 : i32
      %dma_start3A_64 = arith.constant 128 : i32
      %dma_start3A_65 = arith.constant 0 : i32
      %dma_start3A_66 = tpu.memref_slice %arg10[%dma_start3A_64, %dma_start3A_65] : memref<512x16xf32, #tpu.memory_space<vmem>> -> memref<128x16xf32, #tpu.memory_space<vmem>>
      %dma_start3A_67 = arith.constant 0 : i32
      %dma_start3A_68 = tpu.memref_slice %arg6[%dma_start3A_63, %dma_start3A_67] : memref<4x128xi32, #tpu.memory_space<vmem>> -> memref<1x128xi32, #tpu.memory_space<vmem>>
      %dma_start3A_69 = tpu.memref_squeeze %dma_start3A_68 : memref<1x128xi32, #tpu.memory_space<vmem>> -> memref<128xi32, #tpu.memory_space<vmem>>
      %dma_start3A_70 = arith.constant 0 : i32
      %dma_start3A_71 = arith.constant 0 : i32
      %dma_start3A_72 = tpu.memref_slice %arg3[%arg0, %dma_start3A_70, %dma_start3A_71] : memref<2x100352x16xf32, #tpu.memory_space<hbm>> -> memref<1x100352x16xf32, #tpu.memory_space<hbm>>
      %dma_start3A_73 = tpu.memref_squeeze %dma_start3A_72 : memref<1x100352x16xf32, #tpu.memory_space<hbm>> -> memref<100352x16xf32, #tpu.memory_space<hbm>>
      %dma_start3A_74 = arith.constant 0 : i32
      %dma_start3A_75 = arith.constant 0 : i32
      %dma_start3A_76 = tpu.memref_slice %dma_start3A_73[%dma_start3A_74, %dma_start3A_75] : memref<100352x16xf32, #tpu.memory_space<hbm>> -> memref<100352x16xf32, #tpu.memory_space<hbm>>
      tpu.enqueue_indirect_dma source(%dma_start3A_76 : memref<100352x16xf32, #tpu.memory_space<hbm>>) target(%dma_start3A_66 : memref<128x16xf32, #tpu.memory_space<vmem>>) offsets(%dma_start3A_69 : memref<128xi32, #tpu.memory_space<vmem>>) semaphore(%arg15 : memref<!tpu.dma_semaphore, #tpu.memory_space<semaphore_mem>>)
      %dma_start3A_77 = arith.constant 2 : i32
      %dma_start3A_78 = arith.constant 256 : i32
      %dma_start3A_79 = arith.constant 0 : i32
      %dma_start3A_80 = tpu.memref_slice %arg10[%dma_start3A_78, %dma_start3A_79] : memref<512x16xf32, #tpu.memory_space<vmem>> -> memref<128x16xf32, #tpu.memory_space<vmem>>
      %dma_start3A_81 = arith.constant 0 : i32
      %dma_start3A_82 = tpu.memref_slice %arg6[%dma_start3A_77, %dma_start3A_81] : memref<4x128xi32, #tpu.memory_space<vmem>> -> memref<1x128xi32, #tpu.memory_space<vmem>>
      %dma_start3A_83 = tpu.memref_squeeze %dma_start3A_82 : memref<1x128xi32, #tpu.memory_space<vmem>> -> memref<128xi32, #tpu.memory_space<vmem>>
      %dma_start3A_84 = arith.constant 0 : i32
      %dma_start3A_85 = arith.constant 0 : i32
      %dma_start3A_86 = tpu.memref_slice %arg3[%arg0, %dma_start3A_84, %dma_start3A_85] : memref<2x100352x16xf32, #tpu.memory_space<hbm>> -> memref<1x100352x16xf32, #tpu.memory_space<hbm>>
      %dma_start3A_87 = tpu.memref_squeeze %dma_start3A_86 : memref<1x100352x16xf32, #tpu.memory_space<hbm>> -> memref<100352x16xf32, #tpu.memory_space<hbm>>
      %dma_start3A_88 = arith.constant 0 : i32
      %dma_start3A_89 = arith.constant 0 : i32
      %dma_start3A_90 = tpu.memref_slice %dma_start3A_87[%dma_start3A_88, %dma_start3A_89] : memref<100352x16xf32, #tpu.memory_space<hbm>> -> memref<100352x16xf32, #tpu.memory_space<hbm>>
      tpu.enqueue_indirect_dma source(%dma_start3A_90 : memref<100352x16xf32, #tpu.memory_space<hbm>>) target(%dma_start3A_80 : memref<128x16xf32, #tpu.memory_space<vmem>>) offsets(%dma_start3A_83 : memref<128xi32, #tpu.memory_space<vmem>>) semaphore(%arg15 : memref<!tpu.dma_semaphore, #tpu.memory_space<semaphore_mem>>)
      %dma_start3A_91 = arith.constant 3 : i32
      %dma_start3A_92 = arith.constant 384 : i32
      %dma_start3A_93 = arith.constant 0 : i32
      %dma_start3A_94 = tpu.memref_slice %arg10[%dma_start3A_92, %dma_start3A_93] : memref<512x16xf32, #tpu.memory_space<vmem>> -> memref<128x16xf32, #tpu.memory_space<vmem>>
      %dma_start3A_95 = arith.constant 0 : i32
      %dma_start3A_96 = tpu.memref_slice %arg6[%dma_start3A_91, %dma_start3A_95] : memref<4x128xi32, #tpu.memory_space<vmem>> -> memref<1x128xi32, #tpu.memory_space<vmem>>
      %dma_start3A_97 = tpu.memref_squeeze %dma_start3A_96 : memref<1x128xi32, #tpu.memory_space<vmem>> -> memref<128xi32, #tpu.memory_space<vmem>>
      %dma_start3A_98 = arith.constant 0 : i32
      %dma_start3A_99 = arith.constant 0 : i32
      %dma_start3A_100 = tpu.memref_slice %arg3[%arg0, %dma_start3A_98, %dma_start3A_99] : memref<2x100352x16xf32, #tpu.memory_space<hbm>> -> memref<1x100352x16xf32, #tpu.memory_space<hbm>>
      %dma_start3A_101 = tpu.memref_squeeze %dma_start3A_100 : memref<1x100352x16xf32, #tpu.memory_space<hbm>> -> memref<100352x16xf32, #tpu.memory_space<hbm>>
      %dma_start3A_102 = arith.constant 0 : i32
      %dma_start3A_103 = arith.constant 0 : i32
      %dma_start3A_104 = tpu.memref_slice %dma_start3A_101[%dma_start3A_102, %dma_start3A_103] : memref<100352x16xf32, #tpu.memory_space<hbm>> -> memref<100352x16xf32, #tpu.memory_space<hbm>>
      tpu.enqueue_indirect_dma source(%dma_start3A_104 : memref<100352x16xf32, #tpu.memory_space<hbm>>) target(%dma_start3A_94 : memref<128x16xf32, #tpu.memory_space<vmem>>) offsets(%dma_start3A_97 : memref<128xi32, #tpu.memory_space<vmem>>) semaphore(%arg15 : memref<!tpu.dma_semaphore, #tpu.memory_space<semaphore_mem>>)
      %dma_wait3A_105 = arith.constant 1 : i32
      %dma_wait3A_106 = arith.constant 0 : i32
      %dma_wait3A_107 = tpu.memref_slice %arg2[%dma_wait3A_105, %add3A_12, %dma_wait3A_106] : memref<2x12544x128xi32, #tpu.memory_space<hbm>> -> memref<1x4x128xi32, #tpu.memory_space<hbm>>
      %dma_wait3A_108 = tpu.memref_squeeze %dma_wait3A_107 : memref<1x4x128xi32, #tpu.memory_space<hbm>> -> memref<4x128xi32, #tpu.memory_space<hbm>>
      %dma_wait3A_109 = arith.constant 0 : i32
      %dma_wait3A_110 = tpu.memref_slice %arg2[%dma_wait3A_105, %add3A_12, %dma_wait3A_109] : memref<2x12544x128xi32, #tpu.memory_space<hbm>> -> memref<1x4x128xi32, #tpu.memory_space<hbm>>
      %dma_wait3A_111 = tpu.memref_squeeze %dma_wait3A_110 : memref<1x4x128xi32, #tpu.memory_space<hbm>> -> memref<4x128xi32, #tpu.memory_space<hbm>>
      tpu.wait_dma2 semaphore(%arg13 : memref<!tpu.dma_semaphore, #tpu.memory_space<semaphore_mem>>) src(%dma_wait3A_111 : memref<4x128xi32, #tpu.memory_space<hbm>>) dst(%arg7 : memref<4x128xi32, #tpu.memory_space<vmem>>)
      %dma_wait3A_112 = arith.constant 0 : i32
      %dma_wait3A_113 = arith.constant 0 : i32
      %dma_wait3A_114 = arith.constant 0 : i32
      %dma_wait3A_115 = tpu.memref_slice %arg10[%dma_wait3A_113, %dma_wait3A_114] : memref<512x16xf32, #tpu.memory_space<vmem>> -> memref<128x16xf32, #tpu.memory_space<vmem>>
      %dma_wait3A_116 = arith.constant 0 : i32
      %dma_wait3A_117 = tpu.memref_slice %arg6[%dma_wait3A_112, %dma_wait3A_116] : memref<4x128xi32, #tpu.memory_space<vmem>> -> memref<1x128xi32, #tpu.memory_space<vmem>>
      %dma_wait3A_118 = tpu.memref_squeeze %dma_wait3A_117 : memref<1x128xi32, #tpu.memory_space<vmem>> -> memref<128xi32, #tpu.memory_space<vmem>>
      %dma_wait3A_119 = arith.constant 0 : i32
      %dma_wait3A_120 = arith.constant 0 : i32
      %dma_wait3A_121 = tpu.memref_slice %arg3[%arg0, %dma_wait3A_119, %dma_wait3A_120] : memref<2x100352x16xf32, #tpu.memory_space<hbm>> -> memref<1x100352x16xf32, #tpu.memory_space<hbm>>
      %dma_wait3A_122 = tpu.memref_squeeze %dma_wait3A_121 : memref<1x100352x16xf32, #tpu.memory_space<hbm>> -> memref<100352x16xf32, #tpu.memory_space<hbm>>
      %dma_wait3A_123 = arith.constant 0 : i32
      %dma_wait3A_124 = arith.constant 0 : i32
      %dma_wait3A_125 = tpu.memref_slice %dma_wait3A_122[%dma_wait3A_123, %dma_wait3A_124] : memref<100352x16xf32, #tpu.memory_space<hbm>> -> memref<100352x16xf32, #tpu.memory_space<hbm>>
      tpu.wait_indirect_dma semaphore(%arg15 : memref<!tpu.dma_semaphore, #tpu.memory_space<semaphore_mem>>) src(%dma_wait3A_125 : memref<100352x16xf32, #tpu.memory_space<hbm>>) dst(%dma_wait3A_115 : memref<128x16xf32, #tpu.memory_space<vmem>>)
      %dma_wait3A_126 = arith.constant 1 : i32
      %dma_wait3A_127 = arith.constant 128 : i32
      %dma_wait3A_128 = arith.constant 0 : i32
      %dma_wait3A_129 = tpu.memref_slice %arg10[%dma_wait3A_127, %dma_wait3A_128] : memref<512x16xf32, #tpu.memory_space<vmem>> -> memref<128x16xf32, #tpu.memory_space<vmem>>
      %dma_wait3A_130 = arith.constant 0 : i32
      %dma_wait3A_131 = tpu.memref_slice %arg6[%dma_wait3A_126, %dma_wait3A_130] : memref<4x128xi32, #tpu.memory_space<vmem>> -> memref<1x128xi32, #tpu.memory_space<vmem>>
      %dma_wait3A_132 = tpu.memref_squeeze %dma_wait3A_131 : memref<1x128xi32, #tpu.memory_space<vmem>> -> memref<128xi32, #tpu.memory_space<vmem>>
      %dma_wait3A_133 = arith.constant 0 : i32
      %dma_wait3A_134 = arith.constant 0 : i32
      %dma_wait3A_135 = tpu.memref_slice %arg3[%arg0, %dma_wait3A_133, %dma_wait3A_134] : memref<2x100352x16xf32, #tpu.memory_space<hbm>> -> memref<1x100352x16xf32, #tpu.memory_space<hbm>>
      %dma_wait3A_136 = tpu.memref_squeeze %dma_wait3A_135 : memref<1x100352x16xf32, #tpu.memory_space<hbm>> -> memref<100352x16xf32, #tpu.memory_space<hbm>>
      %dma_wait3A_137 = arith.constant 0 : i32
      %dma_wait3A_138 = arith.constant 0 : i32
      %dma_wait3A_139 = tpu.memref_slice %dma_wait3A_136[%dma_wait3A_137, %dma_wait3A_138] : memref<100352x16xf32, #tpu.memory_space<hbm>> -> memref<100352x16xf32, #tpu.memory_space<hbm>>
      tpu.wait_indirect_dma semaphore(%arg15 : memref<!tpu.dma_semaphore, #tpu.memory_space<semaphore_mem>>) src(%dma_wait3A_139 : memref<100352x16xf32, #tpu.memory_space<hbm>>) dst(%dma_wait3A_129 : memref<128x16xf32, #tpu.memory_space<vmem>>)
      %dma_wait3A_140 = arith.constant 2 : i32
      %dma_wait3A_141 = arith.constant 256 : i32
      %dma_wait3A_142 = arith.constant 0 : i32
      %dma_wait3A_143 = tpu.memref_slice %arg10[%dma_wait3A_141, %dma_wait3A_142] : memref<512x16xf32, #tpu.memory_space<vmem>> -> memref<128x16xf32, #tpu.memory_space<vmem>>
      %dma_wait3A_144 = arith.constant 0 : i32
      %dma_wait3A_145 = tpu.memref_slice %arg6[%dma_wait3A_140, %dma_wait3A_144] : memref<4x128xi32, #tpu.memory_space<vmem>> -> memref<1x128xi32, #tpu.memory_space<vmem>>
      %dma_wait3A_146 = tpu.memref_squeeze %dma_wait3A_145 : memref<1x128xi32, #tpu.memory_space<vmem>> -> memref<128xi32, #tpu.memory_space<vmem>>
      %dma_wait3A_147 = arith.constant 0 : i32
      %dma_wait3A_148 = arith.constant 0 : i32
      %dma_wait3A_149 = tpu.memref_slice %arg3[%arg0, %dma_wait3A_147, %dma_wait3A_148] : memref<2x100352x16xf32, #tpu.memory_space<hbm>> -> memref<1x100352x16xf32, #tpu.memory_space<hbm>>
      %dma_wait3A_150 = tpu.memref_squeeze %dma_wait3A_149 : memref<1x100352x16xf32, #tpu.memory_space<hbm>> -> memref<100352x16xf32, #tpu.memory_space<hbm>>
      %dma_wait3A_151 = arith.constant 0 : i32
      %dma_wait3A_152 = arith.constant 0 : i32
      %dma_wait3A_153 = tpu.memref_slice %dma_wait3A_150[%dma_wait3A_151, %dma_wait3A_152] : memref<100352x16xf32, #tpu.memory_space<hbm>> -> memref<100352x16xf32, #tpu.memory_space<hbm>>
      tpu.wait_indirect_dma semaphore(%arg15 : memref<!tpu.dma_semaphore, #tpu.memory_space<semaphore_mem>>) src(%dma_wait3A_153 : memref<100352x16xf32, #tpu.memory_space<hbm>>) dst(%dma_wait3A_143 : memref<128x16xf32, #tpu.memory_space<vmem>>)
      %dma_wait3A_154 = arith.constant 3 : i32
      %dma_wait3A_155 = arith.constant 384 : i32
      %dma_wait3A_156 = arith.constant 0 : i32
      %dma_wait3A_157 = tpu.memref_slice %arg10[%dma_wait3A_155, %dma_wait3A_156] : memref<512x16xf32, #tpu.memory_space<vmem>> -> memref<128x16xf32, #tpu.memory_space<vmem>>
      %dma_wait3A_158 = arith.constant 0 : i32
      %dma_wait3A_159 = tpu.memref_slice %arg6[%dma_wait3A_154, %dma_wait3A_158] : memref<4x128xi32, #tpu.memory_space<vmem>> -> memref<1x128xi32, #tpu.memory_space<vmem>>
      %dma_wait3A_160 = tpu.memref_squeeze %dma_wait3A_159 : memref<1x128xi32, #tpu.memory_space<vmem>> -> memref<128xi32, #tpu.memory_space<vmem>>
      %dma_wait3A_161 = arith.constant 0 : i32
      %dma_wait3A_162 = arith.constant 0 : i32
      %dma_wait3A_163 = tpu.memref_slice %arg3[%arg0, %dma_wait3A_161, %dma_wait3A_162] : memref<2x100352x16xf32, #tpu.memory_space<hbm>> -> memref<1x100352x16xf32, #tpu.memory_space<hbm>>
      %dma_wait3A_164 = tpu.memref_squeeze %dma_wait3A_163 : memref<1x100352x16xf32, #tpu.memory_space<hbm>> -> memref<100352x16xf32, #tpu.memory_space<hbm>>
      %dma_wait3A_165 = arith.constant 0 : i32
      %dma_wait3A_166 = arith.constant 0 : i32
      %dma_wait3A_167 = tpu.memref_slice %dma_wait3A_164[%dma_wait3A_165, %dma_wait3A_166] : memref<100352x16xf32, #tpu.memory_space<hbm>> -> memref<100352x16xf32, #tpu.memory_space<hbm>>
      tpu.wait_indirect_dma semaphore(%arg15 : memref<!tpu.dma_semaphore, #tpu.memory_space<semaphore_mem>>) src(%dma_wait3A_167 : memref<100352x16xf32, #tpu.memory_space<hbm>>) dst(%dma_wait3A_157 : memref<128x16xf32, #tpu.memory_space<vmem>>)
      %dma_start3A_168 = arith.constant 0 : i32
      %dma_start3A_169 = arith.constant 0 : i32
      %dma_start3A_170 = arith.constant 0 : i32
      %dma_start3A_171 = tpu.memref_slice %arg10[%dma_start3A_169, %dma_start3A_170] : memref<512x16xf32, #tpu.memory_space<vmem>> -> memref<128x16xf32, #tpu.memory_space<vmem>>
      %dma_start3A_172 = arith.constant 0 : i32
      %dma_start3A_173 = tpu.memref_slice %arg7[%dma_start3A_168, %dma_start3A_172] : memref<4x128xi32, #tpu.memory_space<vmem>> -> memref<1x128xi32, #tpu.memory_space<vmem>>
      %dma_start3A_174 = tpu.memref_squeeze %dma_start3A_173 : memref<1x128xi32, #tpu.memory_space<vmem>> -> memref<128xi32, #tpu.memory_space<vmem>>
      %dma_start3A_175 = arith.constant 0 : i32
      %dma_start3A_176 = arith.constant 0 : i32
      %dma_start3A_177 = tpu.memref_slice %arg12[%dma_start3A_175, %dma_start3A_176] : memref<100352x16xf32, #tpu.memory_space<vmem_shared>> -> memref<100352x16xf32, #tpu.memory_space<vmem_shared>>
      tpu.enqueue_indirect_dma source(%dma_start3A_171 : memref<128x16xf32, #tpu.memory_space<vmem>>) target(%dma_start3A_177 : memref<100352x16xf32, #tpu.memory_space<vmem_shared>>) offsets(%dma_start3A_174 : memref<128xi32, #tpu.memory_space<vmem>>) semaphore(%arg13 : memref<!tpu.dma_semaphore, #tpu.memory_space<semaphore_mem>>) {add = true}
      %dma_start3A_178 = arith.constant 1 : i32
      %dma_start3A_179 = arith.constant 128 : i32
      %dma_start3A_180 = arith.constant 0 : i32
      %dma_start3A_181 = tpu.memref_slice %arg10[%dma_start3A_179, %dma_start3A_180] : memref<512x16xf32, #tpu.memory_space<vmem>> -> memref<128x16xf32, #tpu.memory_space<vmem>>
      %dma_start3A_182 = arith.constant 0 : i32
      %dma_start3A_183 = tpu.memref_slice %arg7[%dma_start3A_178, %dma_start3A_182] : memref<4x128xi32, #tpu.memory_space<vmem>> -> memref<1x128xi32, #tpu.memory_space<vmem>>
      %dma_start3A_184 = tpu.memref_squeeze %dma_start3A_183 : memref<1x128xi32, #tpu.memory_space<vmem>> -> memref<128xi32, #tpu.memory_space<vmem>>
      %dma_start3A_185 = arith.constant 0 : i32
      %dma_start3A_186 = arith.constant 0 : i32
      %dma_start3A_187 = tpu.memref_slice %arg12[%dma_start3A_185, %dma_start3A_186] : memref<100352x16xf32, #tpu.memory_space<vmem_shared>> -> memref<100352x16xf32, #tpu.memory_space<vmem_shared>>
      tpu.enqueue_indirect_dma source(%dma_start3A_181 : memref<128x16xf32, #tpu.memory_space<vmem>>) target(%dma_start3A_187 : memref<100352x16xf32, #tpu.memory_space<vmem_shared>>) offsets(%dma_start3A_184 : memref<128xi32, #tpu.memory_space<vmem>>) semaphore(%arg13 : memref<!tpu.dma_semaphore, #tpu.memory_space<semaphore_mem>>) {add = true}
      %dma_start3A_188 = arith.constant 2 : i32
      %dma_start3A_189 = arith.constant 256 : i32
      %dma_start3A_190 = arith.constant 0 : i32
      %dma_start3A_191 = tpu.memref_slice %arg10[%dma_start3A_189, %dma_start3A_190] : memref<512x16xf32, #tpu.memory_space<vmem>> -> memref<128x16xf32, #tpu.memory_space<vmem>>
      %dma_start3A_192 = arith.constant 0 : i32
      %dma_start3A_193 = tpu.memref_slice %arg7[%dma_start3A_188, %dma_start3A_192] : memref<4x128xi32, #tpu.memory_space<vmem>> -> memref<1x128xi32, #tpu.memory_space<vmem>>
      %dma_start3A_194 = tpu.memref_squeeze %dma_start3A_193 : memref<1x128xi32, #tpu.memory_space<vmem>> -> memref<128xi32, #tpu.memory_space<vmem>>
      %dma_start3A_195 = arith.constant 0 : i32
      %dma_start3A_196 = arith.constant 0 : i32
      %dma_start3A_197 = tpu.memref_slice %arg12[%dma_start3A_195, %dma_start3A_196] : memref<100352x16xf32, #tpu.memory_space<vmem_shared>> -> memref<100352x16xf32, #tpu.memory_space<vmem_shared>>
      tpu.enqueue_indirect_dma source(%dma_start3A_191 : memref<128x16xf32, #tpu.memory_space<vmem>>) target(%dma_start3A_197 : memref<100352x16xf32, #tpu.memory_space<vmem_shared>>) offsets(%dma_start3A_194 : memref<128xi32, #tpu.memory_space<vmem>>) semaphore(%arg13 : memref<!tpu.dma_semaphore, #tpu.memory_space<semaphore_mem>>) {add = true}
      %dma_start3A_198 = arith.constant 3 : i32
      %dma_start3A_199 = arith.constant 384 : i32
      %dma_start3A_200 = arith.constant 0 : i32
      %dma_start3A_201 = tpu.memref_slice %arg10[%dma_start3A_199, %dma_start3A_200] : memref<512x16xf32, #tpu.memory_space<vmem>> -> memref<128x16xf32, #tpu.memory_space<vmem>>
      %dma_start3A_202 = arith.constant 0 : i32
      %dma_start3A_203 = tpu.memref_slice %arg7[%dma_start3A_198, %dma_start3A_202] : memref<4x128xi32, #tpu.memory_space<vmem>> -> memref<1x128xi32, #tpu.memory_space<vmem>>
      %dma_start3A_204 = tpu.memref_squeeze %dma_start3A_203 : memref<1x128xi32, #tpu.memory_space<vmem>> -> memref<128xi32, #tpu.memory_space<vmem>>
      %dma_start3A_205 = arith.constant 0 : i32
      %dma_start3A_206 = arith.constant 0 : i32
      %dma_start3A_207 = tpu.memref_slice %arg12[%dma_start3A_205, %dma_start3A_206] : memref<100352x16xf32, #tpu.memory_space<vmem_shared>> -> memref<100352x16xf32, #tpu.memory_space<vmem_shared>>
      tpu.enqueue_indirect_dma source(%dma_start3A_201 : memref<128x16xf32, #tpu.memory_space<vmem>>) target(%dma_start3A_207 : memref<100352x16xf32, #tpu.memory_space<vmem_shared>>) offsets(%dma_start3A_204 : memref<128xi32, #tpu.memory_space<vmem>>) semaphore(%arg13 : memref<!tpu.dma_semaphore, #tpu.memory_space<semaphore_mem>>) {add = true}
      %dma_wait3A_208 = arith.constant 0 : i32
      %dma_wait3A_209 = arith.constant 0 : i32
      %dma_wait3A_210 = tpu.memref_slice %arg2[%dma_wait3A_208, %add3A_15, %dma_wait3A_209] : memref<2x12544x128xi32, #tpu.memory_space<hbm>> -> memref<1x4x128xi32, #tpu.memory_space<hbm>>
      %dma_wait3A_211 = tpu.memref_squeeze %dma_wait3A_210 : memref<1x4x128xi32, #tpu.memory_space<hbm>> -> memref<4x128xi32, #tpu.memory_space<hbm>>
      %dma_wait3A_212 = arith.constant 0 : i32
      %dma_wait3A_213 = tpu.memref_slice %arg2[%dma_wait3A_208, %add3A_15, %dma_wait3A_212] : memref<2x12544x128xi32, #tpu.memory_space<hbm>> -> memref<1x4x128xi32, #tpu.memory_space<hbm>>
      %dma_wait3A_214 = tpu.memref_squeeze %dma_wait3A_213 : memref<1x4x128xi32, #tpu.memory_space<hbm>> -> memref<4x128xi32, #tpu.memory_space<hbm>>
      tpu.wait_dma2 semaphore(%arg14 : memref<!tpu.dma_semaphore, #tpu.memory_space<semaphore_mem>>) src(%dma_wait3A_214 : memref<4x128xi32, #tpu.memory_space<hbm>>) dst(%arg8 : memref<4x128xi32, #tpu.memory_space<vmem>>)
      %dma_start3A_215 = arith.constant 0 : i32
      %dma_start3A_216 = arith.constant 0 : i32
      %dma_start3A_217 = arith.constant 0 : i32
      %dma_start3A_218 = tpu.memref_slice %arg11[%dma_start3A_216, %dma_start3A_217] : memref<512x16xf32, #tpu.memory_space<vmem>> -> memref<128x16xf32, #tpu.memory_space<vmem>>
      %dma_start3A_219 = arith.constant 0 : i32
      %dma_start3A_220 = tpu.memref_slice %arg8[%dma_start3A_215, %dma_start3A_219] : memref<4x128xi32, #tpu.memory_space<vmem>> -> memref<1x128xi32, #tpu.memory_space<vmem>>
      %dma_start3A_221 = tpu.memref_squeeze %dma_start3A_220 : memref<1x128xi32, #tpu.memory_space<vmem>> -> memref<128xi32, #tpu.memory_space<vmem>>
      %dma_start3A_222 = arith.constant 0 : i32
      %dma_start3A_223 = arith.constant 0 : i32
      %dma_start3A_224 = tpu.memref_slice %arg3[%arg0, %dma_start3A_222, %dma_start3A_223] : memref<2x100352x16xf32, #tpu.memory_space<hbm>> -> memref<1x100352x16xf32, #tpu.memory_space<hbm>>
      %dma_start3A_225 = tpu.memref_squeeze %dma_start3A_224 : memref<1x100352x16xf32, #tpu.memory_space<hbm>> -> memref<100352x16xf32, #tpu.memory_space<hbm>>
      %dma_start3A_226 = arith.constant 0 : i32
      %dma_start3A_227 = arith.constant 0 : i32
      %dma_start3A_228 = tpu.memref_slice %dma_start3A_225[%dma_start3A_226, %dma_start3A_227] : memref<100352x16xf32, #tpu.memory_space<hbm>> -> memref<100352x16xf32, #tpu.memory_space<hbm>>
      tpu.enqueue_indirect_dma source(%dma_start3A_228 : memref<100352x16xf32, #tpu.memory_space<hbm>>) target(%dma_start3A_218 : memref<128x16xf32, #tpu.memory_space<vmem>>) offsets(%dma_start3A_221 : memref<128xi32, #tpu.memory_space<vmem>>) semaphore(%arg16 : memref<!tpu.dma_semaphore, #tpu.memory_space<semaphore_mem>>)
      %dma_start3A_229 = arith.constant 1 : i32
      %dma_start3A_230 = arith.constant 128 : i32
      %dma_start3A_231 = arith.constant 0 : i32
      %dma_start3A_232 = tpu.memref_slice %arg11[%dma_start3A_230, %dma_start3A_231] : memref<512x16xf32, #tpu.memory_space<vmem>> -> memref<128x16xf32, #tpu.memory_space<vmem>>
      %dma_start3A_233 = arith.constant 0 : i32
      %dma_start3A_234 = tpu.memref_slice %arg8[%dma_start3A_229, %dma_start3A_233] : memref<4x128xi32, #tpu.memory_space<vmem>> -> memref<1x128xi32, #tpu.memory_space<vmem>>
      %dma_start3A_235 = tpu.memref_squeeze %dma_start3A_234 : memref<1x128xi32, #tpu.memory_space<vmem>> -> memref<128xi32, #tpu.memory_space<vmem>>
      %dma_start3A_236 = arith.constant 0 : i32
      %dma_start3A_237 = arith.constant 0 : i32
      %dma_start3A_238 = tpu.memref_slice %arg3[%arg0, %dma_start3A_236, %dma_start3A_237] : memref<2x100352x16xf32, #tpu.memory_space<hbm>> -> memref<1x100352x16xf32, #tpu.memory_space<hbm>>
      %dma_start3A_239 = tpu.memref_squeeze %dma_start3A_238 : memref<1x100352x16xf32, #tpu.memory_space<hbm>> -> memref<100352x16xf32, #tpu.memory_space<hbm>>
      %dma_start3A_240 = arith.constant 0 : i32
      %dma_start3A_241 = arith.constant 0 : i32
      %dma_start3A_242 = tpu.memref_slice %dma_start3A_239[%dma_start3A_240, %dma_start3A_241] : memref<100352x16xf32, #tpu.memory_space<hbm>> -> memref<100352x16xf32, #tpu.memory_space<hbm>>
      tpu.enqueue_indirect_dma source(%dma_start3A_242 : memref<100352x16xf32, #tpu.memory_space<hbm>>) target(%dma_start3A_232 : memref<128x16xf32, #tpu.memory_space<vmem>>) offsets(%dma_start3A_235 : memref<128xi32, #tpu.memory_space<vmem>>) semaphore(%arg16 : memref<!tpu.dma_semaphore, #tpu.memory_space<semaphore_mem>>)
      %dma_start3A_243 = arith.constant 2 : i32
      %dma_start3A_244 = arith.constant 256 : i32
      %dma_start3A_245 = arith.constant 0 : i32
      %dma_start3A_246 = tpu.memref_slice %arg11[%dma_start3A_244, %dma_start3A_245] : memref<512x16xf32, #tpu.memory_space<vmem>> -> memref<128x16xf32, #tpu.memory_space<vmem>>
      %dma_start3A_247 = arith.constant 0 : i32
      %dma_start3A_248 = tpu.memref_slice %arg8[%dma_start3A_243, %dma_start3A_247] : memref<4x128xi32, #tpu.memory_space<vmem>> -> memref<1x128xi32, #tpu.memory_space<vmem>>
      %dma_start3A_249 = tpu.memref_squeeze %dma_start3A_248 : memref<1x128xi32, #tpu.memory_space<vmem>> -> memref<128xi32, #tpu.memory_space<vmem>>
      %dma_start3A_250 = arith.constant 0 : i32
      %dma_start3A_251 = arith.constant 0 : i32
      %dma_start3A_252 = tpu.memref_slice %arg3[%arg0, %dma_start3A_250, %dma_start3A_251] : memref<2x100352x16xf32, #tpu.memory_space<hbm>> -> memref<1x100352x16xf32, #tpu.memory_space<hbm>>
      %dma_start3A_253 = tpu.memref_squeeze %dma_start3A_252 : memref<1x100352x16xf32, #tpu.memory_space<hbm>> -> memref<100352x16xf32, #tpu.memory_space<hbm>>
      %dma_start3A_254 = arith.constant 0 : i32
      %dma_start3A_255 = arith.constant 0 : i32
      %dma_start3A_256 = tpu.memref_slice %dma_start3A_253[%dma_start3A_254, %dma_start3A_255] : memref<100352x16xf32, #tpu.memory_space<hbm>> -> memref<100352x16xf32, #tpu.memory_space<hbm>>
      tpu.enqueue_indirect_dma source(%dma_start3A_256 : memref<100352x16xf32, #tpu.memory_space<hbm>>) target(%dma_start3A_246 : memref<128x16xf32, #tpu.memory_space<vmem>>) offsets(%dma_start3A_249 : memref<128xi32, #tpu.memory_space<vmem>>) semaphore(%arg16 : memref<!tpu.dma_semaphore, #tpu.memory_space<semaphore_mem>>)
      %dma_start3A_257 = arith.constant 3 : i32
      %dma_start3A_258 = arith.constant 384 : i32
      %dma_start3A_259 = arith.constant 0 : i32
      %dma_start3A_260 = tpu.memref_slice %arg11[%dma_start3A_258, %dma_start3A_259] : memref<512x16xf32, #tpu.memory_space<vmem>> -> memref<128x16xf32, #tpu.memory_space<vmem>>
      %dma_start3A_261 = arith.constant 0 : i32
      %dma_start3A_262 = tpu.memref_slice %arg8[%dma_start3A_257, %dma_start3A_261] : memref<4x128xi32, #tpu.memory_space<vmem>> -> memref<1x128xi32, #tpu.memory_space<vmem>>
      %dma_start3A_263 = tpu.memref_squeeze %dma_start3A_262 : memref<1x128xi32, #tpu.memory_space<vmem>> -> memref<128xi32, #tpu.memory_space<vmem>>
      %dma_start3A_264 = arith.constant 0 : i32
      %dma_start3A_265 = arith.constant 0 : i32
      %dma_start3A_266 = tpu.memref_slice %arg3[%arg0, %dma_start3A_264, %dma_start3A_265] : memref<2x100352x16xf32, #tpu.memory_space<hbm>> -> memref<1x100352x16xf32, #tpu.memory_space<hbm>>
      %dma_start3A_267 = tpu.memref_squeeze %dma_start3A_266 : memref<1x100352x16xf32, #tpu.memory_space<hbm>> -> memref<100352x16xf32, #tpu.memory_space<hbm>>
      %dma_start3A_268 = arith.constant 0 : i32
      %dma_start3A_269 = arith.constant 0 : i32
      %dma_start3A_270 = tpu.memref_slice %dma_start3A_267[%dma_start3A_268, %dma_start3A_269] : memref<100352x16xf32, #tpu.memory_space<hbm>> -> memref<100352x16xf32, #tpu.memory_space<hbm>>
      tpu.enqueue_indirect_dma source(%dma_start3A_270 : memref<100352x16xf32, #tpu.memory_space<hbm>>) target(%dma_start3A_260 : memref<128x16xf32, #tpu.memory_space<vmem>>) offsets(%dma_start3A_263 : memref<128xi32, #tpu.memory_space<vmem>>) semaphore(%arg16 : memref<!tpu.dma_semaphore, #tpu.memory_space<semaphore_mem>>)
      %dma_wait3A_271 = arith.constant 1 : i32
      %dma_wait3A_272 = arith.constant 0 : i32
      %dma_wait3A_273 = tpu.memref_slice %arg2[%dma_wait3A_271, %add3A_15, %dma_wait3A_272] : memref<2x12544x128xi32, #tpu.memory_space<hbm>> -> memref<1x4x128xi32, #tpu.memory_space<hbm>>
      %dma_wait3A_274 = tpu.memref_squeeze %dma_wait3A_273 : memref<1x4x128xi32, #tpu.memory_space<hbm>> -> memref<4x128xi32, #tpu.memory_space<hbm>>
      %dma_wait3A_275 = arith.constant 0 : i32
      %dma_wait3A_276 = tpu.memref_slice %arg2[%dma_wait3A_271, %add3A_15, %dma_wait3A_275] : memref<2x12544x128xi32, #tpu.memory_space<hbm>> -> memref<1x4x128xi32, #tpu.memory_space<hbm>>
      %dma_wait3A_277 = tpu.memref_squeeze %dma_wait3A_276 : memref<1x4x128xi32, #tpu.memory_space<hbm>> -> memref<4x128xi32, #tpu.memory_space<hbm>>
      tpu.wait_dma2 semaphore(%arg14 : memref<!tpu.dma_semaphore, #tpu.memory_space<semaphore_mem>>) src(%dma_wait3A_277 : memref<4x128xi32, #tpu.memory_space<hbm>>) dst(%arg9 : memref<4x128xi32, #tpu.memory_space<vmem>>)
      %dma_wait3A_278 = arith.constant 0 : i32
      %dma_wait3A_279 = arith.constant 0 : i32
      %dma_wait3A_280 = arith.constant 0 : i32
      %dma_wait3A_281 = tpu.memref_slice %arg11[%dma_wait3A_279, %dma_wait3A_280] : memref<512x16xf32, #tpu.memory_space<vmem>> -> memref<128x16xf32, #tpu.memory_space<vmem>>
      %dma_wait3A_282 = arith.constant 0 : i32
      %dma_wait3A_283 = tpu.memref_slice %arg8[%dma_wait3A_278, %dma_wait3A_282] : memref<4x128xi32, #tpu.memory_space<vmem>> -> memref<1x128xi32, #tpu.memory_space<vmem>>
      %dma_wait3A_284 = tpu.memref_squeeze %dma_wait3A_283 : memref<1x128xi32, #tpu.memory_space<vmem>> -> memref<128xi32, #tpu.memory_space<vmem>>
      %dma_wait3A_285 = arith.constant 0 : i32
      %dma_wait3A_286 = arith.constant 0 : i32
      %dma_wait3A_287 = tpu.memref_slice %arg3[%arg0, %dma_wait3A_285, %dma_wait3A_286] : memref<2x100352x16xf32, #tpu.memory_space<hbm>> -> memref<1x100352x16xf32, #tpu.memory_space<hbm>>
      %dma_wait3A_288 = tpu.memref_squeeze %dma_wait3A_287 : memref<1x100352x16xf32, #tpu.memory_space<hbm>> -> memref<100352x16xf32, #tpu.memory_space<hbm>>
      %dma_wait3A_289 = arith.constant 0 : i32
      %dma_wait3A_290 = arith.constant 0 : i32
      %dma_wait3A_291 = tpu.memref_slice %dma_wait3A_288[%dma_wait3A_289, %dma_wait3A_290] : memref<100352x16xf32, #tpu.memory_space<hbm>> -> memref<100352x16xf32, #tpu.memory_space<hbm>>
      tpu.wait_indirect_dma semaphore(%arg16 : memref<!tpu.dma_semaphore, #tpu.memory_space<semaphore_mem>>) src(%dma_wait3A_291 : memref<100352x16xf32, #tpu.memory_space<hbm>>) dst(%dma_wait3A_281 : memref<128x16xf32, #tpu.memory_space<vmem>>)
      %dma_wait3A_292 = arith.constant 1 : i32
      %dma_wait3A_293 = arith.constant 128 : i32
      %dma_wait3A_294 = arith.constant 0 : i32
      %dma_wait3A_295 = tpu.memref_slice %arg11[%dma_wait3A_293, %dma_wait3A_294] : memref<512x16xf32, #tpu.memory_space<vmem>> -> memref<128x16xf32, #tpu.memory_space<vmem>>
      %dma_wait3A_296 = arith.constant 0 : i32
      %dma_wait3A_297 = tpu.memref_slice %arg8[%dma_wait3A_292, %dma_wait3A_296] : memref<4x128xi32, #tpu.memory_space<vmem>> -> memref<1x128xi32, #tpu.memory_space<vmem>>
      %dma_wait3A_298 = tpu.memref_squeeze %dma_wait3A_297 : memref<1x128xi32, #tpu.memory_space<vmem>> -> memref<128xi32, #tpu.memory_space<vmem>>
      %dma_wait3A_299 = arith.constant 0 : i32
      %dma_wait3A_300 = arith.constant 0 : i32
      %dma_wait3A_301 = tpu.memref_slice %arg3[%arg0, %dma_wait3A_299, %dma_wait3A_300] : memref<2x100352x16xf32, #tpu.memory_space<hbm>> -> memref<1x100352x16xf32, #tpu.memory_space<hbm>>
      %dma_wait3A_302 = tpu.memref_squeeze %dma_wait3A_301 : memref<1x100352x16xf32, #tpu.memory_space<hbm>> -> memref<100352x16xf32, #tpu.memory_space<hbm>>
      %dma_wait3A_303 = arith.constant 0 : i32
      %dma_wait3A_304 = arith.constant 0 : i32
      %dma_wait3A_305 = tpu.memref_slice %dma_wait3A_302[%dma_wait3A_303, %dma_wait3A_304] : memref<100352x16xf32, #tpu.memory_space<hbm>> -> memref<100352x16xf32, #tpu.memory_space<hbm>>
      tpu.wait_indirect_dma semaphore(%arg16 : memref<!tpu.dma_semaphore, #tpu.memory_space<semaphore_mem>>) src(%dma_wait3A_305 : memref<100352x16xf32, #tpu.memory_space<hbm>>) dst(%dma_wait3A_295 : memref<128x16xf32, #tpu.memory_space<vmem>>)
      %dma_wait3A_306 = arith.constant 2 : i32
      %dma_wait3A_307 = arith.constant 256 : i32
      %dma_wait3A_308 = arith.constant 0 : i32
      %dma_wait3A_309 = tpu.memref_slice %arg11[%dma_wait3A_307, %dma_wait3A_308] : memref<512x16xf32, #tpu.memory_space<vmem>> -> memref<128x16xf32, #tpu.memory_space<vmem>>
      %dma_wait3A_310 = arith.constant 0 : i32
      %dma_wait3A_311 = tpu.memref_slice %arg8[%dma_wait3A_306, %dma_wait3A_310] : memref<4x128xi32, #tpu.memory_space<vmem>> -> memref<1x128xi32, #tpu.memory_space<vmem>>
      %dma_wait3A_312 = tpu.memref_squeeze %dma_wait3A_311 : memref<1x128xi32, #tpu.memory_space<vmem>> -> memref<128xi32, #tpu.memory_space<vmem>>
      %dma_wait3A_313 = arith.constant 0 : i32
      %dma_wait3A_314 = arith.constant 0 : i32
      %dma_wait3A_315 = tpu.memref_slice %arg3[%arg0, %dma_wait3A_313, %dma_wait3A_314] : memref<2x100352x16xf32, #tpu.memory_space<hbm>> -> memref<1x100352x16xf32, #tpu.memory_space<hbm>>
      %dma_wait3A_316 = tpu.memref_squeeze %dma_wait3A_315 : memref<1x100352x16xf32, #tpu.memory_space<hbm>> -> memref<100352x16xf32, #tpu.memory_space<hbm>>
      %dma_wait3A_317 = arith.constant 0 : i32
      %dma_wait3A_318 = arith.constant 0 : i32
      %dma_wait3A_319 = tpu.memref_slice %dma_wait3A_316[%dma_wait3A_317, %dma_wait3A_318] : memref<100352x16xf32, #tpu.memory_space<hbm>> -> memref<100352x16xf32, #tpu.memory_space<hbm>>
      tpu.wait_indirect_dma semaphore(%arg16 : memref<!tpu.dma_semaphore, #tpu.memory_space<semaphore_mem>>) src(%dma_wait3A_319 : memref<100352x16xf32, #tpu.memory_space<hbm>>) dst(%dma_wait3A_309 : memref<128x16xf32, #tpu.memory_space<vmem>>)
      %dma_wait3A_320 = arith.constant 3 : i32
      %dma_wait3A_321 = arith.constant 384 : i32
      %dma_wait3A_322 = arith.constant 0 : i32
      %dma_wait3A_323 = tpu.memref_slice %arg11[%dma_wait3A_321, %dma_wait3A_322] : memref<512x16xf32, #tpu.memory_space<vmem>> -> memref<128x16xf32, #tpu.memory_space<vmem>>
      %dma_wait3A_324 = arith.constant 0 : i32
      %dma_wait3A_325 = tpu.memref_slice %arg8[%dma_wait3A_320, %dma_wait3A_324] : memref<4x128xi32, #tpu.memory_space<vmem>> -> memref<1x128xi32, #tpu.memory_space<vmem>>
      %dma_wait3A_326 = tpu.memref_squeeze %dma_wait3A_325 : memref<1x128xi32, #tpu.memory_space<vmem>> -> memref<128xi32, #tpu.memory_space<vmem>>
      %dma_wait3A_327 = arith.constant 0 : i32
      %dma_wait3A_328 = arith.constant 0 : i32
      %dma_wait3A_329 = tpu.memref_slice %arg3[%arg0, %dma_wait3A_327, %dma_wait3A_328] : memref<2x100352x16xf32, #tpu.memory_space<hbm>> -> memref<1x100352x16xf32, #tpu.memory_space<hbm>>
      %dma_wait3A_330 = tpu.memref_squeeze %dma_wait3A_329 : memref<1x100352x16xf32, #tpu.memory_space<hbm>> -> memref<100352x16xf32, #tpu.memory_space<hbm>>
      %dma_wait3A_331 = arith.constant 0 : i32
      %dma_wait3A_332 = arith.constant 0 : i32
      %dma_wait3A_333 = tpu.memref_slice %dma_wait3A_330[%dma_wait3A_331, %dma_wait3A_332] : memref<100352x16xf32, #tpu.memory_space<hbm>> -> memref<100352x16xf32, #tpu.memory_space<hbm>>
      tpu.wait_indirect_dma semaphore(%arg16 : memref<!tpu.dma_semaphore, #tpu.memory_space<semaphore_mem>>) src(%dma_wait3A_333 : memref<100352x16xf32, #tpu.memory_space<hbm>>) dst(%dma_wait3A_323 : memref<128x16xf32, #tpu.memory_space<vmem>>)
      %dma_wait3A_334 = arith.constant 0 : i32
      %dma_wait3A_335 = arith.constant 0 : i32
      %dma_wait3A_336 = arith.constant 0 : i32
      %dma_wait3A_337 = tpu.memref_slice %arg10[%dma_wait3A_335, %dma_wait3A_336] : memref<512x16xf32, #tpu.memory_space<vmem>> -> memref<128x16xf32, #tpu.memory_space<vmem>>
      %dma_wait3A_338 = arith.constant 0 : i32
      %dma_wait3A_339 = tpu.memref_slice %arg7[%dma_wait3A_334, %dma_wait3A_338] : memref<4x128xi32, #tpu.memory_space<vmem>> -> memref<1x128xi32, #tpu.memory_space<vmem>>
      %dma_wait3A_340 = tpu.memref_squeeze %dma_wait3A_339 : memref<1x128xi32, #tpu.memory_space<vmem>> -> memref<128xi32, #tpu.memory_space<vmem>>
      %dma_wait3A_341 = arith.constant 0 : i32
      %dma_wait3A_342 = arith.constant 0 : i32
      %dma_wait3A_343 = tpu.memref_slice %arg12[%dma_wait3A_341, %dma_wait3A_342] : memref<100352x16xf32, #tpu.memory_space<vmem_shared>> -> memref<100352x16xf32, #tpu.memory_space<vmem_shared>>
      tpu.wait_indirect_dma semaphore(%arg13 : memref<!tpu.dma_semaphore, #tpu.memory_space<semaphore_mem>>) src(%dma_wait3A_337 : memref<128x16xf32, #tpu.memory_space<vmem>>) dst(%dma_wait3A_343 : memref<100352x16xf32, #tpu.memory_space<vmem_shared>>)
      %dma_wait3A_344 = arith.constant 1 : i32
      %dma_wait3A_345 = arith.constant 128 : i32
      %dma_wait3A_346 = arith.constant 0 : i32
      %dma_wait3A_347 = tpu.memref_slice %arg10[%dma_wait3A_345, %dma_wait3A_346] : memref<512x16xf32, #tpu.memory_space<vmem>> -> memref<128x16xf32, #tpu.memory_space<vmem>>
      %dma_wait3A_348 = arith.constant 0 : i32
      %dma_wait3A_349 = tpu.memref_slice %arg7[%dma_wait3A_344, %dma_wait3A_348] : memref<4x128xi32, #tpu.memory_space<vmem>> -> memref<1x128xi32, #tpu.memory_space<vmem>>
      %dma_wait3A_350 = tpu.memref_squeeze %dma_wait3A_349 : memref<1x128xi32, #tpu.memory_space<vmem>> -> memref<128xi32, #tpu.memory_space<vmem>>
      %dma_wait3A_351 = arith.constant 0 : i32
      %dma_wait3A_352 = arith.constant 0 : i32
      %dma_wait3A_353 = tpu.memref_slice %arg12[%dma_wait3A_351, %dma_wait3A_352] : memref<100352x16xf32, #tpu.memory_space<vmem_shared>> -> memref<100352x16xf32, #tpu.memory_space<vmem_shared>>
      tpu.wait_indirect_dma semaphore(%arg13 : memref<!tpu.dma_semaphore, #tpu.memory_space<semaphore_mem>>) src(%dma_wait3A_347 : memref<128x16xf32, #tpu.memory_space<vmem>>) dst(%dma_wait3A_353 : memref<100352x16xf32, #tpu.memory_space<vmem_shared>>)
      %dma_wait3A_354 = arith.constant 2 : i32
      %dma_wait3A_355 = arith.constant 256 : i32
      %dma_wait3A_356 = arith.constant 0 : i32
      %dma_wait3A_357 = tpu.memref_slice %arg10[%dma_wait3A_355, %dma_wait3A_356] : memref<512x16xf32, #tpu.memory_space<vmem>> -> memref<128x16xf32, #tpu.memory_space<vmem>>
      %dma_wait3A_358 = arith.constant 0 : i32
      %dma_wait3A_359 = tpu.memref_slice %arg7[%dma_wait3A_354, %dma_wait3A_358] : memref<4x128xi32, #tpu.memory_space<vmem>> -> memref<1x128xi32, #tpu.memory_space<vmem>>
      %dma_wait3A_360 = tpu.memref_squeeze %dma_wait3A_359 : memref<1x128xi32, #tpu.memory_space<vmem>> -> memref<128xi32, #tpu.memory_space<vmem>>
      %dma_wait3A_361 = arith.constant 0 : i32
      %dma_wait3A_362 = arith.constant 0 : i32
      %dma_wait3A_363 = tpu.memref_slice %arg12[%dma_wait3A_361, %dma_wait3A_362] : memref<100352x16xf32, #tpu.memory_space<vmem_shared>> -> memref<100352x16xf32, #tpu.memory_space<vmem_shared>>
      tpu.wait_indirect_dma semaphore(%arg13 : memref<!tpu.dma_semaphore, #tpu.memory_space<semaphore_mem>>) src(%dma_wait3A_357 : memref<128x16xf32, #tpu.memory_space<vmem>>) dst(%dma_wait3A_363 : memref<100352x16xf32, #tpu.memory_space<vmem_shared>>)
      %dma_wait3A_364 = arith.constant 3 : i32
      %dma_wait3A_365 = arith.constant 384 : i32
      %dma_wait3A_366 = arith.constant 0 : i32
      %dma_wait3A_367 = tpu.memref_slice %arg10[%dma_wait3A_365, %dma_wait3A_366] : memref<512x16xf32, #tpu.memory_space<vmem>> -> memref<128x16xf32, #tpu.memory_space<vmem>>
      %dma_wait3A_368 = arith.constant 0 : i32
      %dma_wait3A_369 = tpu.memref_slice %arg7[%dma_wait3A_364, %dma_wait3A_368] : memref<4x128xi32, #tpu.memory_space<vmem>> -> memref<1x128xi32, #tpu.memory_space<vmem>>
      %dma_wait3A_370 = tpu.memref_squeeze %dma_wait3A_369 : memref<1x128xi32, #tpu.memory_space<vmem>> -> memref<128xi32, #tpu.memory_space<vmem>>
      %dma_wait3A_371 = arith.constant 0 : i32
      %dma_wait3A_372 = arith.constant 0 : i32
      %dma_wait3A_373 = tpu.memref_slice %arg12[%dma_wait3A_371, %dma_wait3A_372] : memref<100352x16xf32, #tpu.memory_space<vmem_shared>> -> memref<100352x16xf32, #tpu.memory_space<vmem_shared>>
      tpu.wait_indirect_dma semaphore(%arg13 : memref<!tpu.dma_semaphore, #tpu.memory_space<semaphore_mem>>) src(%dma_wait3A_367 : memref<128x16xf32, #tpu.memory_space<vmem>>) dst(%dma_wait3A_373 : memref<100352x16xf32, #tpu.memory_space<vmem_shared>>)
      %dma_start3A_374 = arith.constant 0 : i32
      %dma_start3A_375 = arith.constant 0 : i32
      %dma_start3A_376 = arith.constant 0 : i32
      %dma_start3A_377 = tpu.memref_slice %arg11[%dma_start3A_375, %dma_start3A_376] : memref<512x16xf32, #tpu.memory_space<vmem>> -> memref<128x16xf32, #tpu.memory_space<vmem>>
      %dma_start3A_378 = arith.constant 0 : i32
      %dma_start3A_379 = tpu.memref_slice %arg9[%dma_start3A_374, %dma_start3A_378] : memref<4x128xi32, #tpu.memory_space<vmem>> -> memref<1x128xi32, #tpu.memory_space<vmem>>
      %dma_start3A_380 = tpu.memref_squeeze %dma_start3A_379 : memref<1x128xi32, #tpu.memory_space<vmem>> -> memref<128xi32, #tpu.memory_space<vmem>>
      %dma_start3A_381 = arith.constant 0 : i32
      %dma_start3A_382 = arith.constant 0 : i32
      %dma_start3A_383 = tpu.memref_slice %arg12[%dma_start3A_381, %dma_start3A_382] : memref<100352x16xf32, #tpu.memory_space<vmem_shared>> -> memref<100352x16xf32, #tpu.memory_space<vmem_shared>>
      tpu.enqueue_indirect_dma source(%dma_start3A_377 : memref<128x16xf32, #tpu.memory_space<vmem>>) target(%dma_start3A_383 : memref<100352x16xf32, #tpu.memory_space<vmem_shared>>) offsets(%dma_start3A_380 : memref<128xi32, #tpu.memory_space<vmem>>) semaphore(%arg14 : memref<!tpu.dma_semaphore, #tpu.memory_space<semaphore_mem>>) {add = true}
      %dma_start3A_384 = arith.constant 1 : i32
      %dma_start3A_385 = arith.constant 128 : i32
      %dma_start3A_386 = arith.constant 0 : i32
      %dma_start3A_387 = tpu.memref_slice %arg11[%dma_start3A_385, %dma_start3A_386] : memref<512x16xf32, #tpu.memory_space<vmem>> -> memref<128x16xf32, #tpu.memory_space<vmem>>
      %dma_start3A_388 = arith.constant 0 : i32
      %dma_start3A_389 = tpu.memref_slice %arg9[%dma_start3A_384, %dma_start3A_388] : memref<4x128xi32, #tpu.memory_space<vmem>> -> memref<1x128xi32, #tpu.memory_space<vmem>>
      %dma_start3A_390 = tpu.memref_squeeze %dma_start3A_389 : memref<1x128xi32, #tpu.memory_space<vmem>> -> memref<128xi32, #tpu.memory_space<vmem>>
      %dma_start3A_391 = arith.constant 0 : i32
      %dma_start3A_392 = arith.constant 0 : i32
      %dma_start3A_393 = tpu.memref_slice %arg12[%dma_start3A_391, %dma_start3A_392] : memref<100352x16xf32, #tpu.memory_space<vmem_shared>> -> memref<100352x16xf32, #tpu.memory_space<vmem_shared>>
      tpu.enqueue_indirect_dma source(%dma_start3A_387 : memref<128x16xf32, #tpu.memory_space<vmem>>) target(%dma_start3A_393 : memref<100352x16xf32, #tpu.memory_space<vmem_shared>>) offsets(%dma_start3A_390 : memref<128xi32, #tpu.memory_space<vmem>>) semaphore(%arg14 : memref<!tpu.dma_semaphore, #tpu.memory_space<semaphore_mem>>) {add = true}
      %dma_start3A_394 = arith.constant 2 : i32
      %dma_start3A_395 = arith.constant 256 : i32
      %dma_start3A_396 = arith.constant 0 : i32
      %dma_start3A_397 = tpu.memref_slice %arg11[%dma_start3A_395, %dma_start3A_396] : memref<512x16xf32, #tpu.memory_space<vmem>> -> memref<128x16xf32, #tpu.memory_space<vmem>>
      %dma_start3A_398 = arith.constant 0 : i32
      %dma_start3A_399 = tpu.memref_slice %arg9[%dma_start3A_394, %dma_start3A_398] : memref<4x128xi32, #tpu.memory_space<vmem>> -> memref<1x128xi32, #tpu.memory_space<vmem>>
      %dma_start3A_400 = tpu.memref_squeeze %dma_start3A_399 : memref<1x128xi32, #tpu.memory_space<vmem>> -> memref<128xi32, #tpu.memory_space<vmem>>
      %dma_start3A_401 = arith.constant 0 : i32
      %dma_start3A_402 = arith.constant 0 : i32
      %dma_start3A_403 = tpu.memref_slice %arg12[%dma_start3A_401, %dma_start3A_402] : memref<100352x16xf32, #tpu.memory_space<vmem_shared>> -> memref<100352x16xf32, #tpu.memory_space<vmem_shared>>
      tpu.enqueue_indirect_dma source(%dma_start3A_397 : memref<128x16xf32, #tpu.memory_space<vmem>>) target(%dma_start3A_403 : memref<100352x16xf32, #tpu.memory_space<vmem_shared>>) offsets(%dma_start3A_400 : memref<128xi32, #tpu.memory_space<vmem>>) semaphore(%arg14 : memref<!tpu.dma_semaphore, #tpu.memory_space<semaphore_mem>>) {add = true}
      %dma_start3A_404 = arith.constant 3 : i32
      %dma_start3A_405 = arith.constant 384 : i32
      %dma_start3A_406 = arith.constant 0 : i32
      %dma_start3A_407 = tpu.memref_slice %arg11[%dma_start3A_405, %dma_start3A_406] : memref<512x16xf32, #tpu.memory_space<vmem>> -> memref<128x16xf32, #tpu.memory_space<vmem>>
      %dma_start3A_408 = arith.constant 0 : i32
      %dma_start3A_409 = tpu.memref_slice %arg9[%dma_start3A_404, %dma_start3A_408] : memref<4x128xi32, #tpu.memory_space<vmem>> -> memref<1x128xi32, #tpu.memory_space<vmem>>
      %dma_start3A_410 = tpu.memref_squeeze %dma_start3A_409 : memref<1x128xi32, #tpu.memory_space<vmem>> -> memref<128xi32, #tpu.memory_space<vmem>>
      %dma_start3A_411 = arith.constant 0 : i32
      %dma_start3A_412 = arith.constant 0 : i32
      %dma_start3A_413 = tpu.memref_slice %arg12[%dma_start3A_411, %dma_start3A_412] : memref<100352x16xf32, #tpu.memory_space<vmem_shared>> -> memref<100352x16xf32, #tpu.memory_space<vmem_shared>>
      tpu.enqueue_indirect_dma source(%dma_start3A_407 : memref<128x16xf32, #tpu.memory_space<vmem>>) target(%dma_start3A_413 : memref<100352x16xf32, #tpu.memory_space<vmem_shared>>) offsets(%dma_start3A_410 : memref<128xi32, #tpu.memory_space<vmem>>) semaphore(%arg14 : memref<!tpu.dma_semaphore, #tpu.memory_space<semaphore_mem>>) {add = true}
      %dma_wait3A_414 = arith.constant 0 : i32
      %dma_wait3A_415 = arith.constant 0 : i32
      %dma_wait3A_416 = arith.constant 0 : i32
      %dma_wait3A_417 = tpu.memref_slice %arg11[%dma_wait3A_415, %dma_wait3A_416] : memref<512x16xf32, #tpu.memory_space<vmem>> -> memref<128x16xf32, #tpu.memory_space<vmem>>
      %dma_wait3A_418 = arith.constant 0 : i32
      %dma_wait3A_419 = tpu.memref_slice %arg9[%dma_wait3A_414, %dma_wait3A_418] : memref<4x128xi32, #tpu.memory_space<vmem>> -> memref<1x128xi32, #tpu.memory_space<vmem>>
      %dma_wait3A_420 = tpu.memref_squeeze %dma_wait3A_419 : memref<1x128xi32, #tpu.memory_space<vmem>> -> memref<128xi32, #tpu.memory_space<vmem>>
      %dma_wait3A_421 = arith.constant 0 : i32
      %dma_wait3A_422 = arith.constant 0 : i32
      %dma_wait3A_423 = tpu.memref_slice %arg12[%dma_wait3A_421, %dma_wait3A_422] : memref<100352x16xf32, #tpu.memory_space<vmem_shared>> -> memref<100352x16xf32, #tpu.memory_space<vmem_shared>>
      tpu.wait_indirect_dma semaphore(%arg14 : memref<!tpu.dma_semaphore, #tpu.memory_space<semaphore_mem>>) src(%dma_wait3A_417 : memref<128x16xf32, #tpu.memory_space<vmem>>) dst(%dma_wait3A_423 : memref<100352x16xf32, #tpu.memory_space<vmem_shared>>)
      %dma_wait3A_424 = arith.constant 1 : i32
      %dma_wait3A_425 = arith.constant 128 : i32
      %dma_wait3A_426 = arith.constant 0 : i32
      %dma_wait3A_427 = tpu.memref_slice %arg11[%dma_wait3A_425, %dma_wait3A_426] : memref<512x16xf32, #tpu.memory_space<vmem>> -> memref<128x16xf32, #tpu.memory_space<vmem>>
      %dma_wait3A_428 = arith.constant 0 : i32
      %dma_wait3A_429 = tpu.memref_slice %arg9[%dma_wait3A_424, %dma_wait3A_428] : memref<4x128xi32, #tpu.memory_space<vmem>> -> memref<1x128xi32, #tpu.memory_space<vmem>>
      %dma_wait3A_430 = tpu.memref_squeeze %dma_wait3A_429 : memref<1x128xi32, #tpu.memory_space<vmem>> -> memref<128xi32, #tpu.memory_space<vmem>>
      %dma_wait3A_431 = arith.constant 0 : i32
      %dma_wait3A_432 = arith.constant 0 : i32
      %dma_wait3A_433 = tpu.memref_slice %arg12[%dma_wait3A_431, %dma_wait3A_432] : memref<100352x16xf32, #tpu.memory_space<vmem_shared>> -> memref<100352x16xf32, #tpu.memory_space<vmem_shared>>
      tpu.wait_indirect_dma semaphore(%arg14 : memref<!tpu.dma_semaphore, #tpu.memory_space<semaphore_mem>>) src(%dma_wait3A_427 : memref<128x16xf32, #tpu.memory_space<vmem>>) dst(%dma_wait3A_433 : memref<100352x16xf32, #tpu.memory_space<vmem_shared>>)
      %dma_wait3A_434 = arith.constant 2 : i32
      %dma_wait3A_435 = arith.constant 256 : i32
      %dma_wait3A_436 = arith.constant 0 : i32
      %dma_wait3A_437 = tpu.memref_slice %arg11[%dma_wait3A_435, %dma_wait3A_436] : memref<512x16xf32, #tpu.memory_space<vmem>> -> memref<128x16xf32, #tpu.memory_space<vmem>>
      %dma_wait3A_438 = arith.constant 0 : i32
      %dma_wait3A_439 = tpu.memref_slice %arg9[%dma_wait3A_434, %dma_wait3A_438] : memref<4x128xi32, #tpu.memory_space<vmem>> -> memref<1x128xi32, #tpu.memory_space<vmem>>
      %dma_wait3A_440 = tpu.memref_squeeze %dma_wait3A_439 : memref<1x128xi32, #tpu.memory_space<vmem>> -> memref<128xi32, #tpu.memory_space<vmem>>
      %dma_wait3A_441 = arith.constant 0 : i32
      %dma_wait3A_442 = arith.constant 0 : i32
      %dma_wait3A_443 = tpu.memref_slice %arg12[%dma_wait3A_441, %dma_wait3A_442] : memref<100352x16xf32, #tpu.memory_space<vmem_shared>> -> memref<100352x16xf32, #tpu.memory_space<vmem_shared>>
      tpu.wait_indirect_dma semaphore(%arg14 : memref<!tpu.dma_semaphore, #tpu.memory_space<semaphore_mem>>) src(%dma_wait3A_437 : memref<128x16xf32, #tpu.memory_space<vmem>>) dst(%dma_wait3A_443 : memref<100352x16xf32, #tpu.memory_space<vmem_shared>>)
      %dma_wait3A_444 = arith.constant 3 : i32
      %dma_wait3A_445 = arith.constant 384 : i32
      %dma_wait3A_446 = arith.constant 0 : i32
      %dma_wait3A_447 = tpu.memref_slice %arg11[%dma_wait3A_445, %dma_wait3A_446] : memref<512x16xf32, #tpu.memory_space<vmem>> -> memref<128x16xf32, #tpu.memory_space<vmem>>
      %dma_wait3A_448 = arith.constant 0 : i32
      %dma_wait3A_449 = tpu.memref_slice %arg9[%dma_wait3A_444, %dma_wait3A_448] : memref<4x128xi32, #tpu.memory_space<vmem>> -> memref<1x128xi32, #tpu.memory_space<vmem>>
      %dma_wait3A_450 = tpu.memref_squeeze %dma_wait3A_449 : memref<1x128xi32, #tpu.memory_space<vmem>> -> memref<128xi32, #tpu.memory_space<vmem>>
      %dma_wait3A_451 = arith.constant 0 : i32
      %dma_wait3A_452 = arith.constant 0 : i32
      %dma_wait3A_453 = tpu.memref_slice %arg12[%dma_wait3A_451, %dma_wait3A_452] : memref<100352x16xf32, #tpu.memory_space<vmem_shared>> -> memref<100352x16xf32, #tpu.memory_space<vmem_shared>>
      tpu.wait_indirect_dma semaphore(%arg14 : memref<!tpu.dma_semaphore, #tpu.memory_space<semaphore_mem>>) src(%dma_wait3A_447 : memref<128x16xf32, #tpu.memory_space<vmem>>) dst(%dma_wait3A_453 : memref<100352x16xf32, #tpu.memory_space<vmem_shared>>)
    }
    %scan3A_6 = arith.constant 98 : i32
    %barrier3A_7 = arith.constant 0 : index
    tpu.barrier barrier_id(%barrier3A_7)
    "tpu.region"() ({
      %run_scoped3A = tpu.sem_alloc : memref<!tpu.dma_semaphore, #tpu.memory_space<semaphore_mem>>
      %dma_start3A = arith.constant 0 : i32
      %dma_start3A_8 = tpu.memref_slice %arg5[%arg0, %mul3A_0, %dma_start3A] : memref<2x100352x16xf32, #tpu.memory_space<hbm>> -> memref<1x6272x16xf32, #tpu.memory_space<hbm>>
      %dma_start3A_9 = tpu.memref_squeeze %dma_start3A_8 : memref<1x6272x16xf32, #tpu.memory_space<hbm>> -> memref<6272x16xf32, #tpu.memory_space<hbm>>
      %dma_start3A_10 = arith.constant 0 : i32
      %dma_start3A_11 = tpu.memref_slice %arg12[%mul3A_0, %dma_start3A_10] : memref<100352x16xf32, #tpu.memory_space<vmem_shared>> -> memref<6272x16xf32, #tpu.memory_space<vmem_shared>>
      tpu.enqueue_dma source(%dma_start3A_11 : memref<6272x16xf32, #tpu.memory_space<vmem_shared>>) target(%dma_start3A_9 : memref<6272x16xf32, #tpu.memory_space<hbm>>) target_semaphore(%run_scoped3A : memref<!tpu.dma_semaphore, #tpu.memory_space<semaphore_mem>>)
      %dma_wait3A = arith.constant 0 : i32
      %dma_wait3A_12 = tpu.memref_slice %arg5[%arg0, %mul3A_0, %dma_wait3A] : memref<2x100352x16xf32, #tpu.memory_space<hbm>> -> memref<1x6272x16xf32, #tpu.memory_space<hbm>>
      %dma_wait3A_13 = tpu.memref_squeeze %dma_wait3A_12 : memref<1x6272x16xf32, #tpu.memory_space<hbm>> -> memref<6272x16xf32, #tpu.memory_space<hbm>>
      %dma_wait3A_14 = arith.constant 0 : i32
      %dma_wait3A_15 = tpu.memref_slice %arg12[%mul3A_0, %dma_wait3A_14] : memref<100352x16xf32, #tpu.memory_space<vmem_shared>> -> memref<6272x16xf32, #tpu.memory_space<vmem_shared>>
      tpu.wait_dma2 semaphore(%run_scoped3A : memref<!tpu.dma_semaphore, #tpu.memory_space<semaphore_mem>>) src(%dma_wait3A_15 : memref<6272x16xf32, #tpu.memory_space<vmem_shared>>) dst(%dma_wait3A_13 : memref<6272x16xf32, #tpu.memory_space<hbm>>)
      tpu.yield
    }) : () -> ()
    return
  }
}

module attributes {stable_mosaic.version = 14 : i64} {
  func.func @_prep_body(%arg0: i32, %arg1: memref<2048x4xf32, #tpu.memory_space<vmem>>, %arg2: memref<2x2048x16xf32, #tpu.memory_space<vmem>>, %arg3: memref<2048x16xf32, #tpu.memory_space<vmem>>) attributes {dimension_semantics = [#tpu.dimension_semantics<arbitrary>], iteration_bounds = array<i64: 49>, scalar_prefetch = 0 : i64, scratch_operands = 0 : i64, tpu.core_type = #tpu.core_type<tc>, window_params = [{transform_indices = @transform_0, window_bounds = array<i64: 2048, 4>}, {transform_indices = @transform_1, window_bounds = array<i64: 2, 2048, 16>}, {transform_indices = @transform_2, window_bounds = array<i64: 2048, 16>}]} {
    %get3A = arith.constant 0 : index
    %get3A_0 = arith.constant 0 : index
    %get3A_1 = arith.constant 0 : index
    %get3A_2 = vector.load %arg2[%get3A, %get3A_0, %get3A_1] : memref<2x2048x16xf32, #tpu.memory_space<vmem>>, vector<1x2048x16xf32>
    %get3A_3 = vector.shape_cast %get3A_2 : vector<1x2048x16xf32> to vector<2048x16xf32>
    %get3A_4 = arith.constant 1 : index
    %get3A_5 = arith.constant 0 : index
    %get3A_6 = arith.constant 0 : index
    %get3A_7 = vector.load %arg2[%get3A_4, %get3A_5, %get3A_6] : memref<2x2048x16xf32, #tpu.memory_space<vmem>>, vector<1x2048x16xf32>
    %get3A_8 = vector.shape_cast %get3A_7 : vector<1x2048x16xf32> to vector<2048x16xf32>
    %add3A = arith.addf %get3A_3, %get3A_8 : vector<2048x16xf32>
    %add3A_9 = arith.constant 1.000000e+00 : f32
    %add3A_10 = vector.broadcast %add3A_9 : f32 to vector<2048x16xf32>
    %add3A_11 = arith.addf %add3A, %add3A_10 : vector<2048x16xf32>
    %rsqrt3A = math.rsqrt %add3A_11 : vector<2048x16xf32>
    %get3A_12 = arith.constant 0 : index
    %get3A_13 = arith.constant 0 : index
    %get3A_14 = vector.load %arg1[%get3A_12, %get3A_13] : memref<2048x4xf32, #tpu.memory_space<vmem>>, vector<2048x4xf32>
    %slice3A = vector.extract_strided_slice %rsqrt3A {offsets = [0, 0], sizes = [2048, 4], strides = [1, 1]} : vector<2048x16xf32> to vector<2048x4xf32>
    %mul3A = arith.mulf %get3A_14, %slice3A : vector<2048x4xf32>
    %broadcast_in_dim3A = arith.constant 0.000000e+00 : f32
    %broadcast_in_dim3A_15 = vector.broadcast %broadcast_in_dim3A : f32 to vector<2048x12xf32>
    %concatenate3A = tpu.concatenate %mul3A, %broadcast_in_dim3A_15 in 1 : vector<2048x4xf32>, vector<2048x12xf32> -> vector<2048x16xf32>
    %swap3A = arith.constant 0 : index
    %swap3A_16 = arith.constant 0 : index
    %swap3A_17 = vector.load %arg3[%swap3A, %swap3A_16] : memref<2048x16xf32, #tpu.memory_space<vmem>>, vector<2048x16xf32>
    tpu.vector_store %arg3[%swap3A, %swap3A_16], %concatenate3A {strides = array<i32>} : memref<2048x16xf32, #tpu.memory_space<vmem>>, vector<2048x16xf32>,
    return
  }
  func.func @transform_0(%arg0: i32) -> (i32, i32) {
    %c0_i32 = arith.constant 0 : i32
    %c0_i32_0 = arith.constant 0 : i32
    return %arg0, %c0_i32 : i32, i32
  }
  func.func @transform_1(%arg0: i32) -> (i32, i32, i32) {
    %c0_i32 = arith.constant 0 : i32
    %c0_i32_0 = arith.constant 0 : i32
    %c0_i32_1 = arith.constant 0 : i32
    return %c0_i32, %arg0, %c0_i32_0 : i32, i32, i32
  }
  func.func @transform_2(%arg0: i32) -> (i32, i32) {
    %c0_i32 = arith.constant 0 : i32
    %c0_i32_0 = arith.constant 0 : i32
    return %arg0, %c0_i32 : i32, i32
  }
}

module attributes {stable_mosaic.version = 14 : i64} {
  func.func @_post1_body(%arg0: i32, %arg1: memref<2x2048x16xf32, #tpu.memory_space<vmem>>, %arg2: memref<2048x16xf32, #tpu.memory_space<vmem>>, %arg3: memref<2x2048x16xf32, #tpu.memory_space<vmem>>, %arg4: memref<16x32xf32, #tpu.memory_space<vmem>>, %arg5: memref<1x32xf32, #tpu.memory_space<vmem>>, %arg6: memref<1x32xf32, #tpu.memory_space<vmem>>, %arg7: memref<1x32xf32, #tpu.memory_space<vmem>>, %arg8: memref<1x1xf32, #tpu.memory_space<vmem>>, %arg9: memref<2x2048x16xf32, #tpu.memory_space<vmem>>) attributes {dimension_semantics = [#tpu.dimension_semantics<arbitrary>], iteration_bounds = array<i64: 49>, scalar_prefetch = 0 : i64, scratch_operands = 0 : i64, tpu.core_type = #tpu.core_type<tc>, window_params = [{transform_indices = @transform_0, window_bounds = array<i64: 2, 2048, 16>}, {transform_indices = @transform_1, window_bounds = array<i64: 2048, 16>}, {transform_indices = @transform_2, window_bounds = array<i64: 2, 2048, 16>}, {pipeline_mode = #tpu.pipeline_mode<synchronous>, transform_indices = @transform_3, window_bounds = array<i64: 16, 32>}, {pipeline_mode = #tpu.pipeline_mode<synchronous>, transform_indices = @transform_4, window_bounds = array<i64: 1, 32>}, {pipeline_mode = #tpu.pipeline_mode<synchronous>, transform_indices = @transform_5, window_bounds = array<i64: 1, 32>}, {pipeline_mode = #tpu.pipeline_mode<synchronous>, transform_indices = @transform_6, window_bounds = array<i64: 1, 32>}, {pipeline_mode = #tpu.pipeline_mode<synchronous>, transform_indices = @transform_7, window_bounds = array<i64: 1, 1>}, {transform_indices = @transform_8, window_bounds = array<i64: 2, 2048, 16>}]} {
    %get3A = arith.constant 0 : index
    %get3A_0 = arith.constant 0 : index
    %get3A_1 = arith.constant 0 : index
    %get3A_2 = vector.load %arg3[%get3A, %get3A_0, %get3A_1] : memref<2x2048x16xf32, #tpu.memory_space<vmem>>, vector<1x2048x16xf32>
    %get3A_3 = vector.shape_cast %get3A_2 : vector<1x2048x16xf32> to vector<2048x16xf32>
    %get3A_4 = arith.constant 1 : index
    %get3A_5 = arith.constant 0 : index
    %get3A_6 = arith.constant 0 : index
    %get3A_7 = vector.load %arg3[%get3A_4, %get3A_5, %get3A_6] : memref<2x2048x16xf32, #tpu.memory_space<vmem>>, vector<1x2048x16xf32>
    %get3A_8 = vector.shape_cast %get3A_7 : vector<1x2048x16xf32> to vector<2048x16xf32>
    %add3A = arith.addf %get3A_3, %get3A_8 : vector<2048x16xf32>
    %add3A_9 = arith.constant 1.000000e+00 : f32
    %add3A_10 = vector.broadcast %add3A_9 : f32 to vector<2048x16xf32>
    %add3A_11 = arith.addf %add3A, %add3A_10 : vector<2048x16xf32>
    %rsqrt3A = math.rsqrt %add3A_11 : vector<2048x16xf32>
    %get3A_12 = arith.constant 0 : index
    %get3A_13 = arith.constant 0 : index
    %get3A_14 = arith.constant 0 : index
    %get3A_15 = vector.load %arg1[%get3A_12, %get3A_13, %get3A_14] : memref<2x2048x16xf32, #tpu.memory_space<vmem>>, vector<1x2048x16xf32>
    %get3A_16 = vector.shape_cast %get3A_15 : vector<1x2048x16xf32> to vector<2048x16xf32>
    %get3A_17 = arith.constant 1 : index
    %get3A_18 = arith.constant 0 : index
    %get3A_19 = arith.constant 0 : index
    %get3A_20 = vector.load %arg1[%get3A_17, %get3A_18, %get3A_19] : memref<2x2048x16xf32, #tpu.memory_space<vmem>>, vector<1x2048x16xf32>
    %get3A_21 = vector.shape_cast %get3A_20 : vector<1x2048x16xf32> to vector<2048x16xf32>
    %add3A_22 = arith.addf %get3A_16, %get3A_21 : vector<2048x16xf32>
    %get3A_23 = arith.constant 0 : index
    %get3A_24 = arith.constant 0 : index
    %get3A_25 = vector.load %arg2[%get3A_23, %get3A_24] : memref<2048x16xf32, #tpu.memory_space<vmem>>, vector<2048x16xf32>
    %add3A_26 = arith.addf %add3A_22, %get3A_25 : vector<2048x16xf32>
    %mul3A = arith.mulf %add3A_26, %rsqrt3A : vector<2048x16xf32>
    %get3A_27 = arith.constant 0 : index
    %get3A_28 = arith.constant 0 : index
    %get3A_29 = vector.load %arg4[%get3A_27, %get3A_28] : memref<16x32xf32, #tpu.memory_space<vmem>>, vector<16x32xf32>
    %dot_general3A = arith.constant dense<0.000000e+00> : vector<2048x32xf32>
    %dot_general3A_30 = tpu.matmul %mul3A, %get3A_29, %dot_general3A {dimension_numbers = #tpu.dot_dimension_numbers<[1], [0], [0], [1], [0, 0, 1, 1], [], []>, transpose_lhs_hint = false} : vector<2048x16xf32>, vector<16x32xf32>, vector<2048x32xf32> -> vector<2048x32xf32>
    %get3A_31 = arith.constant 0 : index
    %get3A_32 = arith.constant 0 : index
    %get3A_33 = vector.load %arg5[%get3A_31, %get3A_32] : memref<1x32xf32, #tpu.memory_space<vmem>>, vector<1x32xf32>
    %add3A_34 = vector.broadcast %get3A_33 : vector<1x32xf32> to vector<2048x32xf32>
    %add3A_35 = arith.addf %dot_general3A_30, %add3A_34 : vector<2048x32xf32>
    %get3A_36 = arith.constant 0 : index
    %get3A_37 = arith.constant 0 : index
    %get3A_38 = vector.load %arg6[%get3A_36, %get3A_37] : memref<1x32xf32, #tpu.memory_space<vmem>>, vector<1x32xf32>
    %get3A_39 = arith.constant 0 : index
    %get3A_40 = arith.constant 0 : index
    %get3A_41 = vector.load %arg7[%get3A_39, %get3A_40] : memref<1x32xf32, #tpu.memory_space<vmem>>, vector<1x32xf32>
    %reduce_sum3A = arith.constant dense<0.000000e+00> : vector<2048xf32>
    %reduce_sum3A_42 = vector.multi_reduction <add>, %add3A_35, %reduce_sum3A [1] : vector<2048x32xf32> to vector<2048xf32>
    %broadcast_in_dim3A = vector.shape_cast %reduce_sum3A_42 : vector<2048xf32> to vector<2048x1xf32>
    %div3A = arith.constant 3.200000e+01 : f32
    %div3A_43 = vector.broadcast %div3A : f32 to vector<2048x1xf32>
    %div3A_44 = arith.divf %broadcast_in_dim3A, %div3A_43 : vector<2048x1xf32>
    %sub3A = vector.broadcast %div3A_44 : vector<2048x1xf32> to vector<2048x32xf32>
    %sub3A_45 = arith.subf %add3A_35, %sub3A : vector<2048x32xf32>
    %sub3A_46 = vector.broadcast %div3A_44 : vector<2048x1xf32> to vector<2048x32xf32>
    %sub3A_47 = arith.subf %add3A_35, %sub3A_46 : vector<2048x32xf32>
    %mul3A_48 = arith.mulf %sub3A_45, %sub3A_47 : vector<2048x32xf32>
    %reduce_sum3A_49 = arith.constant dense<0.000000e+00> : vector<2048xf32>
    %reduce_sum3A_50 = vector.multi_reduction <add>, %mul3A_48, %reduce_sum3A_49 [1] : vector<2048x32xf32> to vector<2048xf32>
    %broadcast_in_dim3A_51 = vector.shape_cast %reduce_sum3A_50 : vector<2048xf32> to vector<2048x1xf32>
    %div3A_52 = arith.constant 3.200000e+01 : f32
    %div3A_53 = vector.broadcast %div3A_52 : f32 to vector<2048x1xf32>
    %div3A_54 = arith.divf %broadcast_in_dim3A_51, %div3A_53 : vector<2048x1xf32>
    %sub3A_55 = vector.broadcast %div3A_44 : vector<2048x1xf32> to vector<2048x32xf32>
    %sub3A_56 = arith.subf %add3A_35, %sub3A_55 : vector<2048x32xf32>
    %add3A_57 = arith.constant 9.99999974E-6 : f32
    %add3A_58 = vector.broadcast %add3A_57 : f32 to vector<2048x1xf32>
    %add3A_59 = arith.addf %div3A_54, %add3A_58 : vector<2048x1xf32>
    %rsqrt3A_60 = math.rsqrt %add3A_59 : vector<2048x1xf32>
    %mul3A_61 = vector.broadcast %rsqrt3A_60 : vector<2048x1xf32> to vector<2048x32xf32>
    %mul3A_62 = arith.mulf %sub3A_56, %mul3A_61 : vector<2048x32xf32>
    %mul3A_63 = vector.broadcast %get3A_38 : vector<1x32xf32> to vector<2048x32xf32>
    %mul3A_64 = arith.mulf %mul3A_62, %mul3A_63 : vector<2048x32xf32>
    %add3A_65 = vector.broadcast %get3A_41 : vector<1x32xf32> to vector<2048x32xf32>
    %add3A_66 = arith.addf %mul3A_64, %add3A_65 : vector<2048x32xf32>
    %get3A_67 = arith.constant 0 : index
    %get3A_68 = arith.constant 0 : index
    %get3A_69 = vector.load %arg8[%get3A_67, %get3A_68] : memref<1x1xf32, #tpu.memory_space<vmem>>, vector<1x1xf32>
    %get3A_70 = vector.extract %get3A_69[0, 0] : f32 from vector<1x1xf32>
    %max3A = arith.constant 0.000000e+00 : f32
    %max3A_71 = vector.broadcast %max3A : f32 to vector<2048x32xf32>
    %max3A_72 = arith.maximumf %add3A_66, %max3A_71 : vector<2048x32xf32>
    %min3A = arith.constant 0.000000e+00 : f32
    %min3A_73 = vector.broadcast %min3A : f32 to vector<2048x32xf32>
    %min3A_74 = arith.minimumf %add3A_66, %min3A_73 : vector<2048x32xf32>
    %mul3A_75 = vector.broadcast %get3A_70 : f32 to vector<2048x32xf32>
    %mul3A_76 = arith.mulf %mul3A_75, %min3A_74 : vector<2048x32xf32>
    %add3A_77 = arith.addf %max3A_72, %mul3A_76 : vector<2048x32xf32>
    %slice3A = vector.extract_strided_slice %add3A_77 {offsets = [0, 0], sizes = [2048, 16], strides = [1, 1]} : vector<2048x32xf32> to vector<2048x16xf32>
    %mul3A_78 = arith.mulf %slice3A, %rsqrt3A : vector<2048x16xf32>
    %swap3A = arith.constant 0 : index
    %swap3A_79 = arith.constant 0 : index
    %swap3A_80 = arith.constant 0 : index
    %swap3A_81 = vector.load %arg9[%swap3A, %swap3A_79, %swap3A_80] : memref<2x2048x16xf32, #tpu.memory_space<vmem>>, vector<1x2048x16xf32>
    %swap3A_82 = vector.shape_cast %swap3A_81 : vector<1x2048x16xf32> to vector<2048x16xf32>
    %swap3A_83 = vector.shape_cast %mul3A_78 : vector<2048x16xf32> to vector<1x2048x16xf32>
    tpu.vector_store %arg9[%swap3A, %swap3A_79, %swap3A_80], %swap3A_83 {strides = array<i32>} : memref<2x2048x16xf32, #tpu.memory_space<vmem>>, vector<1x2048x16xf32>,
    %slice3A_84 = vector.extract_strided_slice %add3A_77 {offsets = [0, 16], sizes = [2048, 16], strides = [1, 1]} : vector<2048x32xf32> to vector<2048x16xf32>
    %mul3A_85 = arith.mulf %slice3A_84, %rsqrt3A : vector<2048x16xf32>
    %swap3A_86 = arith.constant 1 : index
    %swap3A_87 = arith.constant 0 : index
    %swap3A_88 = arith.constant 0 : index
    %swap3A_89 = vector.load %arg9[%swap3A_86, %swap3A_87, %swap3A_88] : memref<2x2048x16xf32, #tpu.memory_space<vmem>>, vector<1x2048x16xf32>
    %swap3A_90 = vector.shape_cast %swap3A_89 : vector<1x2048x16xf32> to vector<2048x16xf32>
    %swap3A_91 = vector.shape_cast %mul3A_85 : vector<2048x16xf32> to vector<1x2048x16xf32>
    tpu.vector_store %arg9[%swap3A_86, %swap3A_87, %swap3A_88], %swap3A_91 {strides = array<i32>} : memref<2x2048x16xf32, #tpu.memory_space<vmem>>, vector<1x2048x16xf32>,
    return
  }
  func.func @transform_0(%arg0: i32) -> (i32, i32, i32) {
    %c0_i32 = arith.constant 0 : i32
    %c0_i32_0 = arith.constant 0 : i32
    %c0_i32_1 = arith.constant 0 : i32
    return %c0_i32, %arg0, %c0_i32_0 : i32, i32, i32
  }
  func.func @transform_1(%arg0: i32) -> (i32, i32) {
    %c0_i32 = arith.constant 0 : i32
    %c0_i32_0 = arith.constant 0 : i32
    return %arg0, %c0_i32 : i32, i32
  }
  func.func @transform_2(%arg0: i32) -> (i32, i32, i32) {
    %c0_i32 = arith.constant 0 : i32
    %c0_i32_0 = arith.constant 0 : i32
    %c0_i32_1 = arith.constant 0 : i32
    return %c0_i32, %arg0, %c0_i32_0 : i32, i32, i32
  }
  func.func @transform_3(%arg0: i32) -> (i32, i32) {
    %c0_i32 = arith.constant 0 : i32
    %c0_i32_0 = arith.constant 0 : i32
    %c0_i32_1 = arith.constant 0 : i32
    return %c0_i32, %c0_i32_0 : i32, i32
  }
  func.func @transform_4(%arg0: i32) -> (i32, i32) {
    %c0_i32 = arith.constant 0 : i32
    %c0_i32_0 = arith.constant 0 : i32
    %c0_i32_1 = arith.constant 0 : i32
    return %c0_i32, %c0_i32_0 : i32, i32
  }
  func.func @transform_5(%arg0: i32) -> (i32, i32) {
    %c0_i32 = arith.constant 0 : i32
    %c0_i32_0 = arith.constant 0 : i32
    %c0_i32_1 = arith.constant 0 : i32
    return %c0_i32, %c0_i32_0 : i32, i32
  }
  func.func @transform_6(%arg0: i32) -> (i32, i32) {
    %c0_i32 = arith.constant 0 : i32
    %c0_i32_0 = arith.constant 0 : i32
    %c0_i32_1 = arith.constant 0 : i32
    return %c0_i32, %c0_i32_0 : i32, i32
  }
  func.func @transform_7(%arg0: i32) -> (i32, i32) {
    %c0_i32 = arith.constant 0 : i32
    %c0_i32_0 = arith.constant 0 : i32
    %c0_i32_1 = arith.constant 0 : i32
    return %c0_i32, %c0_i32_0 : i32, i32
  }
  func.func @transform_8(%arg0: i32) -> (i32, i32, i32) {
    %c0_i32 = arith.constant 0 : i32
    %c0_i32_0 = arith.constant 0 : i32
    %c0_i32_1 = arith.constant 0 : i32
    return %c0_i32, %arg0, %c0_i32_0 : i32, i32, i32
  }
}

module attributes {stable_mosaic.version = 14 : i64} {
  func.func @_post2_body(%arg0: i32, %arg1: memref<2x2048x16xf32, #tpu.memory_space<vmem>>, %arg2: memref<2x2048x16xf32, #tpu.memory_space<vmem>>, %arg3: memref<2x2048x16xf32, #tpu.memory_space<vmem>>, %arg4: memref<1x1x2048xi32, #tpu.memory_space<vmem>>, %arg5: memref<32x32xf32, #tpu.memory_space<vmem>>, %arg6: memref<1x32xf32, #tpu.memory_space<vmem>>, %arg7: memref<1x32xf32, #tpu.memory_space<vmem>>, %arg8: memref<1x32xf32, #tpu.memory_space<vmem>>, %arg9: memref<1x1xf32, #tpu.memory_space<vmem>>, %arg10: memref<32x16xf32, #tpu.memory_space<vmem>>, %arg11: memref<1x16xf32, #tpu.memory_space<vmem>>, %arg12: memref<1x16xf32, #tpu.memory_space<vmem>>, %arg13: memref<1x16xf32, #tpu.memory_space<vmem>>, %arg14: memref<1x1xf32, #tpu.memory_space<vmem>>, %arg15: memref<16x10xf32, #tpu.memory_space<vmem>>, %arg16: memref<1x10xf32, #tpu.memory_space<vmem>>, %arg17: memref<64x10xf32, #tpu.memory_space<vmem>>, %arg18: memref<64x32xf32, #tpu.memory_space<vmem>>, %arg19: memref<64x1xf32, #tpu.memory_space<vmem>>) attributes {dimension_semantics = [#tpu.dimension_semantics<arbitrary>], iteration_bounds = array<i64: 49>, scalar_prefetch = 0 : i64, scratch_operands = 2 : i64, tpu.core_type = #tpu.core_type<tc>, window_params = [{transform_indices = @transform_0, window_bounds = array<i64: 2, 2048, 16>}, {transform_indices = @transform_1, window_bounds = array<i64: 2, 2048, 16>}, {transform_indices = @transform_2, window_bounds = array<i64: 2, 2048, 16>}, {transform_indices = @transform_3, window_bounds = array<i64: 1, 1, 2048>}, {pipeline_mode = #tpu.pipeline_mode<synchronous>, transform_indices = @transform_4, window_bounds = array<i64: 32, 32>}, {pipeline_mode = #tpu.pipeline_mode<synchronous>, transform_indices = @transform_5, window_bounds = array<i64: 1, 32>}, {pipeline_mode = #tpu.pipeline_mode<synchronous>, transform_indices = @transform_6, window_bounds = array<i64: 1, 32>}, {pipeline_mode = #tpu.pipeline_mode<synchronous>, transform_indices = @transform_7, window_bounds = array<i64: 1, 32>}, {pipeline_mode = #tpu.pipeline_mode<synchronous>, transform_indices = @transform_8, window_bounds = array<i64: 1, 1>}, {pipeline_mode = #tpu.pipeline_mode<synchronous>, transform_indices = @transform_9, window_bounds = array<i64: 32, 16>}, {pipeline_mode = #tpu.pipeline_mode<synchronous>, transform_indices = @transform_10, window_bounds = array<i64: 1, 16>}, {pipeline_mode = #tpu.pipeline_mode<synchronous>, transform_indices = @transform_11, window_bounds = array<i64: 1, 16>}, {pipeline_mode = #tpu.pipeline_mode<synchronous>, transform_indices = @transform_12, window_bounds = array<i64: 1, 16>}, {pipeline_mode = #tpu.pipeline_mode<synchronous>, transform_indices = @transform_13, window_bounds = array<i64: 1, 1>}, {pipeline_mode = #tpu.pipeline_mode<synchronous>, transform_indices = @transform_14, window_bounds = array<i64: 16, 10>}, {pipeline_mode = #tpu.pipeline_mode<synchronous>, transform_indices = @transform_15, window_bounds = array<i64: 1, 10>}, {pipeline_mode = #tpu.pipeline_mode<synchronous>, transform_indices = @transform_16, window_bounds = array<i64: 64, 10>}]} {
    %eq3A = arith.constant 0 : i32
    %eq3A_0 = arith.cmpi eq, %arg0, %eq3A : i32
    %convert_element_type3A = arith.extui %eq3A_0 : i1 to i32
    %cond3A = arith.constant 0 : i32
    %cond3A_1 = arith.cmpi ne, %convert_element_type3A, %cond3A : i32
    scf.if %cond3A_1 {
      %broadcast_in_dim3A_121 = arith.constant 0.000000e+00 : f32
      %broadcast_in_dim3A_122 = vector.broadcast %broadcast_in_dim3A_121 : f32 to vector<64x32xf32>
      %swap3A_123 = arith.constant 0 : index
      %swap3A_124 = arith.constant 0 : index
      %swap3A_125 = vector.load %arg18[%swap3A_123, %swap3A_124] : memref<64x32xf32, #tpu.memory_space<vmem>>, vector<64x32xf32>
      tpu.vector_store %arg18[%swap3A_123, %swap3A_124], %broadcast_in_dim3A_122 {strides = array<i32>} : memref<64x32xf32, #tpu.memory_space<vmem>>, vector<64x32xf32>,
      %broadcast_in_dim3A_126 = arith.constant 0.000000e+00 : f32
      %broadcast_in_dim3A_127 = vector.broadcast %broadcast_in_dim3A_126 : f32 to vector<64x1xf32>
      %swap3A_128 = arith.constant 0 : index
      %swap3A_129 = arith.constant 0 : index
      %swap3A_130 = vector.load %arg19[%swap3A_128, %swap3A_129] : memref<64x1xf32, #tpu.memory_space<vmem>>, vector<64x1xf32>
      tpu.vector_store %arg19[%swap3A_128, %swap3A_129], %broadcast_in_dim3A_127 {strides = array<i32>} : memref<64x1xf32, #tpu.memory_space<vmem>>, vector<64x1xf32>,
    } else {
    }
    %get3A = arith.constant 0 : index
    %get3A_2 = arith.constant 0 : index
    %get3A_3 = arith.constant 0 : index
    %get3A_4 = vector.load %arg3[%get3A, %get3A_2, %get3A_3] : memref<2x2048x16xf32, #tpu.memory_space<vmem>>, vector<1x2048x16xf32>
    %get3A_5 = vector.shape_cast %get3A_4 : vector<1x2048x16xf32> to vector<2048x16xf32>
    %get3A_6 = arith.constant 1 : index
    %get3A_7 = arith.constant 0 : index
    %get3A_8 = arith.constant 0 : index
    %get3A_9 = vector.load %arg3[%get3A_6, %get3A_7, %get3A_8] : memref<2x2048x16xf32, #tpu.memory_space<vmem>>, vector<1x2048x16xf32>
    %get3A_10 = vector.shape_cast %get3A_9 : vector<1x2048x16xf32> to vector<2048x16xf32>
    %add3A = arith.addf %get3A_5, %get3A_10 : vector<2048x16xf32>
    %add3A_11 = arith.constant 1.000000e+00 : f32
    %add3A_12 = vector.broadcast %add3A_11 : f32 to vector<2048x16xf32>
    %add3A_13 = arith.addf %add3A, %add3A_12 : vector<2048x16xf32>
    %rsqrt3A = math.rsqrt %add3A_13 : vector<2048x16xf32>
    %get3A_14 = arith.constant 0 : index
    %get3A_15 = arith.constant 0 : index
    %get3A_16 = arith.constant 0 : index
    %get3A_17 = vector.load %arg1[%get3A_14, %get3A_15, %get3A_16] : memref<2x2048x16xf32, #tpu.memory_space<vmem>>, vector<1x2048x16xf32>
    %get3A_18 = vector.shape_cast %get3A_17 : vector<1x2048x16xf32> to vector<2048x16xf32>
    %get3A_19 = arith.constant 0 : index
    %get3A_20 = arith.constant 0 : index
    %get3A_21 = arith.constant 0 : index
    %get3A_22 = vector.load %arg2[%get3A_19, %get3A_20, %get3A_21] : memref<2x2048x16xf32, #tpu.memory_space<vmem>>, vector<1x2048x16xf32>
    %get3A_23 = vector.shape_cast %get3A_22 : vector<1x2048x16xf32> to vector<2048x16xf32>
    %add3A_24 = arith.addf %get3A_18, %get3A_23 : vector<2048x16xf32>
    %mul3A = arith.mulf %add3A_24, %rsqrt3A : vector<2048x16xf32>
    %get3A_25 = arith.constant 1 : index
    %get3A_26 = arith.constant 0 : index
    %get3A_27 = arith.constant 0 : index
    %get3A_28 = vector.load %arg1[%get3A_25, %get3A_26, %get3A_27] : memref<2x2048x16xf32, #tpu.memory_space<vmem>>, vector<1x2048x16xf32>
    %get3A_29 = vector.shape_cast %get3A_28 : vector<1x2048x16xf32> to vector<2048x16xf32>
    %get3A_30 = arith.constant 1 : index
    %get3A_31 = arith.constant 0 : index
    %get3A_32 = arith.constant 0 : index
    %get3A_33 = vector.load %arg2[%get3A_30, %get3A_31, %get3A_32] : memref<2x2048x16xf32, #tpu.memory_space<vmem>>, vector<1x2048x16xf32>
    %get3A_34 = vector.shape_cast %get3A_33 : vector<1x2048x16xf32> to vector<2048x16xf32>
    %add3A_35 = arith.addf %get3A_29, %get3A_34 : vector<2048x16xf32>
    %mul3A_36 = arith.mulf %add3A_35, %rsqrt3A : vector<2048x16xf32>
    %concatenate3A = tpu.concatenate %mul3A, %mul3A_36 in 1 : vector<2048x16xf32>, vector<2048x16xf32> -> vector<2048x32xf32>
    %get3A_37 = arith.constant 0 : index
    %get3A_38 = arith.constant 0 : index
    %get3A_39 = vector.load %arg5[%get3A_37, %get3A_38] : memref<32x32xf32, #tpu.memory_space<vmem>>, vector<32x32xf32>
    %dot_general3A = arith.constant dense<0.000000e+00> : vector<2048x32xf32>
    %dot_general3A_40 = tpu.matmul %concatenate3A, %get3A_39, %dot_general3A {dimension_numbers = #tpu.dot_dimension_numbers<[1], [0], [0], [1], [0, 0, 1, 1], [], []>, transpose_lhs_hint = false} : vector<2048x32xf32>, vector<32x32xf32>, vector<2048x32xf32> -> vector<2048x32xf32>
    %get3A_41 = arith.constant 0 : index
    %get3A_42 = arith.constant 0 : index
    %get3A_43 = vector.load %arg6[%get3A_41, %get3A_42] : memref<1x32xf32, #tpu.memory_space<vmem>>, vector<1x32xf32>
    %add3A_44 = vector.broadcast %get3A_43 : vector<1x32xf32> to vector<2048x32xf32>
    %add3A_45 = arith.addf %dot_general3A_40, %add3A_44 : vector<2048x32xf32>
    %get3A_46 = arith.constant 0 : index
    %get3A_47 = arith.constant 0 : index
    %get3A_48 = vector.load %arg7[%get3A_46, %get3A_47] : memref<1x32xf32, #tpu.memory_space<vmem>>, vector<1x32xf32>
    %get3A_49 = arith.constant 0 : index
    %get3A_50 = arith.constant 0 : index
    %get3A_51 = vector.load %arg8[%get3A_49, %get3A_50] : memref<1x32xf32, #tpu.memory_space<vmem>>, vector<1x32xf32>
    %reduce_sum3A = arith.constant dense<0.000000e+00> : vector<2048xf32>
    %reduce_sum3A_52 = vector.multi_reduction <add>, %add3A_45, %reduce_sum3A [1] : vector<2048x32xf32> to vector<2048xf32>
    %broadcast_in_dim3A = vector.shape_cast %reduce_sum3A_52 : vector<2048xf32> to vector<2048x1xf32>
    %div3A = arith.constant 3.200000e+01 : f32
    %div3A_53 = vector.broadcast %div3A : f32 to vector<2048x1xf32>
    %div3A_54 = arith.divf %broadcast_in_dim3A, %div3A_53 : vector<2048x1xf32>
    %sub3A = vector.broadcast %div3A_54 : vector<2048x1xf32> to vector<2048x32xf32>
    %sub3A_55 = arith.subf %add3A_45, %sub3A : vector<2048x32xf32>
    %sub3A_56 = vector.broadcast %div3A_54 : vector<2048x1xf32> to vector<2048x32xf32>
    %sub3A_57 = arith.subf %add3A_45, %sub3A_56 : vector<2048x32xf32>
    %mul3A_58 = arith.mulf %sub3A_55, %sub3A_57 : vector<2048x32xf32>
    %reduce_sum3A_59 = arith.constant dense<0.000000e+00> : vector<2048xf32>
    %reduce_sum3A_60 = vector.multi_reduction <add>, %mul3A_58, %reduce_sum3A_59 [1] : vector<2048x32xf32> to vector<2048xf32>
    %broadcast_in_dim3A_61 = vector.shape_cast %reduce_sum3A_60 : vector<2048xf32> to vector<2048x1xf32>
    %div3A_62 = arith.constant 3.200000e+01 : f32
    %div3A_63 = vector.broadcast %div3A_62 : f32 to vector<2048x1xf32>
    %div3A_64 = arith.divf %broadcast_in_dim3A_61, %div3A_63 : vector<2048x1xf32>
    %sub3A_65 = vector.broadcast %div3A_54 : vector<2048x1xf32> to vector<2048x32xf32>
    %sub3A_66 = arith.subf %add3A_45, %sub3A_65 : vector<2048x32xf32>
    %add3A_67 = arith.constant 9.99999974E-6 : f32
    %add3A_68 = vector.broadcast %add3A_67 : f32 to vector<2048x1xf32>
    %add3A_69 = arith.addf %div3A_64, %add3A_68 : vector<2048x1xf32>
    %rsqrt3A_70 = math.rsqrt %add3A_69 : vector<2048x1xf32>
    %mul3A_71 = vector.broadcast %rsqrt3A_70 : vector<2048x1xf32> to vector<2048x32xf32>
    %mul3A_72 = arith.mulf %sub3A_66, %mul3A_71 : vector<2048x32xf32>
    %mul3A_73 = vector.broadcast %get3A_48 : vector<1x32xf32> to vector<2048x32xf32>
    %mul3A_74 = arith.mulf %mul3A_72, %mul3A_73 : vector<2048x32xf32>
    %add3A_75 = vector.broadcast %get3A_51 : vector<1x32xf32> to vector<2048x32xf32>
    %add3A_76 = arith.addf %mul3A_74, %add3A_75 : vector<2048x32xf32>
    %get3A_77 = arith.constant 0 : index
    %get3A_78 = arith.constant 0 : index
    %get3A_79 = vector.load %arg9[%get3A_77, %get3A_78] : memref<1x1xf32, #tpu.memory_space<vmem>>, vector<1x1xf32>
    %get3A_80 = vector.extract %get3A_79[0, 0] : f32 from vector<1x1xf32>
    %max3A = arith.constant 0.000000e+00 : f32
    %max3A_81 = vector.broadcast %max3A : f32 to vector<2048x32xf32>
    %max3A_82 = arith.maximumf %add3A_76, %max3A_81 : vector<2048x32xf32>
    %min3A = arith.constant 0.000000e+00 : f32
    %min3A_83 = vector.broadcast %min3A : f32 to vector<2048x32xf32>
    %min3A_84 = arith.minimumf %add3A_76, %min3A_83 : vector<2048x32xf32>
    %mul3A_85 = vector.broadcast %get3A_80 : f32 to vector<2048x32xf32>
    %mul3A_86 = arith.mulf %mul3A_85, %min3A_84 : vector<2048x32xf32>
    %add3A_87 = arith.addf %max3A_82, %mul3A_86 : vector<2048x32xf32>
    %iota3A = tpu.iota {dimensions = array<i32: 0>} : vector<64x2048xi32>
    %get3A_88 = arith.constant 0 : index
    %get3A_89 = arith.constant 0 : index
    %get3A_90 = arith.constant 0 : index
    %get3A_91 = vector.load %arg4[%get3A_88, %get3A_89, %get3A_90] : memref<1x1x2048xi32, #tpu.memory_space<vmem>>, vector<1x1x2048xi32>
    %get3A_92 = vector.shape_cast %get3A_91 : vector<1x1x2048xi32> to vector<1x2048xi32>
    %eq3A_93 = vector.broadcast %get3A_92 : vector<1x2048xi32> to vector<64x2048xi32>
    %eq3A_94 = arith.cmpi eq, %eq3A_93, %iota3A : vector<64x2048xi32>
    %convert_element_type3A_95 = arith.extui %eq3A_94 : vector<64x2048xi1> to vector<64x2048xi32>
    %convert_element_type3A_96 = arith.sitofp %convert_element_type3A_95 : vector<64x2048xi32> to vector<64x2048xf32>
    %get3A_97 = arith.constant 0 : index
    %get3A_98 = arith.constant 0 : index
    %get3A_99 = vector.load %arg18[%get3A_97, %get3A_98] : memref<64x32xf32, #tpu.memory_space<vmem>>, vector<64x32xf32>
    %dot_general3A_100 = arith.constant dense<0.000000e+00> : vector<64x32xf32>
    %dot_general3A_101 = tpu.matmul %convert_element_type3A_96, %add3A_87, %dot_general3A_100 {dimension_numbers = #tpu.dot_dimension_numbers<[1], [0], [0], [1], [0, 0, 1, 1], [], []>, transpose_lhs_hint = false} : vector<64x2048xf32>, vector<2048x32xf32>, vector<64x32xf32> -> vector<64x32xf32>
    %add3A_102 = arith.addf %get3A_99, %dot_general3A_101 : vector<64x32xf32>
    %swap3A = arith.constant 0 : index
    %swap3A_103 = arith.constant 0 : index
    %swap3A_104 = vector.load %arg18[%swap3A, %swap3A_103] : memref<64x32xf32, #tpu.memory_space<vmem>>, vector<64x32xf32>
    tpu.vector_store %arg18[%swap3A, %swap3A_103], %add3A_102 {strides = array<i32>} : memref<64x32xf32, #tpu.memory_space<vmem>>, vector<64x32xf32>,
    %get3A_105 = arith.constant 0 : index
    %get3A_106 = arith.constant 0 : index
    %get3A_107 = vector.load %arg19[%get3A_105, %get3A_106] : memref<64x1xf32, #tpu.memory_space<vmem>>, vector<64x1xf32>
    %broadcast_in_dim3A_108 = arith.constant 1.000000e+00 : f32
    %broadcast_in_dim3A_109 = vector.broadcast %broadcast_in_dim3A_108 : f32 to vector<2048x1xf32>
    %dot_general3A_110 = arith.constant dense<0.000000e+00> : vector<64x1xf32>
    %dot_general3A_111 = tpu.matmul %convert_element_type3A_96, %broadcast_in_dim3A_109, %dot_general3A_110 {dimension_numbers = #tpu.dot_dimension_numbers<[1], [0], [0], [1], [0, 0, 1, 1], [], []>, transpose_lhs_hint = false} : vector<64x2048xf32>, vector<2048x1xf32>, vector<64x1xf32> -> vector<64x1xf32>
    %add3A_112 = arith.addf %get3A_107, %dot_general3A_111 : vector<64x1xf32>
    %swap3A_113 = arith.constant 0 : index
    %swap3A_114 = arith.constant 0 : index
    %swap3A_115 = vector.load %arg19[%swap3A_113, %swap3A_114] : memref<64x1xf32, #tpu.memory_space<vmem>>, vector<64x1xf32>
    tpu.vector_store %arg19[%swap3A_113, %swap3A_114], %add3A_112 {strides = array<i32>} : memref<64x1xf32, #tpu.memory_space<vmem>>, vector<64x1xf32>,
    %eq3A_116 = arith.constant 48 : i32
    %eq3A_117 = arith.cmpi eq, %arg0, %eq3A_116 : i32
    %convert_element_type3A_118 = arith.extui %eq3A_117 : i1 to i32
    %cond3A_119 = arith.constant 0 : i32
    %cond3A_120 = arith.cmpi ne, %convert_element_type3A_118, %cond3A_119 : i32
    scf.if %cond3A_120 {
      %get3A_121 = arith.constant 0 : index
      %get3A_122 = arith.constant 0 : index
      %get3A_123 = vector.load %arg18[%get3A_121, %get3A_122] : memref<64x32xf32, #tpu.memory_space<vmem>>, vector<64x32xf32>
      %get3A_124 = arith.constant 0 : index
      %get3A_125 = arith.constant 0 : index
      %get3A_126 = vector.load %arg19[%get3A_124, %get3A_125] : memref<64x1xf32, #tpu.memory_space<vmem>>, vector<64x1xf32>
      %max3A_127 = arith.constant 1.000000e+00 : f32
      %max3A_128 = vector.broadcast %max3A_127 : f32 to vector<64x1xf32>
      %max3A_129 = arith.maximumf %get3A_126, %max3A_128 : vector<64x1xf32>
      %div3A_130 = vector.broadcast %max3A_129 : vector<64x1xf32> to vector<64x32xf32>
      %div3A_131 = arith.divf %get3A_123, %div3A_130 : vector<64x32xf32>
      %get3A_132 = arith.constant 0 : index
      %get3A_133 = arith.constant 0 : index
      %get3A_134 = vector.load %arg10[%get3A_132, %get3A_133] : memref<32x16xf32, #tpu.memory_space<vmem>>, vector<32x16xf32>
      %dot_general3A_135 = arith.constant dense<0.000000e+00> : vector<64x16xf32>
      %dot_general3A_136 = tpu.matmul %div3A_131, %get3A_134, %dot_general3A_135 {dimension_numbers = #tpu.dot_dimension_numbers<[1], [0], [0], [1], [0, 0, 1, 1], [], []>, transpose_lhs_hint = false} : vector<64x32xf32>, vector<32x16xf32>, vector<64x16xf32> -> vector<64x16xf32>
      %get3A_137 = arith.constant 0 : index
      %get3A_138 = arith.constant 0 : index
      %get3A_139 = vector.load %arg11[%get3A_137, %get3A_138] : memref<1x16xf32, #tpu.memory_space<vmem>>, vector<1x16xf32>
      %add3A_140 = vector.broadcast %get3A_139 : vector<1x16xf32> to vector<64x16xf32>
      %add3A_141 = arith.addf %dot_general3A_136, %add3A_140 : vector<64x16xf32>
      %get3A_142 = arith.constant 0 : index
      %get3A_143 = arith.constant 0 : index
      %get3A_144 = vector.load %arg12[%get3A_142, %get3A_143] : memref<1x16xf32, #tpu.memory_space<vmem>>, vector<1x16xf32>
      %get3A_145 = arith.constant 0 : index
      %get3A_146 = arith.constant 0 : index
      %get3A_147 = vector.load %arg13[%get3A_145, %get3A_146] : memref<1x16xf32, #tpu.memory_space<vmem>>, vector<1x16xf32>
      %reduce_sum3A_148 = arith.constant dense<0.000000e+00> : vector<64xf32>
      %reduce_sum3A_149 = vector.multi_reduction <add>, %add3A_141, %reduce_sum3A_148 [1] : vector<64x16xf32> to vector<64xf32>
      %broadcast_in_dim3A_150 = vector.shape_cast %reduce_sum3A_149 : vector<64xf32> to vector<64x1xf32>
      %div3A_151 = arith.constant 1.600000e+01 : f32
      %div3A_152 = vector.broadcast %div3A_151 : f32 to vector<64x1xf32>
      %div3A_153 = arith.divf %broadcast_in_dim3A_150, %div3A_152 : vector<64x1xf32>
      %sub3A_154 = vector.broadcast %div3A_153 : vector<64x1xf32> to vector<64x16xf32>
      %sub3A_155 = arith.subf %add3A_141, %sub3A_154 : vector<64x16xf32>
      %sub3A_156 = vector.broadcast %div3A_153 : vector<64x1xf32> to vector<64x16xf32>
      %sub3A_157 = arith.subf %add3A_141, %sub3A_156 : vector<64x16xf32>
      %mul3A_158 = arith.mulf %sub3A_155, %sub3A_157 : vector<64x16xf32>
      %reduce_sum3A_159 = arith.constant dense<0.000000e+00> : vector<64xf32>
      %reduce_sum3A_160 = vector.multi_reduction <add>, %mul3A_158, %reduce_sum3A_159 [1] : vector<64x16xf32> to vector<64xf32>
      %broadcast_in_dim3A_161 = vector.shape_cast %reduce_sum3A_160 : vector<64xf32> to vector<64x1xf32>
      %div3A_162 = arith.constant 1.600000e+01 : f32
      %div3A_163 = vector.broadcast %div3A_162 : f32 to vector<64x1xf32>
      %div3A_164 = arith.divf %broadcast_in_dim3A_161, %div3A_163 : vector<64x1xf32>
      %sub3A_165 = vector.broadcast %div3A_153 : vector<64x1xf32> to vector<64x16xf32>
      %sub3A_166 = arith.subf %add3A_141, %sub3A_165 : vector<64x16xf32>
      %add3A_167 = arith.constant 9.99999974E-6 : f32
      %add3A_168 = vector.broadcast %add3A_167 : f32 to vector<64x1xf32>
      %add3A_169 = arith.addf %div3A_164, %add3A_168 : vector<64x1xf32>
      %rsqrt3A_170 = math.rsqrt %add3A_169 : vector<64x1xf32>
      %mul3A_171 = vector.broadcast %rsqrt3A_170 : vector<64x1xf32> to vector<64x16xf32>
      %mul3A_172 = arith.mulf %sub3A_166, %mul3A_171 : vector<64x16xf32>
      %mul3A_173 = vector.broadcast %get3A_144 : vector<1x16xf32> to vector<64x16xf32>
      %mul3A_174 = arith.mulf %mul3A_172, %mul3A_173 : vector<64x16xf32>
      %add3A_175 = vector.broadcast %get3A_147 : vector<1x16xf32> to vector<64x16xf32>
      %add3A_176 = arith.addf %mul3A_174, %add3A_175 : vector<64x16xf32>
      %get3A_177 = arith.constant 0 : index
      %get3A_178 = arith.constant 0 : index
      %get3A_179 = vector.load %arg14[%get3A_177, %get3A_178] : memref<1x1xf32, #tpu.memory_space<vmem>>, vector<1x1xf32>
      %get3A_180 = vector.extract %get3A_179[0, 0] : f32 from vector<1x1xf32>
      %max3A_181 = arith.constant 0.000000e+00 : f32
      %max3A_182 = vector.broadcast %max3A_181 : f32 to vector<64x16xf32>
      %max3A_183 = arith.maximumf %add3A_176, %max3A_182 : vector<64x16xf32>
      %min3A_184 = arith.constant 0.000000e+00 : f32
      %min3A_185 = vector.broadcast %min3A_184 : f32 to vector<64x16xf32>
      %min3A_186 = arith.minimumf %add3A_176, %min3A_185 : vector<64x16xf32>
      %mul3A_187 = vector.broadcast %get3A_180 : f32 to vector<64x16xf32>
      %mul3A_188 = arith.mulf %mul3A_187, %min3A_186 : vector<64x16xf32>
      %add3A_189 = arith.addf %max3A_183, %mul3A_188 : vector<64x16xf32>
      %get3A_190 = arith.constant 0 : index
      %get3A_191 = arith.constant 0 : index
      %get3A_192 = vector.load %arg15[%get3A_190, %get3A_191] : memref<16x10xf32, #tpu.memory_space<vmem>>, vector<16x10xf32>
      %dot_general3A_193 = arith.constant dense<0.000000e+00> : vector<64x10xf32>
      %dot_general3A_194 = tpu.matmul %add3A_189, %get3A_192, %dot_general3A_193 {dimension_numbers = #tpu.dot_dimension_numbers<[1], [0], [0], [1], [0, 0, 1, 1], [], []>, transpose_lhs_hint = false} : vector<64x16xf32>, vector<16x10xf32>, vector<64x10xf32> -> vector<64x10xf32>
      %get3A_195 = arith.constant 0 : index
      %get3A_196 = arith.constant 0 : index
      %get3A_197 = vector.load %arg16[%get3A_195, %get3A_196] : memref<1x10xf32, #tpu.memory_space<vmem>>, vector<1x10xf32>
      %add3A_198 = vector.broadcast %get3A_197 : vector<1x10xf32> to vector<64x10xf32>
      %add3A_199 = arith.addf %dot_general3A_194, %add3A_198 : vector<64x10xf32>
      %swap3A_200 = arith.constant 0 : index
      %swap3A_201 = arith.constant 0 : index
      %swap3A_202 = vector.load %arg17[%swap3A_200, %swap3A_201] : memref<64x10xf32, #tpu.memory_space<vmem>>, vector<64x10xf32>
      tpu.vector_store %arg17[%swap3A_200, %swap3A_201], %add3A_199 {strides = array<i32>} : memref<64x10xf32, #tpu.memory_space<vmem>>, vector<64x10xf32>,
    } else {
    }
    return
  }
  func.func @transform_0(%arg0: i32) -> (i32, i32, i32) {
    %c0_i32 = arith.constant 0 : i32
    %c0_i32_0 = arith.constant 0 : i32
    %c0_i32_1 = arith.constant 0 : i32
    return %c0_i32, %arg0, %c0_i32_0 : i32, i32, i32
  }
  func.func @transform_1(%arg0: i32) -> (i32, i32, i32) {
    %c0_i32 = arith.constant 0 : i32
    %c0_i32_0 = arith.constant 0 : i32
    %c0_i32_1 = arith.constant 0 : i32
    return %c0_i32, %arg0, %c0_i32_0 : i32, i32, i32
  }
  func.func @transform_2(%arg0: i32) -> (i32, i32, i32) {
    %c0_i32 = arith.constant 0 : i32
    %c0_i32_0 = arith.constant 0 : i32
    %c0_i32_1 = arith.constant 0 : i32
    return %c0_i32, %arg0, %c0_i32_0 : i32, i32, i32
  }
  func.func @transform_3(%arg0: i32) -> (i32, i32, i32) {
    %c0_i32 = arith.constant 0 : i32
    %c0_i32_0 = arith.constant 0 : i32
    %c0_i32_1 = arith.constant 0 : i32
    return %arg0, %c0_i32, %c0_i32_0 : i32, i32, i32
  }
  func.func @transform_4(%arg0: i32) -> (i32, i32) {
    %c0_i32 = arith.constant 0 : i32
    %c0_i32_0 = arith.constant 0 : i32
    %c0_i32_1 = arith.constant 0 : i32
    return %c0_i32, %c0_i32_0 : i32, i32
  }
  func.func @transform_5(%arg0: i32) -> (i32, i32) {
    %c0_i32 = arith.constant 0 : i32
    %c0_i32_0 = arith.constant 0 : i32
    %c0_i32_1 = arith.constant 0 : i32
    return %c0_i32, %c0_i32_0 : i32, i32
  }
  func.func @transform_6(%arg0: i32) -> (i32, i32) {
    %c0_i32 = arith.constant 0 : i32
    %c0_i32_0 = arith.constant 0 : i32
    %c0_i32_1 = arith.constant 0 : i32
    return %c0_i32, %c0_i32_0 : i32, i32
  }
  func.func @transform_7(%arg0: i32) -> (i32, i32) {
    %c0_i32 = arith.constant 0 : i32
    %c0_i32_0 = arith.constant 0 : i32
    %c0_i32_1 = arith.constant 0 : i32
    return %c0_i32, %c0_i32_0 : i32, i32
  }
  func.func @transform_8(%arg0: i32) -> (i32, i32) {
    %c0_i32 = arith.constant 0 : i32
    %c0_i32_0 = arith.constant 0 : i32
    %c0_i32_1 = arith.constant 0 : i32
    return %c0_i32, %c0_i32_0 : i32, i32
  }
  func.func @transform_9(%arg0: i32) -> (i32, i32) {
    %c0_i32 = arith.constant 0 : i32
    %c0_i32_0 = arith.constant 0 : i32
    %c0_i32_1 = arith.constant 0 : i32
    return %c0_i32, %c0_i32_0 : i32, i32
  }
  func.func @transform_10(%arg0: i32) -> (i32, i32) {
    %c0_i32 = arith.constant 0 : i32
    %c0_i32_0 = arith.constant 0 : i32
    %c0_i32_1 = arith.constant 0 : i32
    return %c0_i32, %c0_i32_0 : i32, i32
  }
  func.func @transform_11(%arg0: i32) -> (i32, i32) {
    %c0_i32 = arith.constant 0 : i32
    %c0_i32_0 = arith.constant 0 : i32
    %c0_i32_1 = arith.constant 0 : i32
    return %c0_i32, %c0_i32_0 : i32, i32
  }
  func.func @transform_12(%arg0: i32) -> (i32, i32) {
    %c0_i32 = arith.constant 0 : i32
    %c0_i32_0 = arith.constant 0 : i32
    %c0_i32_1 = arith.constant 0 : i32
    return %c0_i32, %c0_i32_0 : i32, i32
  }
  func.func @transform_13(%arg0: i32) -> (i32, i32) {
    %c0_i32 = arith.constant 0 : i32
    %c0_i32_0 = arith.constant 0 : i32
    %c0_i32_1 = arith.constant 0 : i32
    return %c0_i32, %c0_i32_0 : i32, i32
  }
  func.func @transform_14(%arg0: i32) -> (i32, i32) {
    %c0_i32 = arith.constant 0 : i32
    %c0_i32_0 = arith.constant 0 : i32
    %c0_i32_1 = arith.constant 0 : i32
    return %c0_i32, %c0_i32_0 : i32, i32
  }
  func.func @transform_15(%arg0: i32) -> (i32, i32) {
    %c0_i32 = arith.constant 0 : i32
    %c0_i32_0 = arith.constant 0 : i32
    %c0_i32_1 = arith.constant 0 : i32
    return %c0_i32, %c0_i32_0 : i32, i32
  }
  func.func @transform_16(%arg0: i32) -> (i32, i32) {
    %c0_i32 = arith.constant 0 : i32
    %c0_i32_0 = arith.constant 0 : i32
    %c0_i32_1 = arith.constant 0 : i32
    return %c0_i32, %c0_i32_0 : i32, i32
  }
}

</mosaic_0001>

<sc_bundles>
// kernel: kernel.11.cloned.1.call-start
scs
__scs_entry_jumppad:
0x0: {  	(pc) =	sbr.rel $0x88, $3  }
0x1: {  	(tag) =	ssettag $0x0;
	lr =	simm.s32 $0x1  }
0x2: {  	[smem:$0x3F8D] =	sst lr;
	_ =	strace $0xD0000000  }
0x3: {  	_ = 	snop  }
0x4: {  	_ = 	snop  }
0x5: {  	_ = 	snop  }
0x6: {  	_ = 	snop  }
0x7: {  	_ = 	snop  }
__scs_overlays_trampoline_lowered:
0x8: {  	[smem:$0x3F9C] =	sst s0  }
0x9: {  	[smem:$0x3F9D] =	sst s1  }
0xa: {  	[smem:$0x3F9E] =	sst s2  }
0xb: {  	[smem:$0x3F9F] =	sst s3  }
0xc: {  	[smem:$0x3FA0] =	sst s4  }
0xd: {  	[smem:$0x3FA1] =	sst s5  }
0xe: {  	[smem:$0x3FA2] =	sst s6  }
0xf: {  	[smem:$0x3FA3] =	sst s7  }
0x10: {  	[smem:$0x3FA4] =	sst s8  }
0x11: {  	[smem:$0x3FA5] =	sst s9;
	s0 =	simm.s32 @!p0 $0x0  }
0x12: {  	s1 =	sld [smem:$0x3F8B];
	s0 =	simm.s32 @p0 $0x1  }
0x13: {  	[smem:$0x3FA6] =	sst s0;
	s0 =	simm.s32 @!p1 $0x0  }
0x14: {  	s2 =	sld [smem:$0x3F8A];
	s0 =	simm.s32 @p1 $0x1  }
0x15: {  	[smem:$0x3FA7] =	sst s0;
	s0 =	simm.s32 @!p2 $0x0  }
0x16: {  	s3 =	sld [smem:$0x3FDB];
	s0 =	simm.s32 @p2 $0x1  }
0x17: {  	s4 =	simm.s32 $0x1BF5;
	[smem:$0x3FA9] =	sst s0  }
0x18: {  	s0 =	sld [smem:$0x3F8C];
	_ =	swait.ge [sflag:s4], $0x0  }
0x19: {  	s7 =	sld [smem:$0x3F8D]  }
0x1a: {  	s8 =	sadd.s32 $0xFFFFE003, lr  }
0x1b: {  	s9 =	sadd.s32 $0xFFFFFEF7, lr;
	s5 =	simm.s32 $0xFFFFFFFF;
	p2 =	slt.u32 s8, $0xFFFFF086  }
0x1c: {  	p1 =	slt.u32 s9, $0xF7A;
	s5 =	simm.s32 @!p2 $0x0  }
0x1d: {  	s5 =	simm.s32 @p1 $0x1;
	p0 =	seq.s32 s7, s2  }
0x1e: {  	s7 =	smul.u32 @!p0 $0xF7A, s2;
	p2 =	seq.s32 @!p0 s5, $0x0  }
0x1f: {  	s9 =	smul.u32 $0xF7A, s1;
	s8 =	simm.s32 @!p0 $0x1BF5;
	p2 =	por !p2, p0  }
0x20: {  	[sflag:s8] =	ssyncset.s32 @!p0 $0xFFFFF086;
	s6 =	sadd.s32 @!p0 s3, s7;
	s7 =	simm.s32 @!p0 $0x108  }
0x21: {  	s3 =	sadd.s32 s3, s9;
	s6 =	sadd.s32 @!p0 $0x88, s6;
	s7 =	simm.s32 @p2 $0x1082  }
0x22: {  	[simem:s7], [sflag:s8] =	dma.local @!p0 [hbm:s6], $0xF7A  }
0x23: {  	s9 =	sor.u32 $0xD0000000, s2;
	s6 =	simm.s32 $0x108;
	_ =	swait.ge @!p0 [sflag:s8], $0x0  }
0x24: {  	s3 =	sadd.s32 $0x88, s3;
	s6 =	simm.s32 @!p1 $0x1082;
	[sflag:s4] =	ssyncset.s32 $0xFFFFF086  }
0x25: {  	[simem:s6], [sflag:s4] =	dma.local [hbm:s3], $0xF7A  }
0x26: {  	[smem:$0x3F8D] =	sst s1;
	(tag) =	ssettag s2;
	_ =	strace s9  }
0x27: {  	s1 =	sld [smem:$0x3F9D]  }
0x28: {  	s2 =	sld [smem:$0x3F9E]  }
0x29: {  	s4 =	sld [smem:$0x3FA0]  }
0x2a: {  	p0 =	seq.s32 s5, $0x0;
	s5 =	sld [smem:$0x3FA1]  }
0x2b: {  	s6 =	sld [smem:$0x3FA2]  }
0x2c: {  	s7 =	sld [smem:$0x3FA3]  }
0x2d: {  	s3 =	simm.s32 $0x108;
	s8 =	sld [smem:$0x3FA4]  }
0x2e: {  	s3 =	simm.s32 @!p0 $0x1082;
	s9 =	sld [smem:$0x3FA5]  }
0x2f: {  	lr =	sadd.s32 s0, s3;
	s0 =	sld [smem:$0x3F9C]  }
0x30: {  	s3 =	sld [smem:$0x3F9F]  }
0x31: {  	[smem:$0x3FA8] =	sst s10  }
0x32: {  	s10 =	sld [smem:$0x3FA6];
	_ =	sdelay $0x3  }
0x33: {  	p0 =	seq.s32 s10, $0x1;
	s10 =	sld [smem:$0x3FA8];
	_ =	sdelay $0x3  }
0x34: {  	[smem:$0x3FA8] =	sst s10  }
0x35: {  	s10 =	sld [smem:$0x3FA7];
	_ =	sdelay $0x3  }
0x36: {  	p1 =	seq.s32 s10, $0x1;
	s10 =	sld [smem:$0x3FA8];
	_ =	sdelay $0x3  }
0x37: {  	[smem:$0x3FA8] =	sst s10  }
0x38: {  	s10 =	sld [smem:$0x3FA9]  }
0x39: {  	_ = 	snop;
	(pc) =	sbr.ind lr, $3  }
0x3a: {  	_ = 	snop  }
0x3b: {  	_ = 	snop  }
0x3c: {  	p2 =	seq.s32 s10, $0x1;
	s10 =	sld [smem:$0x3FA8]  }
0x3d: {  	_ =	shalt  }
0x3e: {  	_ =	shalt  }
0x3f: {  	_ =	shalt  }
0x40: {  	_ =	shalt  }
0x41: {  	_ =	shalt  }
0x42: {  	_ =	shalt  }
0x43: {  	_ =	shalt  }
0x44: {  	_ =	shalt  }
0x45: {  	_ =	shalt  }
0x46: {  	_ =	shalt  }
0x47: {  	_ =	shalt  }
0x48: {  	_ =	shalt  }
0x49: {  	_ =	shalt  }
0x4a: {  	_ =	shalt  }
0x4b: {  	_ =	shalt  }
0x4c: {  	_ =	shalt  }
0x4d: {  	_ =	shalt  }
0x4e: {  	_ =	shalt  }
0x4f: {  	_ =	shalt  }
0x50: {  	_ =	shalt  }
0x51: {  	_ =	shalt  }
0x52: {  	_ =	shalt  }
0x53: {  	_ =	shalt  }
0x54: {  	_ =	shalt  }
0x55: {  	_ =	shalt  }
0x56: {  	_ =	shalt  }
0x57: {  	_ =	shalt  }
0x58: {  	_ =	shalt  }
0x59: {  	_ =	shalt  }
0x5a: {  	_ =	shalt  }
0x5b: {  	_ =	shalt  }
0x5c: {  	_ =	shalt  }
0x5d: {  	_ =	shalt  }
0x5e: {  	_ =	shalt  }
0x5f: {  	_ =	shalt  }
0x60: {  	_ =	shalt  }
0x61: {  	_ =	shalt  }
0x62: {  	_ =	shalt  }
0x63: {  	_ =	shalt  }
0x64: {  	_ =	shalt  }
0x65: {  	_ =	shalt  }
0x66: {  	_ =	shalt  }
0x67: {  	_ =	shalt  }
0x68: {  	_ =	shalt  }
0x69: {  	_ =	shalt  }
0x6a: {  	_ =	shalt  }
0x6b: {  	_ =	shalt  }
0x6c: {  	_ =	shalt  }
0x6d: {  	_ =	shalt  }
0x6e: {  	_ =	shalt  }
0x6f: {  	_ =	shalt  }
0x70: {  	_ =	shalt  }
0x71: {  	_ =	shalt  }
0x72: {  	_ =	shalt  }
0x73: {  	_ =	shalt  }
0x74: {  	_ =	shalt  }
0x75: {  	_ =	shalt  }
0x76: {  	_ =	shalt  }
0x77: {  	_ =	shalt  }
0x78: {  	_ =	shalt  }
0x79: {  	_ =	shalt  }
0x7a: {  	_ =	shalt  }
0x7b: {  	_ =	shalt  }
0x7c: {  	_ =	shalt  }
0x7d: {  	_ =	shalt  }
0x7e: {  	_ =	shalt  }
0x7f: {  	_ =	shalt  }
0x80: {  	_ =	shalt  }
0x81: {  	_ =	shalt  }
0x82: {  	_ =	shalt  }
0x83: {  	_ =	shalt  }
0x84: {  	_ =	shalt  }
0x85: {  	_ =	shalt  }
0x86: {  	_ =	shalt  }
0x87: {  	_ =	shalt  }
.Lfunc_end0:
.L_simem_size_0:
called_computation.1_lowered:
.L_overlay_start_0:
0x88: {  	s2 =	sld [smem:$0x3FD9]  }
0x89: {  	s3 =	sld [smem:$0x3FFE];
	_ =	sdelay $0x1  }
0x8a: {  	s1 =	srdreg.scid  }
0x8b: {  	s0 =	sand.u32 $0x1, s1  }
0x8c: {  	s16 =	sshll.u32 s0, $0xA;
	s2 =	sadd.s32 s3, s2  }
0x8d: {  	s2 =	sadd.s32 s2, s16  }
0x8e: {  	[smem:$0x3FB4] =	sst s2  }
0x8f: {  	_ = 	snop  }
0x90: {  	(tm) =	ssettm $0x1  }
0x91: {  	s17 =	sld [smem:$0x3FFB];
	_ =	sdelay $0x3  }
0x92: {  	_ =	strace s17  }
0x93: {  	s2 =	sld [smem:$0x3FFC];
	_ =	sdelay $0x3  }
0x94: {  	_ =	strace s2  }
0x95: {  	s2 =	sld [smem:$0x3FFD];
	_ =	sdelay $0x3  }
0x96: {  	_ =	strace s2  }
0x97: {  	_ =	strace $0x8FFFFFFF  }
0x98: {  	s18 =	sld [smem:$0x3FDB];
	_ =	sdelay $0x1  }
0x99: {  	s19 =	simm.s32 $_scs_section_size  }
0x9a: {  	s4 =	simm.s32 $_size__tile_overlayer_lowered;
	s5 =	simm.s32 $_tile_overlayer_lowered  }
0x9b: {  	s22 =	simm.s32 $0x1BFF;
	s21 =	sshll.u32 s5, $0x1;
	s2 =	sadd.s32 s19, s18  }
0x9c: {  	s6 =	simm.s32 $0x0;
	s20 =	sshll.u32 s4, $0x1;
	s4 =	sadd.s32 s21, s2  }
0x9d: {  	[timem:s6], [sflag:s22] =	dma.local [hbm:s4], s20  }
0x9e: {  	_ =	swait.ge [sflag:s22], s20  }
0x9f: {  	s3 =	ssub.s32 $0x0, s20;
	[sflag:s22] =	ssyncset.done $0x0  }
0xa0: {  	[sflag:s22] =	ssyncadd.s32 s3;
	_ =	sdelay $0x1  }
0xa1: {  	s23 =	simm.s32 $0x1B8B  }
0xa2: {  	_ =	swait.ge [sflag:s23], $0x1  }
0xa3: {  	[sflag:s23] =	ssyncset.done $0x0  }
0xa4: {  	s25 =	simm.s32 $0x1B8E;
	s24 =	sld [smem:$0x3FFE];
	[sflag:s23] =	ssyncadd.s32 $0xFFFFFFFF  }
0xa5: {  	s26 =	simm.s32 $execute0_lowered;
	[smem:$0x3FD2] =	sst s25  }
0xa6: {  	s4 =	sshll.u32 s26, $0x1;
	_ =	strace $0x80000049;
	[dreg:$0x1] =	wrdreg $0xFFFFFFFF  }
0xa7: {  	s28 =	simm.s32 $_size_execute0_lowered;
	s2 =	sadd.s32 s2, s4;
	[dreg:$0x0] =	wrdreg $0x0  }
0xa8: {  	s4 =	sshll.u32 s28, $0x1;
	[dreg:$0x2] =	wrdreg s2  }
0xa9: {  	[dreg:$0x3] =	wrdreg s4  }
0xaa: {  	[dreg:$0x4] =	wrdreg $0xC0  }
0xab: {  	_ =	task [dreg:s6], $0x5FFFF  }
0xac: {  	[dreg:$0x1] =	wrdreg $0xFFFFFFFF  }
0xad: {  	[dreg:$0x0] =	wrdreg $0x60  }
0xae: {  	[dreg:$0x2] =	wrdreg s24  }
0xaf: {  	[dreg:$0x3] =	wrdreg $0x48000  }
0xb0: {  	[dreg:$0x4] =	wrdreg $0x9  }
0xb1: {  	_ =	task.clear_ibuf [dreg:s6], $0x5FFFF;
	_ =	strace $0x90000049  }
0xb2: {  	s29 =	simm.s32 $0x9;
	_ =	strace $0x8000004B  }
0xb3: {  	_ =	swait.ge [sflag:s29], $0x1  }
0xb4: {  	[sflag:s29] =	ssyncadd.s32 $0xFFFFFFFF  }
0xb5: {  	_ =	strace $0x9000004B  }
0xb6: {  	_ =	sfence  }
0xb7: {  	s30 =	sld [smem:$0x0];
	_ =	sdelay $0x2  }
0xb8: {  	s31 =	sshll.u32 s1, $0xD;
	s1 =	sshrl.u32 s1, $0x2  }
0xb9: {  	s3 =	sand.u32 $0x4000, s31;
	s1 =	sadd.s32 s1, s30  }
0xba: {  	s0 =	sor.u32 s3, s0;
	s1 =	sshll.u32 s1, $0x11  }
0xbb: {  	s0 =	sor.u32 s1, s0  }
0xbc: {  	s0 =	sadd.s32 $0x8F2B, s0  }
0xbd: {  	[sflag:s0] =	ssyncadd.remote.s32 $0x1  }
0xbe: {  	_ =	sfence.sel $0xFFFF  }
0xbf: {  	[dreg:$0x0] =	wrdreg $0xFFFFFFFF;
	(pc) =	sbr.abs _section_cstart, $3  }
0xc0: {  	[dreg:$0x1] =	wrdreg $0xFFFFFFFF  }
0xc1: {  	_ =	task.clear_ibuf [dreg:s6], $0x2FFFF;
	_ =	strace $0x9FFFFFFF  }
0xc2: {  	(tm) =	ssettm $0x7FFFFFFF  }
0xc3: {  	_ =	shalt  }
tec
execute0_lowered:
.L_overlay_start_1:
0x0: {  	(tag) =	ssettag $0x1  }
0x1: {  	s0 =	rddreg [dreg:$0x0];
	s1 =	srdreg.scid  }
0x2: {  	s2 =	rddreg [dreg:$0x1];
	s10 =	stileid.u32;
	s3 =	simm.s32 $0x0  }
0x3: {  	s11 =	simm.s32 $0x200;
	s12 =	simm.s32 $0x400;
	s13 =	simm.s32 $0x600  }
0x4: {  	s14 =	simm.s32 $0x1;
	s15 =	simm.s32 $0x80;
	s22 =	simm.s32 $0x100  }
0x5: {  	s16 =	simm.s32 $0x800;
	s23 =	simm.s32 $0x180;
	s24 =	simm.s32 $0x280  }
0x6: {  	s25 =	simm.s32 $0x300;
	s26 =	simm.s32 $0x380;
	s28 =	simm.s32 $0x580  }
0x7: {  	s29 =	simm.s32 $0x4000;
	s30 =	simm.s32 $0x4;
	[smem:$0x7FF] =	sst s3  }
0x8: {  	s31 =	simm.s32 $0x680;
	_ =	strace $0x8000004A;
	[dreg:$0x4] =	wrdreg s22  }
0x9: {  	s1 =	sand.u32 $0x1, s1;
	s5 =	smul.u32 $0x18800, s10;
	[dreg:$0x5] =	wrdreg s23  }
0xa: {  	s9 =	smul.u32 $0x1880, s10;
	s18 =	sshll.u32 s10, $0x6;
	[dreg:$0x6] =	wrdreg s24  }
0xb: {  	s10 =	simm.s32 $0x5;
	s4 =	smul.u32 $0x18800, s1;
	[dreg:$0x7] =	wrdreg s25  }
0xc: {  	s6 =	smul.u32 $0x188000, s1;
	s1 =	ssub.s32 $0x2, s1;
	[dreg:$0x8] =	wrdreg s26  }
0xd: {  	s22 =	simm.s32 $0x2800;
	s23 =	simm.s32 $0x480;
	s24 =	simm.s32 $0x3000  }
0xe: {  	s25 =	simm.s32 $0x500;
	s26 =	simm.s32 $0x3800;
	s8 =	sshrl.u32 s5, $0x3  }
0xf: {  	s17 =	sshrl.u32 s1, $0x1;
	s7 =	sadd.s32 s4, s0;
	s4 =	sadd.s32 $0x21DC00, s0  }
0x10: {  	s6 =	sadd.s32 s5, s6;
	s8 =	sadd.s32 s8, s0;
	s1 =	ssub.s32 s1, s17  }
0x11: {  	s5 =	sadd.s32 s5, s2;
	s17 =	simm.s32 $0x1000;
	s6 =	sshrl.u32 s6, $0x3  }
0x12: {  	s8 =	sadd.s32 $0x64C00, s8;
	s19 =	sadd.s32 s9, s7;
	s20 =	smax.u32 s1, $0x1  }
0x13: {  	s7 =	sshrl.u32 s5, $0x3;
	s1 =	simm.s32 $0x780;
	[dreg:$0x9] =	wrdreg s8  }
0x14: {  	s5 =	simm.s32 $0x0;
	s0 =	sadd.s32 s6, s0;
	[dreg:$0xc] =	wrdreg s20  }
0x15: {  	s8 =	sor.u32 $0x1C05, s18;
	s21 =	sadd.s32 $0x2C00, s19;
	[dreg:$0xd] =	wrdreg s7  }
0x16: {  	s18 =	simm.s32 $0x1800;
	s19 =	simm.s32 $0x2000;
	[dreg:$0x3] =	wrdreg s21  }
0x17: {  	s20 =	simm.s32 $0x3;
	s0 =	sadd.s32 $0x24EC00, s0;
	[dreg:$0xa] =	wrdreg s8  }
0x18: {  	s21 =	simm.s32 $0x2;
	[dreg:$0xb] =	wrdreg s0;
	s0 =	simm.s32 $0x700  }
.LBB2_1:
0x19: {  	s6 =	rddreg [dreg:$0x9]  }
0x1a: {  	[spmem:s7], [sflag:s8] =	dma.local [hbm:s6], $0x3100  }
0x1b: {  	_ =	swait.ge [sflag:s10], $0x3100  }
0x1c: {  	[sflag:s10] =	ssyncset.done $0x0  }
0x1d: {  	[sflag:s10] =	ssyncadd.s32 $0xFFFFCF00  }
0x1e: {  	[bflag:$0x0] =	sbarrier.arrive $0xFFFF  }
0x1f: {  	s7 =	rddreg [dreg:$0x3]  }
0x20: {  	s6 =	sadd.s32 $0x0, s7  }
0x21: {  	[tilespmem:s3], [sflag:$0x1] =	stream.linear.gather [hbm4b:s6+s3], $0x200, $0x38;
	[tilespmem:$0x1D000] =	vst v63  }
0x22: {  	s8 =	sadd.s32 $0x31000, s6  }
0x23: {  	[tilespmem:s11], [sflag:$0x1] =	stream.linear.gather [hbm4b:s8+s3], $0x200, $0x38;
	[tilespmem:$0x1D000] =	vst v63  }
0x24: {  	s9 =	sadd.s32 $0x40, s6  }
0x25: {  	[tilespmem:s12], [sflag:$0x2] =	stream.linear.gather [hbm4b:s9+s3], $0x200, $0x38;
	[tilespmem:$0x1D000] =	vst v63  }
0x26: {  	s6 =	sadd.s32 $0x31040, s6  }
0x27: {  	[tilespmem:s13], [sflag:$0x2] =	stream.linear.gather [hbm4b:s6+s3], $0x200, $0x38;
	[tilespmem:$0x1D000] =	vst v63  }
0x28: {  	_ =	swait.ge [sflag:s14], $0x200  }
0x29: {  	[sflag:s14] =	ssyncset.done $0x0  }
0x2a: {  	[sflag:s14] =	ssyncadd.s32 $0xFFFFFE00  }
0x2b: {  	[tilespmem:s16], [sflag:$0x3] =	stream.indirect.gather [hbm4b:s4+s15], $0x10, s3, s15, $0xb8;
	[tilespmem:$0x1D000] =	vst v63  }
0x2c: {  	_ = 	snop  }
0x2d: {  	[tilespmem:s17], [sflag:$0x3] =	stream.indirect.gather [hbm4b:s4+s15], $0x10, s15, s15, $0xb8;
	[tilespmem:$0x1D000] =	vst v63  }
0x2e: {  	s8 =	rddreg [dreg:$0x4]  }
0x2f: {  	[tilespmem:s18], [sflag:$0x3] =	stream.indirect.gather [hbm4b:s4+s15], $0x10, s8, s15, $0xb8;
	[tilespmem:$0x1D000] =	vst v63  }
0x30: {  	s9 =	rddreg [dreg:$0x5]  }
0x31: {  	[tilespmem:s19], [sflag:$0x3] =	stream.indirect.gather [hbm4b:s4+s15], $0x10, s9, s15, $0xb8;
	[tilespmem:$0x1D000] =	vst v63  }
0x32: {  	_ =	swait.ge [sflag:s14], $0x200  }
0x33: {  	[sflag:s14] =	ssyncset.done $0x0  }
0x34: {  	[sflag:s14] =	ssyncadd.s32 $0xFFFFFE00  }
0x35: {  	_ =	swait.ge [sflag:s20], $0x800  }
0x36: {  	[sflag:s20] =	ssyncset.done $0x0  }
0x37: {  	[sflag:s20] =	ssyncadd.s32 $0xFFFFF800  }
0x38: {  	_ =	swait.ge [sflag:s20], $0x800  }
0x39: {  	[sflag:s20] =	ssyncset.done $0x0  }
0x3a: {  	[sflag:s20] =	ssyncadd.s32 $0xFFFFF800  }
0x3b: {  	_ =	swait.ge [sflag:s20], $0x800  }
0x3c: {  	[sflag:s20] =	ssyncset.done $0x0  }
0x3d: {  	[sflag:s20] =	ssyncadd.s32 $0xFFFFF800  }
0x3e: {  	_ =	swait.ge [sflag:s20], $0x800  }
0x3f: {  	[sflag:s20] =	ssyncset.done $0x0  }
0x40: {  	[sflag:s20] =	ssyncadd.s32 $0xFFFFF800  }
0x41: {  	[spmem:s2] =	stream.indirect.scatter.add.f32 [tilespmem:s16], [sflag:$0x1], $0x10, s11, s15, $0xb8;
	[tilespmem:$0x1D000] =	vst v63  }
0x42: {  	s7 =	rddreg [dreg:$0x6]  }
0x43: {  	[spmem:s2] =	stream.indirect.scatter.add.f32 [tilespmem:s17], [sflag:$0x1], $0x10, s7, s15, $0xb8;
	[tilespmem:$0x1D000] =	vst v63  }
0x44: {  	s8 =	rddreg [dreg:$0x7]  }
0x45: {  	[spmem:s2] =	stream.indirect.scatter.add.f32 [tilespmem:s18], [sflag:$0x1], $0x10, s8, s15, $0xb8;
	[tilespmem:$0x1D000] =	vst v63  }
0x46: {  	s9 =	rddreg [dreg:$0x8]  }
0x47: {  	[spmem:s2] =	stream.indirect.scatter.add.f32 [tilespmem:s19], [sflag:$0x1], $0x10, s9, s15, $0xb8;
	[tilespmem:$0x1D000] =	vst v63  }
0x48: {  	_ =	swait.ge [sflag:s21], $0x200  }
0x49: {  	[sflag:s21] =	ssyncset.done $0x0  }
0x4a: {  	[sflag:s21] =	ssyncadd.s32 $0xFFFFFE00  }
0x4b: {  	[tilespmem:s22], [sflag:$0x4] =	stream.indirect.gather [hbm4b:s4+s15], $0x10, s12, s15, $0xb8;
	[tilespmem:$0x1D000] =	vst v63  }
0x4c: {  	_ = 	snop  }
0x4d: {  	[tilespmem:s24], [sflag:$0x4] =	stream.indirect.gather [hbm4b:s4+s15], $0x10, s23, s15, $0xb8;
	[tilespmem:$0x1D000] =	vst v63  }
0x4e: {  	_ = 	snop  }
0x4f: {  	[tilespmem:s26], [sflag:$0x4] =	stream.indirect.gather [hbm4b:s4+s15], $0x10, s25, s15, $0xb8;
	[tilespmem:$0x1D000] =	vst v63  }
0x50: {  	_ = 	snop  }
0x51: {  	[tilespmem:s29], [sflag:$0x4] =	stream.indirect.gather [hbm4b:s4+s15], $0x10, s28, s15, $0xb8;
	[tilespmem:$0x1D000] =	vst v63  }
0x52: {  	_ =	swait.ge [sflag:s21], $0x200  }
0x53: {  	[sflag:s21] =	ssyncset.done $0x0  }
0x54: {  	[sflag:s21] =	ssyncadd.s32 $0xFFFFFE00  }
0x55: {  	_ =	swait.ge [sflag:s30], $0x800  }
0x56: {  	[sflag:s30] =	ssyncset.done $0x0  }
0x57: {  	[sflag:s30] =	ssyncadd.s32 $0xFFFFF800  }
0x58: {  	_ =	swait.ge [sflag:s30], $0x800  }
0x59: {  	[sflag:s30] =	ssyncset.done $0x0  }
0x5a: {  	[sflag:s30] =	ssyncadd.s32 $0xFFFFF800  }
0x5b: {  	_ =	swait.ge [sflag:s30], $0x800  }
0x5c: {  	[sflag:s30] =	ssyncset.done $0x0  }
0x5d: {  	[sflag:s30] =	ssyncadd.s32 $0xFFFFF800  }
0x5e: {  	_ =	swait.ge [sflag:s30], $0x800  }
0x5f: {  	[sflag:s30] =	ssyncset.done $0x0  }
0x60: {  	[sflag:s30] =	ssyncadd.s32 $0xFFFFF800  }
0x61: {  	_ =	swait.ge [sflag:s14], $0x800  }
0x62: {  	[sflag:s14] =	ssyncset.done $0x0  }
0x63: {  	[sflag:s14] =	ssyncadd.s32 $0xFFFFF800  }
0x64: {  	_ =	swait.ge [sflag:s14], $0x800  }
0x65: {  	[sflag:s14] =	ssyncset.done $0x0  }
0x66: {  	[sflag:s14] =	ssyncadd.s32 $0xFFFFF800  }
0x67: {  	_ =	swait.ge [sflag:s14], $0x800  }
0x68: {  	[sflag:s14] =	ssyncset.done $0x0  }
0x69: {  	[sflag:s14] =	ssyncadd.s32 $0xFFFFF800  }
0x6a: {  	_ =	swait.ge [sflag:s14], $0x800  }
0x6b: {  	[sflag:s14] =	ssyncset.done $0x0  }
0x6c: {  	[sflag:s14] =	ssyncadd.s32 $0xFFFFF800  }
0x6d: {  	[spmem:s2] =	stream.indirect.scatter.add.f32 [tilespmem:s22], [sflag:$0x2], $0x10, s13, s15, $0xb8;
	[tilespmem:$0x1D000] =	vst v63  }
0x6e: {  	_ = 	snop  }
0x6f: {  	[spmem:s2] =	stream.indirect.scatter.add.f32 [tilespmem:s24], [sflag:$0x2], $0x10, s31, s15, $0xb8;
	[tilespmem:$0x1D000] =	vst v63  }
0x70: {  	_ = 	snop  }
0x71: {  	[spmem:s2] =	stream.indirect.scatter.add.f32 [tilespmem:s26], [sflag:$0x2], $0x10, s0, s15, $0xb8;
	[tilespmem:$0x1D000] =	vst v63  }
0x72: {  	_ = 	snop  }
0x73: {  	[spmem:s2] =	stream.indirect.scatter.add.f32 [tilespmem:s29], [sflag:$0x2], $0x10, s1, s15, $0xb8;
	[tilespmem:$0x1D000] =	vst v63  }
0x74: {  	_ =	swait.ge [sflag:s21], $0x800  }
0x75: {  	[sflag:s21] =	ssyncset.done $0x0  }
0x76: {  	[sflag:s21] =	ssyncadd.s32 $0xFFFFF800  }
0x77: {  	_ =	swait.ge [sflag:s21], $0x800  }
0x78: {  	[sflag:s21] =	ssyncset.done $0x0  }
0x79: {  	[sflag:s21] =	ssyncadd.s32 $0xFFFFF800  }
0x7a: {  	_ =	swait.ge [sflag:s21], $0x800  }
0x7b: {  	[sflag:s21] =	ssyncset.done $0x0  }
0x7c: {  	[sflag:s21] =	ssyncadd.s32 $0xFFFFF800  }
0x7d: {  	s7 =	simm.s32 $0x80;
	_ =	swait.ge [sflag:s21], $0x800  }
0x7e: {  	s8 =	simm.s32 $0x100;
	s6 =	rddreg [dreg:$0x3];
	[sflag:s21] =	ssyncset.done $0x0  }
.LBB2_2:
0x7f: {  	[sflag:s21] =	ssyncadd.s32 $0xFFFFF800;
	s9 =	smov.u32 s8;
	s6 =	sadd.s32 s7, s6  }
0x80: {  	[tilespmem:s3], [sflag:$0x1] =	stream.linear.gather [hbm4b:s6+s3], $0x200, $0x38;
	[tilespmem:$0x1D000] =	vst v63  }
0x81: {  	s7 =	smov.u32 s9;
	s9 =	sadd.s32 $0x31000, s6  }
0x82: {  	[tilespmem:s11], [sflag:$0x1] =	stream.linear.gather [hbm4b:s9+s3], $0x200, $0x38;
	[tilespmem:$0x1D000] =	vst v63  }
0x83: {  	s9 =	sadd.s32 $0x40, s6  }
0x84: {  	[tilespmem:s12], [sflag:$0x2] =	stream.linear.gather [hbm4b:s9+s3], $0x200, $0x38;
	[tilespmem:$0x1D000] =	vst v63  }
0x85: {  	s6 =	sadd.s32 $0x31040, s6  }
0x86: {  	[tilespmem:s13], [sflag:$0x2] =	stream.linear.gather [hbm4b:s6+s3], $0x200, $0x38;
	[tilespmem:$0x1D000] =	vst v63  }
0x87: {  	_ =	swait.ge [sflag:s14], $0x200  }
0x88: {  	[sflag:s14] =	ssyncset.done $0x0  }
0x89: {  	[sflag:s14] =	ssyncadd.s32 $0xFFFFFE00  }
0x8a: {  	[tilespmem:s16], [sflag:$0x3] =	stream.indirect.gather [hbm4b:s4+s15], $0x10, s3, s15, $0xb8;
	[tilespmem:$0x1D000] =	vst v63  }
0x8b: {  	_ = 	snop  }
0x8c: {  	[tilespmem:s17], [sflag:$0x3] =	stream.indirect.gather [hbm4b:s4+s15], $0x10, s15, s15, $0xb8;
	[tilespmem:$0x1D000] =	vst v63  }
0x8d: {  	s6 =	rddreg [dreg:$0x4]  }
0x8e: {  	[tilespmem:s18], [sflag:$0x3] =	stream.indirect.gather [hbm4b:s4+s15], $0x10, s6, s15, $0xb8;
	[tilespmem:$0x1D000] =	vst v63  }
0x8f: {  	s9 =	rddreg [dreg:$0x5]  }
0x90: {  	[tilespmem:s19], [sflag:$0x3] =	stream.indirect.gather [hbm4b:s4+s15], $0x10, s9, s15, $0xb8;
	[tilespmem:$0x1D000] =	vst v63  }
0x91: {  	_ =	swait.ge [sflag:s14], $0x200  }
0x92: {  	[sflag:s14] =	ssyncset.done $0x0  }
0x93: {  	[sflag:s14] =	ssyncadd.s32 $0xFFFFFE00  }
0x94: {  	_ =	swait.ge [sflag:s20], $0x800  }
0x95: {  	[sflag:s20] =	ssyncset.done $0x0  }
0x96: {  	[sflag:s20] =	ssyncadd.s32 $0xFFFFF800  }
0x97: {  	_ =	swait.ge [sflag:s20], $0x800  }
0x98: {  	[sflag:s20] =	ssyncset.done $0x0  }
0x99: {  	[sflag:s20] =	ssyncadd.s32 $0xFFFFF800  }
0x9a: {  	_ =	swait.ge [sflag:s20], $0x800  }
0x9b: {  	[sflag:s20] =	ssyncset.done $0x0  }
0x9c: {  	[sflag:s20] =	ssyncadd.s32 $0xFFFFF800  }
0x9d: {  	_ =	swait.ge [sflag:s20], $0x800  }
0x9e: {  	[sflag:s20] =	ssyncset.done $0x0  }
0x9f: {  	[sflag:s20] =	ssyncadd.s32 $0xFFFFF800  }
0xa0: {  	[spmem:s2] =	stream.indirect.scatter.add.f32 [tilespmem:s16], [sflag:$0x1], $0x10, s11, s15, $0xb8;
	[tilespmem:$0x1D000] =	vst v63  }
0xa1: {  	s6 =	rddreg [dreg:$0x6]  }
0xa2: {  	[spmem:s2] =	stream.indirect.scatter.add.f32 [tilespmem:s17], [sflag:$0x1], $0x10, s6, s15, $0xb8;
	[tilespmem:$0x1D000] =	vst v63  }
0xa3: {  	s9 =	rddreg [dreg:$0x7]  }
0xa4: {  	[spmem:s2] =	stream.indirect.scatter.add.f32 [tilespmem:s18], [sflag:$0x1], $0x10, s9, s15, $0xb8;
	[tilespmem:$0x1D000] =	vst v63  }
0xa5: {  	s6 =	rddreg [dreg:$0x8]  }
0xa6: {  	[spmem:s2] =	stream.indirect.scatter.add.f32 [tilespmem:s19], [sflag:$0x1], $0x10, s6, s15, $0xb8;
	[tilespmem:$0x1D000] =	vst v63  }
0xa7: {  	_ =	swait.ge [sflag:s21], $0x200  }
0xa8: {  	[sflag:s21] =	ssyncset.done $0x0  }
0xa9: {  	[sflag:s21] =	ssyncadd.s32 $0xFFFFFE00  }
0xaa: {  	[tilespmem:s22], [sflag:$0x4] =	stream.indirect.gather [hbm4b:s4+s15], $0x10, s12, s15, $0xb8;
	[tilespmem:$0x1D000] =	vst v63  }
0xab: {  	_ = 	snop  }
0xac: {  	[tilespmem:s24], [sflag:$0x4] =	stream.indirect.gather [hbm4b:s4+s15], $0x10, s23, s15, $0xb8;
	[tilespmem:$0x1D000] =	vst v63  }
0xad: {  	_ = 	snop  }
0xae: {  	[tilespmem:s26], [sflag:$0x4] =	stream.indirect.gather [hbm4b:s4+s15], $0x10, s25, s15, $0xb8;
	[tilespmem:$0x1D000] =	vst v63  }
0xaf: {  	_ = 	snop  }
0xb0: {  	[tilespmem:s29], [sflag:$0x4] =	stream.indirect.gather [hbm4b:s4+s15], $0x10, s28, s15, $0xb8;
	[tilespmem:$0x1D000] =	vst v63  }
0xb1: {  	_ =	swait.ge [sflag:s21], $0x200  }
0xb2: {  	[sflag:s21] =	ssyncset.done $0x0  }
0xb3: {  	[sflag:s21] =	ssyncadd.s32 $0xFFFFFE00  }
0xb4: {  	_ =	swait.ge [sflag:s30], $0x800  }
0xb5: {  	[sflag:s30] =	ssyncset.done $0x0  }
0xb6: {  	[sflag:s30] =	ssyncadd.s32 $0xFFFFF800  }
0xb7: {  	_ =	swait.ge [sflag:s30], $0x800  }
0xb8: {  	[sflag:s30] =	ssyncset.done $0x0  }
0xb9: {  	[sflag:s30] =	ssyncadd.s32 $0xFFFFF800  }
0xba: {  	_ =	swait.ge [sflag:s30], $0x800  }
0xbb: {  	[sflag:s30] =	ssyncset.done $0x0  }
0xbc: {  	[sflag:s30] =	ssyncadd.s32 $0xFFFFF800  }
0xbd: {  	_ =	swait.ge [sflag:s30], $0x800  }
0xbe: {  	[sflag:s30] =	ssyncset.done $0x0  }
0xbf: {  	[sflag:s30] =	ssyncadd.s32 $0xFFFFF800  }
0xc0: {  	_ =	swait.ge [sflag:s14], $0x800  }
0xc1: {  	[sflag:s14] =	ssyncset.done $0x0  }
0xc2: {  	[sflag:s14] =	ssyncadd.s32 $0xFFFFF800  }
0xc3: {  	_ =	swait.ge [sflag:s14], $0x800  }
0xc4: {  	[sflag:s14] =	ssyncset.done $0x0  }
0xc5: {  	[sflag:s14] =	ssyncadd.s32 $0xFFFFF800  }
0xc6: {  	_ =	swait.ge [sflag:s14], $0x800  }
0xc7: {  	[sflag:s14] =	ssyncset.done $0x0  }
0xc8: {  	[sflag:s14] =	ssyncadd.s32 $0xFFFFF800  }
0xc9: {  	_ =	swait.ge [sflag:s14], $0x800  }
0xca: {  	[sflag:s14] =	ssyncset.done $0x0  }
0xcb: {  	[sflag:s14] =	ssyncadd.s32 $0xFFFFF800  }
0xcc: {  	[spmem:s2] =	stream.indirect.scatter.add.f32 [tilespmem:s22], [sflag:$0x2], $0x10, s13, s15, $0xb8;
	[tilespmem:$0x1D000] =	vst v63  }
0xcd: {  	_ = 	snop  }
0xce: {  	[spmem:s2] =	stream.indirect.scatter.add.f32 [tilespmem:s24], [sflag:$0x2], $0x10, s31, s15, $0xb8;
	[tilespmem:$0x1D000] =	vst v63  }
0xcf: {  	_ = 	snop  }
0xd0: {  	[spmem:s2] =	stream.indirect.scatter.add.f32 [tilespmem:s26], [sflag:$0x2], $0x10, s0, s15, $0xb8;
	[tilespmem:$0x1D000] =	vst v63  }
0xd1: {  	_ = 	snop  }
0xd2: {  	[spmem:s2] =	stream.indirect.scatter.add.f32 [tilespmem:s29], [sflag:$0x2], $0x10, s1, s15, $0xb8;
	[tilespmem:$0x1D000] =	vst v63  }
0xd3: {  	_ =	swait.ge [sflag:s21], $0x800  }
0xd4: {  	[sflag:s21] =	ssyncset.done $0x0  }
0xd5: {  	[sflag:s21] =	ssyncadd.s32 $0xFFFFF800  }
0xd6: {  	_ =	swait.ge [sflag:s21], $0x800  }
0xd7: {  	[sflag:s21] =	ssyncset.done $0x0  }
0xd8: {  	p0 =	sne.s32 s8, $0x1800;
	[sflag:s21] =	ssyncadd.s32 $0xFFFFF800  }
.Ltmp0:
0xd9: {  	_ =	swait.ge [sflag:s21], $0x800;
	(pc) =	sbr.rel @p0 .LBB2_2-.Ltmp0, $4  }
0xda: {  	[sflag:s21] =	ssyncset.done $0x0  }
0xdb: {  	[sflag:s21] =	ssyncadd.s32 $0xFFFFF800  }
0xdc: {  	_ =	swait.ge [sflag:s21], $0x800  }
0xdd: {  	s8 =	sadd.s32 $0x80, s8;
	s6 =	rddreg [dreg:$0x3];
	[sflag:s21] =	ssyncset.done $0x0  }
0xde: {  	[sflag:s21] =	ssyncadd.s32 $0xFFFFF800;
	s6 =	sadd.s32 s7, s6  }
0xdf: {  	[tilespmem:s3], [sflag:$0x1] =	stream.linear.gather [hbm4b:s6+s3], $0x200, $0x38;
	[tilespmem:$0x1D000] =	vst v63  }
0xe0: {  	s7 =	sadd.s32 $0x31000, s6  }
0xe1: {  	[tilespmem:s11], [sflag:$0x1] =	stream.linear.gather [hbm4b:s7+s3], $0x200, $0x38;
	[tilespmem:$0x1D000] =	vst v63  }
0xe2: {  	s9 =	sadd.s32 $0x40, s6  }
0xe3: {  	[tilespmem:s12], [sflag:$0x2] =	stream.linear.gather [hbm4b:s9+s3], $0x200, $0x38;
	[tilespmem:$0x1D000] =	vst v63  }
0xe4: {  	s6 =	sadd.s32 $0x31040, s6  }
0xe5: {  	[tilespmem:s13], [sflag:$0x2] =	stream.linear.gather [hbm4b:s6+s3], $0x200, $0x38;
	[tilespmem:$0x1D000] =	vst v63  }
0xe6: {  	_ =	swait.ge [sflag:s14], $0x200  }
0xe7: {  	[sflag:s14] =	ssyncset.done $0x0  }
0xe8: {  	[sflag:s14] =	ssyncadd.s32 $0xFFFFFE00  }
0xe9: {  	[tilespmem:s16], [sflag:$0x3] =	stream.indirect.gather [hbm4b:s4+s15], $0x10, s3, s15, $0xb8;
	[tilespmem:$0x1D000] =	vst v63  }
0xea: {  	_ = 	snop  }
0xeb: {  	[tilespmem:s17], [sflag:$0x3] =	stream.indirect.gather [hbm4b:s4+s15], $0x10, s15, s15, $0xb8;
	[tilespmem:$0x1D000] =	vst v63  }
0xec: {  	s8 =	rddreg [dreg:$0x4]  }
0xed: {  	[tilespmem:s18], [sflag:$0x3] =	stream.indirect.gather [hbm4b:s4+s15], $0x10, s8, s15, $0xb8;
	[tilespmem:$0x1D000] =	vst v63  }
0xee: {  	s9 =	rddreg [dreg:$0x5]  }
0xef: {  	[tilespmem:s19], [sflag:$0x3] =	stream.indirect.gather [hbm4b:s4+s15], $0x10, s9, s15, $0xb8;
	[tilespmem:$0x1D000] =	vst v63  }
0xf0: {  	_ =	swait.ge [sflag:s14], $0x200  }
0xf1: {  	[sflag:s14] =	ssyncset.done $0x0  }
0xf2: {  	[sflag:s14] =	ssyncadd.s32 $0xFFFFFE00  }
0xf3: {  	_ =	swait.ge [sflag:s20], $0x800  }
0xf4: {  	[sflag:s20] =	ssyncset.done $0x0  }
0xf5: {  	[sflag:s20] =	ssyncadd.s32 $0xFFFFF800  }
0xf6: {  	_ =	swait.ge [sflag:s20], $0x800  }
0xf7: {  	[sflag:s20] =	ssyncset.done $0x0  }
0xf8: {  	[sflag:s20] =	ssyncadd.s32 $0xFFFFF800  }
0xf9: {  	_ =	swait.ge [sflag:s20], $0x800  }
0xfa: {  	[sflag:s20] =	ssyncset.done $0x0  }
0xfb: {  	[sflag:s20] =	ssyncadd.s32 $0xFFFFF800  }
0xfc: {  	_ =	swait.ge [sflag:s20], $0x800  }
0xfd: {  	[sflag:s20] =	ssyncset.done $0x0  }
0xfe: {  	[sflag:s20] =	ssyncadd.s32 $0xFFFFF800  }
0xff: {  	[spmem:s2] =	stream.indirect.scatter.add.f32 [tilespmem:s16], [sflag:$0x1], $0x10, s11, s15, $0xb8;
	[tilespmem:$0x1D000] =	vst v63  }
0x100: {  	s8 =	rddreg [dreg:$0x6]  }
0x101: {  	[spmem:s2] =	stream.indirect.scatter.add.f32 [tilespmem:s17], [sflag:$0x1], $0x10, s8, s15, $0xb8;
	[tilespmem:$0x1D000] =	vst v63  }
0x102: {  	s9 =	rddreg [dreg:$0x7]  }
0x103: {  	[spmem:s2] =	stream.indirect.scatter.add.f32 [tilespmem:s18], [sflag:$0x1], $0x10, s9, s15, $0xb8;
	[tilespmem:$0x1D000] =	vst v63  }
0x104: {  	s8 =	rddreg [dreg:$0x8]  }
0x105: {  	[spmem:s2] =	stream.indirect.scatter.add.f32 [tilespmem:s19], [sflag:$0x1], $0x10, s8, s15, $0xb8;
	[tilespmem:$0x1D000] =	vst v63  }
0x106: {  	_ =	swait.ge [sflag:s21], $0x200  }
0x107: {  	[sflag:s21] =	ssyncset.done $0x0  }
0x108: {  	[sflag:s21] =	ssyncadd.s32 $0xFFFFFE00  }
0x109: {  	[tilespmem:s22], [sflag:$0x4] =	stream.indirect.gather [hbm4b:s4+s15], $0x10, s12, s15, $0xb8;
	[tilespmem:$0x1D000] =	vst v63  }
0x10a: {  	_ = 	snop  }
0x10b: {  	[tilespmem:s24], [sflag:$0x4] =	stream.indirect.gather [hbm4b:s4+s15], $0x10, s23, s15, $0xb8;
	[tilespmem:$0x1D000] =	vst v63  }
0x10c: {  	_ = 	snop  }
0x10d: {  	[tilespmem:s26], [sflag:$0x4] =	stream.indirect.gather [hbm4b:s4+s15], $0x10, s25, s15, $0xb8;
	[tilespmem:$0x1D000] =	vst v63  }
0x10e: {  	_ = 	snop  }
0x10f: {  	[tilespmem:s29], [sflag:$0x4] =	stream.indirect.gather [hbm4b:s4+s15], $0x10, s28, s15, $0xb8;
	[tilespmem:$0x1D000] =	vst v63  }
0x110: {  	_ =	swait.ge [sflag:s21], $0x200  }
0x111: {  	[sflag:s21] =	ssyncset.done $0x0  }
0x112: {  	[sflag:s21] =	ssyncadd.s32 $0xFFFFFE00  }
0x113: {  	_ =	swait.ge [sflag:s30], $0x800  }
0x114: {  	[sflag:s30] =	ssyncset.done $0x0  }
0x115: {  	[sflag:s30] =	ssyncadd.s32 $0xFFFFF800  }
0x116: {  	_ =	swait.ge [sflag:s30], $0x800  }
0x117: {  	[sflag:s30] =	ssyncset.done $0x0  }
0x118: {  	[sflag:s30] =	ssyncadd.s32 $0xFFFFF800  }
0x119: {  	_ =	swait.ge [sflag:s30], $0x800  }
0x11a: {  	[sflag:s30] =	ssyncset.done $0x0  }
0x11b: {  	[sflag:s30] =	ssyncadd.s32 $0xFFFFF800  }
0x11c: {  	_ =	swait.ge [sflag:s30], $0x800  }
0x11d: {  	[sflag:s30] =	ssyncset.done $0x0  }
0x11e: {  	[sflag:s30] =	ssyncadd.s32 $0xFFFFF800  }
0x11f: {  	_ =	swait.ge [sflag:s14], $0x800  }
0x120: {  	[sflag:s14] =	ssyncset.done $0x0  }
0x121: {  	[sflag:s14] =	ssyncadd.s32 $0xFFFFF800  }
0x122: {  	_ =	swait.ge [sflag:s14], $0x800  }
0x123: {  	[sflag:s14] =	ssyncset.done $0x0  }
0x124: {  	[sflag:s14] =	ssyncadd.s32 $0xFFFFF800  }
0x125: {  	_ =	swait.ge [sflag:s14], $0x800  }
0x126: {  	[sflag:s14] =	ssyncset.done $0x0  }
0x127: {  	[sflag:s14] =	ssyncadd.s32 $0xFFFFF800  }
0x128: {  	_ =	swait.ge [sflag:s14], $0x800  }
0x129: {  	[sflag:s14] =	ssyncset.done $0x0  }
0x12a: {  	[sflag:s14] =	ssyncadd.s32 $0xFFFFF800  }
0x12b: {  	[spmem:s2] =	stream.indirect.scatter.add.f32 [tilespmem:s22], [sflag:$0x2], $0x10, s13, s15, $0xb8;
	[tilespmem:$0x1D000] =	vst v63  }
0x12c: {  	_ = 	snop  }
0x12d: {  	[spmem:s2] =	stream.indirect.scatter.add.f32 [tilespmem:s24], [sflag:$0x2], $0x10, s31, s15, $0xb8;
	[tilespmem:$0x1D000] =	vst v63  }
0x12e: {  	_ = 	snop  }
0x12f: {  	[spmem:s2] =	stream.indirect.scatter.add.f32 [tilespmem:s26], [sflag:$0x2], $0x10, s0, s15, $0xb8;
	[tilespmem:$0x1D000] =	vst v63  }
0x130: {  	_ = 	snop  }
0x131: {  	[spmem:s2] =	stream.indirect.scatter.add.f32 [tilespmem:s29], [sflag:$0x2], $0x10, s1, s15, $0xb8;
	[tilespmem:$0x1D000] =	vst v63  }
0x132: {  	_ =	swait.ge [sflag:s21], $0x800  }
0x133: {  	[sflag:s21] =	ssyncset.done $0x0  }
0x134: {  	[sflag:s21] =	ssyncadd.s32 $0xFFFFF800  }
0x135: {  	_ =	swait.ge [sflag:s21], $0x800  }
0x136: {  	[sflag:s21] =	ssyncset.done $0x0  }
0x137: {  	[sflag:s21] =	ssyncadd.s32 $0xFFFFF800  }
0x138: {  	_ =	swait.ge [sflag:s21], $0x800  }
0x139: {  	[sflag:s21] =	ssyncset.done $0x0  }
0x13a: {  	[sflag:s21] =	ssyncadd.s32 $0xFFFFF800  }
0x13b: {  	_ =	swait.ge [sflag:s21], $0x800  }
0x13c: {  	[sflag:s21] =	ssyncset.done $0x0  }
0x13d: {  	[sflag:s21] =	ssyncadd.s32 $0xFFFFF800  }
0x13e: {  	[bflag:$0x0] =	sbarrier.arrive $0xFFFF  }
0x13f: {  	s8 =	rddreg [dreg:$0xa]  }
0x140: {  	s9 =	rddreg [dreg:$0xb]  }
0x141: {  	s7 =	rddreg [dreg:$0xd]  }
0x142: {  	[hbm:s9], [sflag:s8] =	dma.local [spmem:s7], $0x3100  }
0x143: {  	_ =	swait.ge [sflag:s10], $0x3100  }
0x144: {  	s5 =	sadd.s32 $0x1, s5;
	s9 =	rddreg [dreg:$0xc]  }
0x145: {  	p0 =	sne.s32 s5, s9  }
.Ltmp1:
0x146: {  	_ = 	snop;
	(pc) =	sbr.rel @p0 .LBB2_1-.Ltmp1, $3  }
0x147: {  	_ =	sdelay $0x1  }
0x148: {  	[sflag:s10] =	ssyncset.done $0x0  }
0x149: {  	[sflag:s10] =	ssyncadd.s32 $0xFFFFCF00  }
0x14a: {  	_ =	sfence.sel $0x180000  }
0x14b: {  	[bflag:$0x0] =	sbarrier.arrive $0xFFFF  }
0x14c: {  	_ =	strace $0x9000004A  }
0x14d: {  	s0 =	stileid.u32;
	[bflag:$0x2] =	sbarrier.arrive $0xFFFF  }
0x14e: {  	p0 =	sne.s32 s0, $0x0;
	s0 =	rddreg [dreg:$0x2]  }
0x14f: {  	s0 =	sadd.s32 @!p0 $0x100000, s0  }
0x150: {  	[sflag:s0] =	ssyncadd.tile.s32 @!p0 $0x1;
	_ =	shalt  }
.Lfunc_end2:
_tile_overlayer_lowered:
.L_overlay_start_2:
0x151: {  	(tag) =	ssettag $0x2  }
0x152: {  	s0 =	rddreg [dreg:$0x0];
	s2 =	stileid.u32  }
0x153: {  	s1 =	rddreg [dreg:$0x1];
	p0 =	sne.s32 s2, $0x0  }
0x154: {  	s3 =	rddreg [dreg:$0x2];
	[bflag:$0x3] =	sbarrier.arrive $0xFFFF;
	s2 =	simm.s32 @!p0 $0x1C05  }
0x155: {  	[timem:s3], [sflag:s2] =	dma.local @!p0 [hbm:s0], s1  }
0x156: {  	s0 =	simm.s32 @!p0 $0x5  }
0x157: {  	_ =	swait.ge @!p0 [sflag:s0], s1  }
0x158: {  	s1 =	ssub.s32 @!p0 $0x0, s1;
	[sflag:s0] =	ssyncset.done @!p0 $0x0  }
0x159: {  	[sflag:s0] =	ssyncadd.s32 @!p0 s1  }
0x15a: {  	[bflag:$0x3] =	sbarrier.arrive $0xFFFF  }
0x15b: {  	_ =	shalt  }

// kernel: kernel.14.cloned.1.call-start
scs
__scs_entry_jumppad:
0x0: {  	(pc) =	sbr.rel $0x88, $3  }
0x1: {  	(tag) =	ssettag $0x0;
	lr =	simm.s32 $0x1  }
0x2: {  	[smem:$0x3F8D] =	sst lr;
	_ =	strace $0xD0000000  }
0x3: {  	_ = 	snop  }
0x4: {  	_ = 	snop  }
0x5: {  	_ = 	snop  }
0x6: {  	_ = 	snop  }
0x7: {  	_ = 	snop  }
__scs_overlays_trampoline_lowered:
0x8: {  	[smem:$0x3F9C] =	sst s0  }
0x9: {  	[smem:$0x3F9D] =	sst s1  }
0xa: {  	[smem:$0x3F9E] =	sst s2  }
0xb: {  	[smem:$0x3F9F] =	sst s3  }
0xc: {  	[smem:$0x3FA0] =	sst s4  }
0xd: {  	[smem:$0x3FA1] =	sst s5  }
0xe: {  	[smem:$0x3FA2] =	sst s6  }
0xf: {  	[smem:$0x3FA3] =	sst s7  }
0x10: {  	[smem:$0x3FA4] =	sst s8  }
0x11: {  	[smem:$0x3FA5] =	sst s9;
	s0 =	simm.s32 @!p0 $0x0  }
0x12: {  	s1 =	sld [smem:$0x3F8B];
	s0 =	simm.s32 @p0 $0x1  }
0x13: {  	[smem:$0x3FA6] =	sst s0;
	s0 =	simm.s32 @!p1 $0x0  }
0x14: {  	s2 =	sld [smem:$0x3F8A];
	s0 =	simm.s32 @p1 $0x1  }
0x15: {  	[smem:$0x3FA7] =	sst s0;
	s0 =	simm.s32 @!p2 $0x0  }
0x16: {  	s3 =	sld [smem:$0x3FDB];
	s0 =	simm.s32 @p2 $0x1  }
0x17: {  	s4 =	simm.s32 $0x1BF5;
	[smem:$0x3FA9] =	sst s0  }
0x18: {  	s0 =	sld [smem:$0x3F8C];
	_ =	swait.ge [sflag:s4], $0x0  }
0x19: {  	s7 =	sld [smem:$0x3F8D]  }
0x1a: {  	s8 =	sadd.s32 $0xFFFFE003, lr  }
0x1b: {  	s9 =	sadd.s32 $0xFFFFFEF7, lr;
	s5 =	simm.s32 $0xFFFFFFFF;
	p2 =	slt.u32 s8, $0xFFFFF086  }
0x1c: {  	p1 =	slt.u32 s9, $0xF7A;
	s5 =	simm.s32 @!p2 $0x0  }
0x1d: {  	s5 =	simm.s32 @p1 $0x1;
	p0 =	seq.s32 s7, s2  }
0x1e: {  	s7 =	smul.u32 @!p0 $0xF7A, s2;
	p2 =	seq.s32 @!p0 s5, $0x0  }
0x1f: {  	s9 =	smul.u32 $0xF7A, s1;
	s8 =	simm.s32 @!p0 $0x1BF5;
	p2 =	por !p2, p0  }
0x20: {  	[sflag:s8] =	ssyncset.s32 @!p0 $0xFFFFF086;
	s6 =	sadd.s32 @!p0 s3, s7;
	s7 =	simm.s32 @!p0 $0x108  }
0x21: {  	s3 =	sadd.s32 s3, s9;
	s6 =	sadd.s32 @!p0 $0x88, s6;
	s7 =	simm.s32 @p2 $0x1082  }
0x22: {  	[simem:s7], [sflag:s8] =	dma.local @!p0 [hbm:s6], $0xF7A  }
0x23: {  	s9 =	sor.u32 $0xD0000000, s2;
	s6 =	simm.s32 $0x108;
	_ =	swait.ge @!p0 [sflag:s8], $0x0  }
0x24: {  	s3 =	sadd.s32 $0x88, s3;
	s6 =	simm.s32 @!p1 $0x1082;
	[sflag:s4] =	ssyncset.s32 $0xFFFFF086  }
0x25: {  	[simem:s6], [sflag:s4] =	dma.local [hbm:s3], $0xF7A  }
0x26: {  	[smem:$0x3F8D] =	sst s1;
	(tag) =	ssettag s2;
	_ =	strace s9  }
0x27: {  	s1 =	sld [smem:$0x3F9D]  }
0x28: {  	s2 =	sld [smem:$0x3F9E]  }
0x29: {  	s4 =	sld [smem:$0x3FA0]  }
0x2a: {  	p0 =	seq.s32 s5, $0x0;
	s5 =	sld [smem:$0x3FA1]  }
0x2b: {  	s6 =	sld [smem:$0x3FA2]  }
0x2c: {  	s7 =	sld [smem:$0x3FA3]  }
0x2d: {  	s3 =	simm.s32 $0x108;
	s8 =	sld [smem:$0x3FA4]  }
0x2e: {  	s3 =	simm.s32 @!p0 $0x1082;
	s9 =	sld [smem:$0x3FA5]  }
0x2f: {  	lr =	sadd.s32 s0, s3;
	s0 =	sld [smem:$0x3F9C]  }
0x30: {  	s3 =	sld [smem:$0x3F9F]  }
0x31: {  	[smem:$0x3FA8] =	sst s10  }
0x32: {  	s10 =	sld [smem:$0x3FA6];
	_ =	sdelay $0x3  }
0x33: {  	p0 =	seq.s32 s10, $0x1;
	s10 =	sld [smem:$0x3FA8];
	_ =	sdelay $0x3  }
0x34: {  	[smem:$0x3FA8] =	sst s10  }
0x35: {  	s10 =	sld [smem:$0x3FA7];
	_ =	sdelay $0x3  }
0x36: {  	p1 =	seq.s32 s10, $0x1;
	s10 =	sld [smem:$0x3FA8];
	_ =	sdelay $0x3  }
0x37: {  	[smem:$0x3FA8] =	sst s10  }
0x38: {  	s10 =	sld [smem:$0x3FA9]  }
0x39: {  	_ = 	snop;
	(pc) =	sbr.ind lr, $3  }
0x3a: {  	_ = 	snop  }
0x3b: {  	_ = 	snop  }
0x3c: {  	p2 =	seq.s32 s10, $0x1;
	s10 =	sld [smem:$0x3FA8]  }
0x3d: {  	_ =	shalt  }
0x3e: {  	_ =	shalt  }
0x3f: {  	_ =	shalt  }
0x40: {  	_ =	shalt  }
0x41: {  	_ =	shalt  }
0x42: {  	_ =	shalt  }
0x43: {  	_ =	shalt  }
0x44: {  	_ =	shalt  }
0x45: {  	_ =	shalt  }
0x46: {  	_ =	shalt  }
0x47: {  	_ =	shalt  }
0x48: {  	_ =	shalt  }
0x49: {  	_ =	shalt  }
0x4a: {  	_ =	shalt  }
0x4b: {  	_ =	shalt  }
0x4c: {  	_ =	shalt  }
0x4d: {  	_ =	shalt  }
0x4e: {  	_ =	shalt  }
0x4f: {  	_ =	shalt  }
0x50: {  	_ =	shalt  }
0x51: {  	_ =	shalt  }
0x52: {  	_ =	shalt  }
0x53: {  	_ =	shalt  }
0x54: {  	_ =	shalt  }
0x55: {  	_ =	shalt  }
0x56: {  	_ =	shalt  }
0x57: {  	_ =	shalt  }
0x58: {  	_ =	shalt  }
0x59: {  	_ =	shalt  }
0x5a: {  	_ =	shalt  }
0x5b: {  	_ =	shalt  }
0x5c: {  	_ =	shalt  }
0x5d: {  	_ =	shalt  }
0x5e: {  	_ =	shalt  }
0x5f: {  	_ =	shalt  }
0x60: {  	_ =	shalt  }
0x61: {  	_ =	shalt  }
0x62: {  	_ =	shalt  }
0x63: {  	_ =	shalt  }
0x64: {  	_ =	shalt  }
0x65: {  	_ =	shalt  }
0x66: {  	_ =	shalt  }
0x67: {  	_ =	shalt  }
0x68: {  	_ =	shalt  }
0x69: {  	_ =	shalt  }
0x6a: {  	_ =	shalt  }
0x6b: {  	_ =	shalt  }
0x6c: {  	_ =	shalt  }
0x6d: {  	_ =	shalt  }
0x6e: {  	_ =	shalt  }
0x6f: {  	_ =	shalt  }
0x70: {  	_ =	shalt  }
0x71: {  	_ =	shalt  }
0x72: {  	_ =	shalt  }
0x73: {  	_ =	shalt  }
0x74: {  	_ =	shalt  }
0x75: {  	_ =	shalt  }
0x76: {  	_ =	shalt  }
0x77: {  	_ =	shalt  }
0x78: {  	_ =	shalt  }
0x79: {  	_ =	shalt  }
0x7a: {  	_ =	shalt  }
0x7b: {  	_ =	shalt  }
0x7c: {  	_ =	shalt  }
0x7d: {  	_ =	shalt  }
0x7e: {  	_ =	shalt  }
0x7f: {  	_ =	shalt  }
0x80: {  	_ =	shalt  }
0x81: {  	_ =	shalt  }
0x82: {  	_ =	shalt  }
0x83: {  	_ =	shalt  }
0x84: {  	_ =	shalt  }
0x85: {  	_ =	shalt  }
0x86: {  	_ =	shalt  }
0x87: {  	_ =	shalt  }
.Lfunc_end0:
.L_simem_size_0:
called_computation.2_lowered:
.L_overlay_start_0:
0x88: {  	s2 =	sld [smem:$0x3FD9]  }
0x89: {  	s3 =	sld [smem:$0x3FFE];
	_ =	sdelay $0x1  }
0x8a: {  	s1 =	srdreg.scid  }
0x8b: {  	s0 =	sand.u32 $0x1, s1  }
0x8c: {  	s16 =	sshll.u32 s0, $0xA;
	s2 =	sadd.s32 s3, s2  }
0x8d: {  	s2 =	sadd.s32 s2, s16  }
0x8e: {  	[smem:$0x3FB4] =	sst s2  }
0x8f: {  	_ = 	snop  }
0x90: {  	(tm) =	ssettm $0x1  }
0x91: {  	s17 =	sld [smem:$0x3FFB];
	_ =	sdelay $0x3  }
0x92: {  	_ =	strace s17  }
0x93: {  	s2 =	sld [smem:$0x3FFC];
	_ =	sdelay $0x3  }
0x94: {  	_ =	strace s2  }
0x95: {  	s2 =	sld [smem:$0x3FFD];
	_ =	sdelay $0x3  }
0x96: {  	_ =	strace s2  }
0x97: {  	_ =	strace $0x8FFFFFFF  }
0x98: {  	s18 =	sld [smem:$0x3FDB];
	_ =	sdelay $0x1  }
0x99: {  	s19 =	simm.s32 $_scs_section_size  }
0x9a: {  	s4 =	simm.s32 $_size__tile_overlayer_lowered;
	s5 =	simm.s32 $_tile_overlayer_lowered  }
0x9b: {  	s22 =	simm.s32 $0x1BFF;
	s21 =	sshll.u32 s5, $0x1;
	s2 =	sadd.s32 s19, s18  }
0x9c: {  	s6 =	simm.s32 $0x0;
	s20 =	sshll.u32 s4, $0x1;
	s4 =	sadd.s32 s21, s2  }
0x9d: {  	[timem:s6], [sflag:s22] =	dma.local [hbm:s4], s20  }
0x9e: {  	_ =	swait.ge [sflag:s22], s20  }
0x9f: {  	s3 =	ssub.s32 $0x0, s20;
	[sflag:s22] =	ssyncset.done $0x0  }
0xa0: {  	[sflag:s22] =	ssyncadd.s32 s3;
	_ =	sdelay $0x1  }
0xa1: {  	s23 =	simm.s32 $0x1B8B  }
0xa2: {  	_ =	swait.ge [sflag:s23], $0x1  }
0xa3: {  	[sflag:s23] =	ssyncset.done $0x0  }
0xa4: {  	s25 =	simm.s32 $0x1B8E;
	s24 =	sld [smem:$0x3FFE];
	[sflag:s23] =	ssyncadd.s32 $0xFFFFFFFF  }
0xa5: {  	s26 =	simm.s32 $execute0_lowered;
	[smem:$0x3FD2] =	sst s25  }
0xa6: {  	s4 =	sshll.u32 s26, $0x1;
	_ =	strace $0x8000004C;
	[dreg:$0x1] =	wrdreg $0xFFFFFFFF  }
0xa7: {  	s28 =	simm.s32 $_size_execute0_lowered;
	s2 =	sadd.s32 s2, s4;
	[dreg:$0x0] =	wrdreg $0x0  }
0xa8: {  	s4 =	sshll.u32 s28, $0x1;
	[dreg:$0x2] =	wrdreg s2  }
0xa9: {  	[dreg:$0x3] =	wrdreg s4  }
0xaa: {  	[dreg:$0x4] =	wrdreg $0xC0  }
0xab: {  	_ =	task [dreg:s6], $0x5FFFF  }
0xac: {  	[dreg:$0x1] =	wrdreg $0xFFFFFFFF  }
0xad: {  	[dreg:$0x0] =	wrdreg $0x60  }
0xae: {  	[dreg:$0x2] =	wrdreg s24  }
0xaf: {  	[dreg:$0x3] =	wrdreg $0x48000  }
0xb0: {  	[dreg:$0x4] =	wrdreg $0x9  }
0xb1: {  	_ =	task.clear_ibuf [dreg:s6], $0x5FFFF;
	_ =	strace $0x9000004C  }
0xb2: {  	s29 =	simm.s32 $0x9;
	_ =	strace $0x8000004E  }
0xb3: {  	_ =	swait.ge [sflag:s29], $0x1  }
0xb4: {  	[sflag:s29] =	ssyncadd.s32 $0xFFFFFFFF  }
0xb5: {  	_ =	strace $0x9000004E  }
0xb6: {  	_ =	sfence  }
0xb7: {  	s30 =	sld [smem:$0x0];
	_ =	sdelay $0x2  }
0xb8: {  	s31 =	sshll.u32 s1, $0xD;
	s1 =	sshrl.u32 s1, $0x2  }
0xb9: {  	s3 =	sand.u32 $0x4000, s31;
	s1 =	sadd.s32 s1, s30  }
0xba: {  	s0 =	sor.u32 s3, s0;
	s1 =	sshll.u32 s1, $0x11  }
0xbb: {  	s0 =	sor.u32 s1, s0  }
0xbc: {  	s0 =	sadd.s32 $0x8F2B, s0  }
0xbd: {  	[sflag:s0] =	ssyncadd.remote.s32 $0x1  }
0xbe: {  	_ =	sfence.sel $0xFFFF  }
0xbf: {  	[dreg:$0x0] =	wrdreg $0xFFFFFFFF;
	(pc) =	sbr.abs _section_cstart, $3  }
0xc0: {  	[dreg:$0x1] =	wrdreg $0xFFFFFFFF  }
0xc1: {  	_ =	task.clear_ibuf [dreg:s6], $0x2FFFF;
	_ =	strace $0x9FFFFFFF  }
0xc2: {  	(tm) =	ssettm $0x7FFFFFFF  }
0xc3: {  	_ =	shalt  }
tec
execute0_lowered:
.L_overlay_start_1:
0x0: {  	(tag) =	ssettag $0x1  }
0x1: {  	s9 =	stileid.u32;
	s1 =	rddreg [dreg:$0x0]  }
0x2: {  	s0 =	srdreg.scid;
	s2 =	rddreg [dreg:$0x1];
	s3 =	simm.s32 $0x0  }
0x3: {  	s10 =	simm.s32 $0x5;
	s11 =	simm.s32 $0x200;
	s12 =	simm.s32 $0x400  }
0x4: {  	s13 =	simm.s32 $0x600;
	s14 =	simm.s32 $0x1;
	s15 =	simm.s32 $0x80  }
0x5: {  	s22 =	simm.s32 $0x100;
	s16 =	simm.s32 $0x800;
	s23 =	simm.s32 $0x180  }
0x6: {  	s17 =	simm.s32 $0x1000;
	s24 =	simm.s32 $0x280;
	s25 =	simm.s32 $0x300  }
0x7: {  	s26 =	simm.s32 $0x380;
	s28 =	simm.s32 $0x580;
	s29 =	simm.s32 $0x4000  }
0x8: {  	s30 =	simm.s32 $0x4;
	s31 =	simm.s32 $0x680;
	[smem:$0x7FF] =	sst s3  }
0x9: {  	s4 =	smul.u32 $0x3100, s9;
	_ =	strace $0x8000004D;
	[dreg:$0x4] =	wrdreg s22  }
0xa: {  	s0 =	sand.u32 $0x1, s0;
	s6 =	smul.u32 $0x18800, s9;
	[dreg:$0x5] =	wrdreg s23  }
0xb: {  	s20 =	sshll.u32 s9, $0x6;
	s5 =	smul.u32 $0x31000, s0;
	[dreg:$0x6] =	wrdreg s24  }
0xc: {  	s7 =	smul.u32 $0x188000, s0;
	s0 =	ssub.s32 $0x2, s0;
	[dreg:$0x7] =	wrdreg s25  }
0xd: {  	[dreg:$0x8] =	wrdreg s26;
	s22 =	simm.s32 $0x2800;
	s23 =	simm.s32 $0x480  }
0xe: {  	s24 =	simm.s32 $0x3000;
	s25 =	simm.s32 $0x500;
	s26 =	simm.s32 $0x3800  }
0xf: {  	s4 =	sadd.s32 s4, s1;
	s8 =	sshrl.u32 s6, $0x3;
	s18 =	sshrl.u32 s0, $0x1  }
0x10: {  	s19 =	sadd.s32 s6, s2;
	s5 =	sadd.s32 s5, s1;
	s7 =	sadd.s32 s6, s7  }
0x11: {  	s8 =	sadd.s32 s8, s1;
	s0 =	ssub.s32 s0, s18;
	s21 =	sadd.s32 $0x2C00, s4  }
0x12: {  	s18 =	simm.s32 $0x1800;
	s4 =	simm.s32 $0x0;
	s7 =	sshrl.u32 s7, $0x3  }
0x13: {  	s8 =	sadd.s32 $0x64C00, s8;
	s6 =	sadd.s32 $0x716600, s5;
	[dreg:$0x3] =	wrdreg s21  }
0x14: {  	s0 =	smax.u32 s0, $0x1;
	s21 =	simm.s32 $0x2;
	[dreg:$0x9] =	wrdreg s8  }
0x15: {  	s1 =	sadd.s32 s7, s1;
	s8 =	sor.u32 $0x1C05, s20;
	[dreg:$0xc] =	wrdreg s0  }
0x16: {  	s7 =	sshrl.u32 s19, $0x3;
	s19 =	simm.s32 $0x2000;
	[dreg:$0xa] =	wrdreg s8  }
0x17: {  	s20 =	simm.s32 $0x3;
	s1 =	sadd.s32 $0x778600, s1;
	[dreg:$0xd] =	wrdreg s7  }
0x18: {  	s0 =	simm.s32 $0x780;
	[dreg:$0xb] =	wrdreg s1;
	s1 =	simm.s32 $0x700  }
.LBB2_1:
0x19: {  	s5 =	rddreg [dreg:$0x9]  }
0x1a: {  	[spmem:s7], [sflag:s8] =	dma.local [hbm:s5], $0x3100  }
0x1b: {  	_ =	swait.ge [sflag:s10], $0x3100  }
0x1c: {  	[sflag:s10] =	ssyncset.done $0x0  }
0x1d: {  	[sflag:s10] =	ssyncadd.s32 $0xFFFFCF00  }
0x1e: {  	[bflag:$0x0] =	sbarrier.arrive $0xFFFF  }
0x1f: {  	s7 =	rddreg [dreg:$0x3]  }
0x20: {  	s5 =	sadd.s32 $0x0, s7  }
0x21: {  	[tilespmem:s3], [sflag:$0x1] =	stream.linear.gather [hbm4b:s5+s3], $0x200, $0x38;
	[tilespmem:$0x1D000] =	vst v63  }
0x22: {  	s8 =	sadd.s32 $0x31000, s5  }
0x23: {  	[tilespmem:s11], [sflag:$0x1] =	stream.linear.gather [hbm4b:s8+s3], $0x200, $0x38;
	[tilespmem:$0x1D000] =	vst v63  }
0x24: {  	s9 =	sadd.s32 $0x40, s5  }
0x25: {  	[tilespmem:s12], [sflag:$0x2] =	stream.linear.gather [hbm4b:s9+s3], $0x200, $0x38;
	[tilespmem:$0x1D000] =	vst v63  }
0x26: {  	s5 =	sadd.s32 $0x31040, s5  }
0x27: {  	[tilespmem:s13], [sflag:$0x2] =	stream.linear.gather [hbm4b:s5+s3], $0x200, $0x38;
	[tilespmem:$0x1D000] =	vst v63  }
0x28: {  	_ =	swait.ge [sflag:s14], $0x200  }
0x29: {  	[sflag:s14] =	ssyncset.done $0x0  }
0x2a: {  	[sflag:s14] =	ssyncadd.s32 $0xFFFFFE00  }
0x2b: {  	[tilespmem:s16], [sflag:$0x3] =	stream.indirect.gather [hbm4b:s6+s15], $0x10, s3, s15, $0xb8;
	[tilespmem:$0x1D000] =	vst v63  }
0x2c: {  	_ = 	snop  }
0x2d: {  	[tilespmem:s17], [sflag:$0x3] =	stream.indirect.gather [hbm4b:s6+s15], $0x10, s15, s15, $0xb8;
	[tilespmem:$0x1D000] =	vst v63  }
0x2e: {  	s8 =	rddreg [dreg:$0x4]  }
0x2f: {  	[tilespmem:s18], [sflag:$0x3] =	stream.indirect.gather [hbm4b:s6+s15], $0x10, s8, s15, $0xb8;
	[tilespmem:$0x1D000] =	vst v63  }
0x30: {  	s9 =	rddreg [dreg:$0x5]  }
0x31: {  	[tilespmem:s19], [sflag:$0x3] =	stream.indirect.gather [hbm4b:s6+s15], $0x10, s9, s15, $0xb8;
	[tilespmem:$0x1D000] =	vst v63  }
0x32: {  	_ =	swait.ge [sflag:s14], $0x200  }
0x33: {  	[sflag:s14] =	ssyncset.done $0x0  }
0x34: {  	[sflag:s14] =	ssyncadd.s32 $0xFFFFFE00  }
0x35: {  	_ =	swait.ge [sflag:s20], $0x800  }
0x36: {  	[sflag:s20] =	ssyncset.done $0x0  }
0x37: {  	[sflag:s20] =	ssyncadd.s32 $0xFFFFF800  }
0x38: {  	_ =	swait.ge [sflag:s20], $0x800  }
0x39: {  	[sflag:s20] =	ssyncset.done $0x0  }
0x3a: {  	[sflag:s20] =	ssyncadd.s32 $0xFFFFF800  }
0x3b: {  	_ =	swait.ge [sflag:s20], $0x800  }
0x3c: {  	[sflag:s20] =	ssyncset.done $0x0  }
0x3d: {  	[sflag:s20] =	ssyncadd.s32 $0xFFFFF800  }
0x3e: {  	_ =	swait.ge [sflag:s20], $0x800  }
0x3f: {  	[sflag:s20] =	ssyncset.done $0x0  }
0x40: {  	[sflag:s20] =	ssyncadd.s32 $0xFFFFF800  }
0x41: {  	[spmem:s2] =	stream.indirect.scatter.add.f32 [tilespmem:s16], [sflag:$0x1], $0x10, s11, s15, $0xb8;
	[tilespmem:$0x1D000] =	vst v63  }
0x42: {  	s7 =	rddreg [dreg:$0x6]  }
0x43: {  	[spmem:s2] =	stream.indirect.scatter.add.f32 [tilespmem:s17], [sflag:$0x1], $0x10, s7, s15, $0xb8;
	[tilespmem:$0x1D000] =	vst v63  }
0x44: {  	s8 =	rddreg [dreg:$0x7]  }
0x45: {  	[spmem:s2] =	stream.indirect.scatter.add.f32 [tilespmem:s18], [sflag:$0x1], $0x10, s8, s15, $0xb8;
	[tilespmem:$0x1D000] =	vst v63  }
0x46: {  	s9 =	rddreg [dreg:$0x8]  }
0x47: {  	[spmem:s2] =	stream.indirect.scatter.add.f32 [tilespmem:s19], [sflag:$0x1], $0x10, s9, s15, $0xb8;
	[tilespmem:$0x1D000] =	vst v63  }
0x48: {  	_ =	swait.ge [sflag:s21], $0x200  }
0x49: {  	[sflag:s21] =	ssyncset.done $0x0  }
0x4a: {  	[sflag:s21] =	ssyncadd.s32 $0xFFFFFE00  }
0x4b: {  	[tilespmem:s22], [sflag:$0x4] =	stream.indirect.gather [hbm4b:s6+s15], $0x10, s12, s15, $0xb8;
	[tilespmem:$0x1D000] =	vst v63  }
0x4c: {  	_ = 	snop  }
0x4d: {  	[tilespmem:s24], [sflag:$0x4] =	stream.indirect.gather [hbm4b:s6+s15], $0x10, s23, s15, $0xb8;
	[tilespmem:$0x1D000] =	vst v63  }
0x4e: {  	_ = 	snop  }
0x4f: {  	[tilespmem:s26], [sflag:$0x4] =	stream.indirect.gather [hbm4b:s6+s15], $0x10, s25, s15, $0xb8;
	[tilespmem:$0x1D000] =	vst v63  }
0x50: {  	_ = 	snop  }
0x51: {  	[tilespmem:s29], [sflag:$0x4] =	stream.indirect.gather [hbm4b:s6+s15], $0x10, s28, s15, $0xb8;
	[tilespmem:$0x1D000] =	vst v63  }
0x52: {  	_ =	swait.ge [sflag:s21], $0x200  }
0x53: {  	[sflag:s21] =	ssyncset.done $0x0  }
0x54: {  	[sflag:s21] =	ssyncadd.s32 $0xFFFFFE00  }
0x55: {  	_ =	swait.ge [sflag:s30], $0x800  }
0x56: {  	[sflag:s30] =	ssyncset.done $0x0  }
0x57: {  	[sflag:s30] =	ssyncadd.s32 $0xFFFFF800  }
0x58: {  	_ =	swait.ge [sflag:s30], $0x800  }
0x59: {  	[sflag:s30] =	ssyncset.done $0x0  }
0x5a: {  	[sflag:s30] =	ssyncadd.s32 $0xFFFFF800  }
0x5b: {  	_ =	swait.ge [sflag:s30], $0x800  }
0x5c: {  	[sflag:s30] =	ssyncset.done $0x0  }
0x5d: {  	[sflag:s30] =	ssyncadd.s32 $0xFFFFF800  }
0x5e: {  	_ =	swait.ge [sflag:s30], $0x800  }
0x5f: {  	[sflag:s30] =	ssyncset.done $0x0  }
0x60: {  	[sflag:s30] =	ssyncadd.s32 $0xFFFFF800  }
0x61: {  	_ =	swait.ge [sflag:s14], $0x800  }
0x62: {  	[sflag:s14] =	ssyncset.done $0x0  }
0x63: {  	[sflag:s14] =	ssyncadd.s32 $0xFFFFF800  }
0x64: {  	_ =	swait.ge [sflag:s14], $0x800  }
0x65: {  	[sflag:s14] =	ssyncset.done $0x0  }
0x66: {  	[sflag:s14] =	ssyncadd.s32 $0xFFFFF800  }
0x67: {  	_ =	swait.ge [sflag:s14], $0x800  }
0x68: {  	[sflag:s14] =	ssyncset.done $0x0  }
0x69: {  	[sflag:s14] =	ssyncadd.s32 $0xFFFFF800  }
0x6a: {  	_ =	swait.ge [sflag:s14], $0x800  }
0x6b: {  	[sflag:s14] =	ssyncset.done $0x0  }
0x6c: {  	[sflag:s14] =	ssyncadd.s32 $0xFFFFF800  }
0x6d: {  	[spmem:s2] =	stream.indirect.scatter.add.f32 [tilespmem:s22], [sflag:$0x2], $0x10, s13, s15, $0xb8;
	[tilespmem:$0x1D000] =	vst v63  }
0x6e: {  	_ = 	snop  }
0x6f: {  	[spmem:s2] =	stream.indirect.scatter.add.f32 [tilespmem:s24], [sflag:$0x2], $0x10, s31, s15, $0xb8;
	[tilespmem:$0x1D000] =	vst v63  }
0x70: {  	_ = 	snop  }
0x71: {  	[spmem:s2] =	stream.indirect.scatter.add.f32 [tilespmem:s26], [sflag:$0x2], $0x10, s1, s15, $0xb8;
	[tilespmem:$0x1D000] =	vst v63  }
0x72: {  	_ = 	snop  }
0x73: {  	[spmem:s2] =	stream.indirect.scatter.add.f32 [tilespmem:s29], [sflag:$0x2], $0x10, s0, s15, $0xb8;
	[tilespmem:$0x1D000] =	vst v63  }
0x74: {  	_ =	swait.ge [sflag:s21], $0x800  }
0x75: {  	[sflag:s21] =	ssyncset.done $0x0  }
0x76: {  	[sflag:s21] =	ssyncadd.s32 $0xFFFFF800  }
0x77: {  	_ =	swait.ge [sflag:s21], $0x800  }
0x78: {  	[sflag:s21] =	ssyncset.done $0x0  }
0x79: {  	[sflag:s21] =	ssyncadd.s32 $0xFFFFF800  }
0x7a: {  	_ =	swait.ge [sflag:s21], $0x800  }
0x7b: {  	[sflag:s21] =	ssyncset.done $0x0  }
0x7c: {  	[sflag:s21] =	ssyncadd.s32 $0xFFFFF800  }
0x7d: {  	s7 =	simm.s32 $0x80;
	_ =	swait.ge [sflag:s21], $0x800  }
0x7e: {  	s8 =	simm.s32 $0x100;
	s5 =	rddreg [dreg:$0x3];
	[sflag:s21] =	ssyncset.done $0x0  }
.LBB2_2:
0x7f: {  	[sflag:s21] =	ssyncadd.s32 $0xFFFFF800;
	s9 =	smov.u32 s8;
	s5 =	sadd.s32 s7, s5  }
0x80: {  	[tilespmem:s3], [sflag:$0x1] =	stream.linear.gather [hbm4b:s5+s3], $0x200, $0x38;
	[tilespmem:$0x1D000] =	vst v63  }
0x81: {  	s7 =	smov.u32 s9;
	s9 =	sadd.s32 $0x31000, s5  }
0x82: {  	[tilespmem:s11], [sflag:$0x1] =	stream.linear.gather [hbm4b:s9+s3], $0x200, $0x38;
	[tilespmem:$0x1D000] =	vst v63  }
0x83: {  	s9 =	sadd.s32 $0x40, s5  }
0x84: {  	[tilespmem:s12], [sflag:$0x2] =	stream.linear.gather [hbm4b:s9+s3], $0x200, $0x38;
	[tilespmem:$0x1D000] =	vst v63  }
0x85: {  	s5 =	sadd.s32 $0x31040, s5  }
0x86: {  	[tilespmem:s13], [sflag:$0x2] =	stream.linear.gather [hbm4b:s5+s3], $0x200, $0x38;
	[tilespmem:$0x1D000] =	vst v63  }
0x87: {  	_ =	swait.ge [sflag:s14], $0x200  }
0x88: {  	[sflag:s14] =	ssyncset.done $0x0  }
0x89: {  	[sflag:s14] =	ssyncadd.s32 $0xFFFFFE00  }
0x8a: {  	[tilespmem:s16], [sflag:$0x3] =	stream.indirect.gather [hbm4b:s6+s15], $0x10, s3, s15, $0xb8;
	[tilespmem:$0x1D000] =	vst v63  }
0x8b: {  	_ = 	snop  }
0x8c: {  	[tilespmem:s17], [sflag:$0x3] =	stream.indirect.gather [hbm4b:s6+s15], $0x10, s15, s15, $0xb8;
	[tilespmem:$0x1D000] =	vst v63  }
0x8d: {  	s5 =	rddreg [dreg:$0x4]  }
0x8e: {  	[tilespmem:s18], [sflag:$0x3] =	stream.indirect.gather [hbm4b:s6+s15], $0x10, s5, s15, $0xb8;
	[tilespmem:$0x1D000] =	vst v63  }
0x8f: {  	s9 =	rddreg [dreg:$0x5]  }
0x90: {  	[tilespmem:s19], [sflag:$0x3] =	stream.indirect.gather [hbm4b:s6+s15], $0x10, s9, s15, $0xb8;
	[tilespmem:$0x1D000] =	vst v63  }
0x91: {  	_ =	swait.ge [sflag:s14], $0x200  }
0x92: {  	[sflag:s14] =	ssyncset.done $0x0  }
0x93: {  	[sflag:s14] =	ssyncadd.s32 $0xFFFFFE00  }
0x94: {  	_ =	swait.ge [sflag:s20], $0x800  }
0x95: {  	[sflag:s20] =	ssyncset.done $0x0  }
0x96: {  	[sflag:s20] =	ssyncadd.s32 $0xFFFFF800  }
0x97: {  	_ =	swait.ge [sflag:s20], $0x800  }
0x98: {  	[sflag:s20] =	ssyncset.done $0x0  }
0x99: {  	[sflag:s20] =	ssyncadd.s32 $0xFFFFF800  }
0x9a: {  	_ =	swait.ge [sflag:s20], $0x800  }
0x9b: {  	[sflag:s20] =	ssyncset.done $0x0  }
0x9c: {  	[sflag:s20] =	ssyncadd.s32 $0xFFFFF800  }
0x9d: {  	_ =	swait.ge [sflag:s20], $0x800  }
0x9e: {  	[sflag:s20] =	ssyncset.done $0x0  }
0x9f: {  	[sflag:s20] =	ssyncadd.s32 $0xFFFFF800  }
0xa0: {  	[spmem:s2] =	stream.indirect.scatter.add.f32 [tilespmem:s16], [sflag:$0x1], $0x10, s11, s15, $0xb8;
	[tilespmem:$0x1D000] =	vst v63  }
0xa1: {  	s5 =	rddreg [dreg:$0x6]  }
0xa2: {  	[spmem:s2] =	stream.indirect.scatter.add.f32 [tilespmem:s17], [sflag:$0x1], $0x10, s5, s15, $0xb8;
	[tilespmem:$0x1D000] =	vst v63  }
0xa3: {  	s9 =	rddreg [dreg:$0x7]  }
0xa4: {  	[spmem:s2] =	stream.indirect.scatter.add.f32 [tilespmem:s18], [sflag:$0x1], $0x10, s9, s15, $0xb8;
	[tilespmem:$0x1D000] =	vst v63  }
0xa5: {  	s5 =	rddreg [dreg:$0x8]  }
0xa6: {  	[spmem:s2] =	stream.indirect.scatter.add.f32 [tilespmem:s19], [sflag:$0x1], $0x10, s5, s15, $0xb8;
	[tilespmem:$0x1D000] =	vst v63  }
0xa7: {  	_ =	swait.ge [sflag:s21], $0x200  }
0xa8: {  	[sflag:s21] =	ssyncset.done $0x0  }
0xa9: {  	[sflag:s21] =	ssyncadd.s32 $0xFFFFFE00  }
0xaa: {  	[tilespmem:s22], [sflag:$0x4] =	stream.indirect.gather [hbm4b:s6+s15], $0x10, s12, s15, $0xb8;
	[tilespmem:$0x1D000] =	vst v63  }
0xab: {  	_ = 	snop  }
0xac: {  	[tilespmem:s24], [sflag:$0x4] =	stream.indirect.gather [hbm4b:s6+s15], $0x10, s23, s15, $0xb8;
	[tilespmem:$0x1D000] =	vst v63  }
0xad: {  	_ = 	snop  }
0xae: {  	[tilespmem:s26], [sflag:$0x4] =	stream.indirect.gather [hbm4b:s6+s15], $0x10, s25, s15, $0xb8;
	[tilespmem:$0x1D000] =	vst v63  }
0xaf: {  	_ = 	snop  }
0xb0: {  	[tilespmem:s29], [sflag:$0x4] =	stream.indirect.gather [hbm4b:s6+s15], $0x10, s28, s15, $0xb8;
	[tilespmem:$0x1D000] =	vst v63  }
0xb1: {  	_ =	swait.ge [sflag:s21], $0x200  }
0xb2: {  	[sflag:s21] =	ssyncset.done $0x0  }
0xb3: {  	[sflag:s21] =	ssyncadd.s32 $0xFFFFFE00  }
0xb4: {  	_ =	swait.ge [sflag:s30], $0x800  }
0xb5: {  	[sflag:s30] =	ssyncset.done $0x0  }
0xb6: {  	[sflag:s30] =	ssyncadd.s32 $0xFFFFF800  }
0xb7: {  	_ =	swait.ge [sflag:s30], $0x800  }
0xb8: {  	[sflag:s30] =	ssyncset.done $0x0  }
0xb9: {  	[sflag:s30] =	ssyncadd.s32 $0xFFFFF800  }
0xba: {  	_ =	swait.ge [sflag:s30], $0x800  }
0xbb: {  	[sflag:s30] =	ssyncset.done $0x0  }
0xbc: {  	[sflag:s30] =	ssyncadd.s32 $0xFFFFF800  }
0xbd: {  	_ =	swait.ge [sflag:s30], $0x800  }
0xbe: {  	[sflag:s30] =	ssyncset.done $0x0  }
0xbf: {  	[sflag:s30] =	ssyncadd.s32 $0xFFFFF800  }
0xc0: {  	_ =	swait.ge [sflag:s14], $0x800  }
0xc1: {  	[sflag:s14] =	ssyncset.done $0x0  }
0xc2: {  	[sflag:s14] =	ssyncadd.s32 $0xFFFFF800  }
0xc3: {  	_ =	swait.ge [sflag:s14], $0x800  }
0xc4: {  	[sflag:s14] =	ssyncset.done $0x0  }
0xc5: {  	[sflag:s14] =	ssyncadd.s32 $0xFFFFF800  }
0xc6: {  	_ =	swait.ge [sflag:s14], $0x800  }
0xc7: {  	[sflag:s14] =	ssyncset.done $0x0  }
0xc8: {  	[sflag:s14] =	ssyncadd.s32 $0xFFFFF800  }
0xc9: {  	_ =	swait.ge [sflag:s14], $0x800  }
0xca: {  	[sflag:s14] =	ssyncset.done $0x0  }
0xcb: {  	[sflag:s14] =	ssyncadd.s32 $0xFFFFF800  }
0xcc: {  	[spmem:s2] =	stream.indirect.scatter.add.f32 [tilespmem:s22], [sflag:$0x2], $0x10, s13, s15, $0xb8;
	[tilespmem:$0x1D000] =	vst v63  }
0xcd: {  	_ = 	snop  }
0xce: {  	[spmem:s2] =	stream.indirect.scatter.add.f32 [tilespmem:s24], [sflag:$0x2], $0x10, s31, s15, $0xb8;
	[tilespmem:$0x1D000] =	vst v63  }
0xcf: {  	_ = 	snop  }
0xd0: {  	[spmem:s2] =	stream.indirect.scatter.add.f32 [tilespmem:s26], [sflag:$0x2], $0x10, s1, s15, $0xb8;
	[tilespmem:$0x1D000] =	vst v63  }
0xd1: {  	_ = 	snop  }
0xd2: {  	[spmem:s2] =	stream.indirect.scatter.add.f32 [tilespmem:s29], [sflag:$0x2], $0x10, s0, s15, $0xb8;
	[tilespmem:$0x1D000] =	vst v63  }
0xd3: {  	_ =	swait.ge [sflag:s21], $0x800  }
0xd4: {  	[sflag:s21] =	ssyncset.done $0x0  }
0xd5: {  	[sflag:s21] =	ssyncadd.s32 $0xFFFFF800  }
0xd6: {  	_ =	swait.ge [sflag:s21], $0x800  }
0xd7: {  	[sflag:s21] =	ssyncset.done $0x0  }
0xd8: {  	p0 =	sne.s32 s8, $0x3080;
	[sflag:s21] =	ssyncadd.s32 $0xFFFFF800  }
.Ltmp0:
0xd9: {  	_ =	swait.ge [sflag:s21], $0x800;
	(pc) =	sbr.rel @p0 .LBB2_2-.Ltmp0, $4  }
0xda: {  	[sflag:s21] =	ssyncset.done $0x0  }
0xdb: {  	[sflag:s21] =	ssyncadd.s32 $0xFFFFF800  }
0xdc: {  	_ =	swait.ge [sflag:s21], $0x800  }
0xdd: {  	s8 =	sadd.s32 $0x80, s8;
	s5 =	rddreg [dreg:$0x3];
	[sflag:s21] =	ssyncset.done $0x0  }
0xde: {  	[sflag:s21] =	ssyncadd.s32 $0xFFFFF800;
	s5 =	sadd.s32 s7, s5  }
0xdf: {  	[tilespmem:s3], [sflag:$0x1] =	stream.linear.gather [hbm4b:s5+s3], $0x200, $0x38;
	[tilespmem:$0x1D000] =	vst v63  }
0xe0: {  	s7 =	sadd.s32 $0x31000, s5  }
0xe1: {  	[tilespmem:s11], [sflag:$0x1] =	stream.linear.gather [hbm4b:s7+s3], $0x200, $0x38;
	[tilespmem:$0x1D000] =	vst v63  }
0xe2: {  	s9 =	sadd.s32 $0x40, s5  }
0xe3: {  	[tilespmem:s12], [sflag:$0x2] =	stream.linear.gather [hbm4b:s9+s3], $0x200, $0x38;
	[tilespmem:$0x1D000] =	vst v63  }
0xe4: {  	s5 =	sadd.s32 $0x31040, s5  }
0xe5: {  	[tilespmem:s13], [sflag:$0x2] =	stream.linear.gather [hbm4b:s5+s3], $0x200, $0x38;
	[tilespmem:$0x1D000] =	vst v63  }
0xe6: {  	_ =	swait.ge [sflag:s14], $0x200  }
0xe7: {  	[sflag:s14] =	ssyncset.done $0x0  }
0xe8: {  	[sflag:s14] =	ssyncadd.s32 $0xFFFFFE00  }
0xe9: {  	[tilespmem:s16], [sflag:$0x3] =	stream.indirect.gather [hbm4b:s6+s15], $0x10, s3, s15, $0xb8;
	[tilespmem:$0x1D000] =	vst v63  }
0xea: {  	_ = 	snop  }
0xeb: {  	[tilespmem:s17], [sflag:$0x3] =	stream.indirect.gather [hbm4b:s6+s15], $0x10, s15, s15, $0xb8;
	[tilespmem:$0x1D000] =	vst v63  }
0xec: {  	s8 =	rddreg [dreg:$0x4]  }
0xed: {  	[tilespmem:s18], [sflag:$0x3] =	stream.indirect.gather [hbm4b:s6+s15], $0x10, s8, s15, $0xb8;
	[tilespmem:$0x1D000] =	vst v63  }
0xee: {  	s9 =	rddreg [dreg:$0x5]  }
0xef: {  	[tilespmem:s19], [sflag:$0x3] =	stream.indirect.gather [hbm4b:s6+s15], $0x10, s9, s15, $0xb8;
	[tilespmem:$0x1D000] =	vst v63  }
0xf0: {  	_ =	swait.ge [sflag:s14], $0x200  }
0xf1: {  	[sflag:s14] =	ssyncset.done $0x0  }
0xf2: {  	[sflag:s14] =	ssyncadd.s32 $0xFFFFFE00  }
0xf3: {  	_ =	swait.ge [sflag:s20], $0x800  }
0xf4: {  	[sflag:s20] =	ssyncset.done $0x0  }
0xf5: {  	[sflag:s20] =	ssyncadd.s32 $0xFFFFF800  }
0xf6: {  	_ =	swait.ge [sflag:s20], $0x800  }
0xf7: {  	[sflag:s20] =	ssyncset.done $0x0  }
0xf8: {  	[sflag:s20] =	ssyncadd.s32 $0xFFFFF800  }
0xf9: {  	_ =	swait.ge [sflag:s20], $0x800  }
0xfa: {  	[sflag:s20] =	ssyncset.done $0x0  }
0xfb: {  	[sflag:s20] =	ssyncadd.s32 $0xFFFFF800  }
0xfc: {  	_ =	swait.ge [sflag:s20], $0x800  }
0xfd: {  	[sflag:s20] =	ssyncset.done $0x0  }
0xfe: {  	[sflag:s20] =	ssyncadd.s32 $0xFFFFF800  }
0xff: {  	[spmem:s2] =	stream.indirect.scatter.add.f32 [tilespmem:s16], [sflag:$0x1], $0x10, s11, s15, $0xb8;
	[tilespmem:$0x1D000] =	vst v63  }
0x100: {  	s8 =	rddreg [dreg:$0x6]  }
0x101: {  	[spmem:s2] =	stream.indirect.scatter.add.f32 [tilespmem:s17], [sflag:$0x1], $0x10, s8, s15, $0xb8;
	[tilespmem:$0x1D000] =	vst v63  }
0x102: {  	s9 =	rddreg [dreg:$0x7]  }
0x103: {  	[spmem:s2] =	stream.indirect.scatter.add.f32 [tilespmem:s18], [sflag:$0x1], $0x10, s9, s15, $0xb8;
	[tilespmem:$0x1D000] =	vst v63  }
0x104: {  	s8 =	rddreg [dreg:$0x8]  }
0x105: {  	[spmem:s2] =	stream.indirect.scatter.add.f32 [tilespmem:s19], [sflag:$0x1], $0x10, s8, s15, $0xb8;
	[tilespmem:$0x1D000] =	vst v63  }
0x106: {  	_ =	swait.ge [sflag:s21], $0x200  }
0x107: {  	[sflag:s21] =	ssyncset.done $0x0  }
0x108: {  	[sflag:s21] =	ssyncadd.s32 $0xFFFFFE00  }
0x109: {  	[tilespmem:s22], [sflag:$0x4] =	stream.indirect.gather [hbm4b:s6+s15], $0x10, s12, s15, $0xb8;
	[tilespmem:$0x1D000] =	vst v63  }
0x10a: {  	_ = 	snop  }
0x10b: {  	[tilespmem:s24], [sflag:$0x4] =	stream.indirect.gather [hbm4b:s6+s15], $0x10, s23, s15, $0xb8;
	[tilespmem:$0x1D000] =	vst v63  }
0x10c: {  	_ = 	snop  }
0x10d: {  	[tilespmem:s26], [sflag:$0x4] =	stream.indirect.gather [hbm4b:s6+s15], $0x10, s25, s15, $0xb8;
	[tilespmem:$0x1D000] =	vst v63  }
0x10e: {  	_ = 	snop  }
0x10f: {  	[tilespmem:s29], [sflag:$0x4] =	stream.indirect.gather [hbm4b:s6+s15], $0x10, s28, s15, $0xb8;
	[tilespmem:$0x1D000] =	vst v63  }
0x110: {  	_ =	swait.ge [sflag:s21], $0x200  }
0x111: {  	[sflag:s21] =	ssyncset.done $0x0  }
0x112: {  	[sflag:s21] =	ssyncadd.s32 $0xFFFFFE00  }
0x113: {  	_ =	swait.ge [sflag:s30], $0x800  }
0x114: {  	[sflag:s30] =	ssyncset.done $0x0  }
0x115: {  	[sflag:s30] =	ssyncadd.s32 $0xFFFFF800  }
0x116: {  	_ =	swait.ge [sflag:s30], $0x800  }
0x117: {  	[sflag:s30] =	ssyncset.done $0x0  }
0x118: {  	[sflag:s30] =	ssyncadd.s32 $0xFFFFF800  }
0x119: {  	_ =	swait.ge [sflag:s30], $0x800  }
0x11a: {  	[sflag:s30] =	ssyncset.done $0x0  }
0x11b: {  	[sflag:s30] =	ssyncadd.s32 $0xFFFFF800  }
0x11c: {  	_ =	swait.ge [sflag:s30], $0x800  }
0x11d: {  	[sflag:s30] =	ssyncset.done $0x0  }
0x11e: {  	[sflag:s30] =	ssyncadd.s32 $0xFFFFF800  }
0x11f: {  	_ =	swait.ge [sflag:s14], $0x800  }
0x120: {  	[sflag:s14] =	ssyncset.done $0x0  }
0x121: {  	[sflag:s14] =	ssyncadd.s32 $0xFFFFF800  }
0x122: {  	_ =	swait.ge [sflag:s14], $0x800  }
0x123: {  	[sflag:s14] =	ssyncset.done $0x0  }
0x124: {  	[sflag:s14] =	ssyncadd.s32 $0xFFFFF800  }
0x125: {  	_ =	swait.ge [sflag:s14], $0x800  }
0x126: {  	[sflag:s14] =	ssyncset.done $0x0  }
0x127: {  	[sflag:s14] =	ssyncadd.s32 $0xFFFFF800  }
0x128: {  	_ =	swait.ge [sflag:s14], $0x800  }
0x129: {  	[sflag:s14] =	ssyncset.done $0x0  }
0x12a: {  	[sflag:s14] =	ssyncadd.s32 $0xFFFFF800  }
0x12b: {  	[spmem:s2] =	stream.indirect.scatter.add.f32 [tilespmem:s22], [sflag:$0x2], $0x10, s13, s15, $0xb8;
	[tilespmem:$0x1D000] =	vst v63  }
0x12c: {  	_ = 	snop  }
0x12d: {  	[spmem:s2] =	stream.indirect.scatter.add.f32 [tilespmem:s24], [sflag:$0x2], $0x10, s31, s15, $0xb8;
	[tilespmem:$0x1D000] =	vst v63  }
0x12e: {  	_ = 	snop  }
0x12f: {  	[spmem:s2] =	stream.indirect.scatter.add.f32 [tilespmem:s26], [sflag:$0x2], $0x10, s1, s15, $0xb8;
	[tilespmem:$0x1D000] =	vst v63  }
0x130: {  	_ = 	snop  }
0x131: {  	[spmem:s2] =	stream.indirect.scatter.add.f32 [tilespmem:s29], [sflag:$0x2], $0x10, s0, s15, $0xb8;
	[tilespmem:$0x1D000] =	vst v63  }
0x132: {  	_ =	swait.ge [sflag:s21], $0x800  }
0x133: {  	[sflag:s21] =	ssyncset.done $0x0  }
0x134: {  	[sflag:s21] =	ssyncadd.s32 $0xFFFFF800  }
0x135: {  	_ =	swait.ge [sflag:s21], $0x800  }
0x136: {  	[sflag:s21] =	ssyncset.done $0x0  }
0x137: {  	[sflag:s21] =	ssyncadd.s32 $0xFFFFF800  }
0x138: {  	_ =	swait.ge [sflag:s21], $0x800  }
0x139: {  	[sflag:s21] =	ssyncset.done $0x0  }
0x13a: {  	[sflag:s21] =	ssyncadd.s32 $0xFFFFF800  }
0x13b: {  	_ =	swait.ge [sflag:s21], $0x800  }
0x13c: {  	[sflag:s21] =	ssyncset.done $0x0  }
0x13d: {  	[sflag:s21] =	ssyncadd.s32 $0xFFFFF800  }
0x13e: {  	[bflag:$0x0] =	sbarrier.arrive $0xFFFF  }
0x13f: {  	s8 =	rddreg [dreg:$0xa]  }
0x140: {  	s9 =	rddreg [dreg:$0xb]  }
0x141: {  	s7 =	rddreg [dreg:$0xd]  }
0x142: {  	[hbm:s9], [sflag:s8] =	dma.local [spmem:s7], $0x3100  }
0x143: {  	_ =	swait.ge [sflag:s10], $0x3100  }
0x144: {  	s4 =	sadd.s32 $0x1, s4;
	s9 =	rddreg [dreg:$0xc]  }
0x145: {  	p0 =	sne.s32 s4, s9  }
.Ltmp1:
0x146: {  	_ = 	snop;
	(pc) =	sbr.rel @p0 .LBB2_1-.Ltmp1, $3  }
0x147: {  	_ =	sdelay $0x1  }
0x148: {  	[sflag:s10] =	ssyncset.done $0x0  }
0x149: {  	[sflag:s10] =	ssyncadd.s32 $0xFFFFCF00  }
0x14a: {  	_ =	sfence.sel $0x180000  }
0x14b: {  	[bflag:$0x0] =	sbarrier.arrive $0xFFFF  }
0x14c: {  	_ =	strace $0x9000004D  }
0x14d: {  	s0 =	stileid.u32;
	[bflag:$0x2] =	sbarrier.arrive $0xFFFF  }
0x14e: {  	p0 =	sne.s32 s0, $0x0;
	s0 =	rddreg [dreg:$0x2]  }
0x14f: {  	s0 =	sadd.s32 @!p0 $0x100000, s0  }
0x150: {  	[sflag:s0] =	ssyncadd.tile.s32 @!p0 $0x1;
	_ =	shalt  }
.Lfunc_end2:
_tile_overlayer_lowered:
.L_overlay_start_2:
0x151: {  	(tag) =	ssettag $0x2  }
0x152: {  	s0 =	rddreg [dreg:$0x0];
	s2 =	stileid.u32  }
0x153: {  	s1 =	rddreg [dreg:$0x1];
	p0 =	sne.s32 s2, $0x0  }
0x154: {  	s3 =	rddreg [dreg:$0x2];
	[bflag:$0x3] =	sbarrier.arrive $0xFFFF;
	s2 =	simm.s32 @!p0 $0x1C05  }
0x155: {  	[timem:s3], [sflag:s2] =	dma.local @!p0 [hbm:s0], s1  }
0x156: {  	s0 =	simm.s32 @!p0 $0x5  }
0x157: {  	_ =	swait.ge @!p0 [sflag:s0], s1  }
0x158: {  	s1 =	ssub.s32 @!p0 $0x0, s1;
	[sflag:s0] =	ssyncset.done @!p0 $0x0  }
0x159: {  	[sflag:s0] =	ssyncadd.s32 @!p0 s1  }
0x15a: {  	[bflag:$0x3] =	sbarrier.arrive $0xFFFF  }
0x15b: {  	_ =	shalt  }

// kernel: kernel.8.cloned.1.call-start
scs
__scs_entry_jumppad:
0x0: {  	(pc) =	sbr.rel $0x88, $3  }
0x1: {  	(tag) =	ssettag $0x0;
	lr =	simm.s32 $0x1  }
0x2: {  	[smem:$0x3F8D] =	sst lr;
	_ =	strace $0xD0000000  }
0x3: {  	_ = 	snop  }
0x4: {  	_ = 	snop  }
0x5: {  	_ = 	snop  }
0x6: {  	_ = 	snop  }
0x7: {  	_ = 	snop  }
__scs_overlays_trampoline_lowered:
0x8: {  	[smem:$0x3F9C] =	sst s0  }
0x9: {  	[smem:$0x3F9D] =	sst s1  }
0xa: {  	[smem:$0x3F9E] =	sst s2  }
0xb: {  	[smem:$0x3F9F] =	sst s3  }
0xc: {  	[smem:$0x3FA0] =	sst s4  }
0xd: {  	[smem:$0x3FA1] =	sst s5  }
0xe: {  	[smem:$0x3FA2] =	sst s6  }
0xf: {  	[smem:$0x3FA3] =	sst s7  }
0x10: {  	[smem:$0x3FA4] =	sst s8  }
0x11: {  	[smem:$0x3FA5] =	sst s9;
	s0 =	simm.s32 @!p0 $0x0  }
0x12: {  	s1 =	sld [smem:$0x3F8B];
	s0 =	simm.s32 @p0 $0x1  }
0x13: {  	[smem:$0x3FA6] =	sst s0;
	s0 =	simm.s32 @!p1 $0x0  }
0x14: {  	s2 =	sld [smem:$0x3F8A];
	s0 =	simm.s32 @p1 $0x1  }
0x15: {  	[smem:$0x3FA7] =	sst s0;
	s0 =	simm.s32 @!p2 $0x0  }
0x16: {  	s3 =	sld [smem:$0x3FDB];
	s0 =	simm.s32 @p2 $0x1  }
0x17: {  	s4 =	simm.s32 $0x1BF5;
	[smem:$0x3FA9] =	sst s0  }
0x18: {  	s0 =	sld [smem:$0x3F8C];
	_ =	swait.ge [sflag:s4], $0x0  }
0x19: {  	s7 =	sld [smem:$0x3F8D]  }
0x1a: {  	s8 =	sadd.s32 $0xFFFFE003, lr  }
0x1b: {  	s9 =	sadd.s32 $0xFFFFFEF7, lr;
	s5 =	simm.s32 $0xFFFFFFFF;
	p2 =	slt.u32 s8, $0xFFFFF086  }
0x1c: {  	p1 =	slt.u32 s9, $0xF7A;
	s5 =	simm.s32 @!p2 $0x0  }
0x1d: {  	s5 =	simm.s32 @p1 $0x1;
	p0 =	seq.s32 s7, s2  }
0x1e: {  	s7 =	smul.u32 @!p0 $0xF7A, s2;
	p2 =	seq.s32 @!p0 s5, $0x0  }
0x1f: {  	s9 =	smul.u32 $0xF7A, s1;
	s8 =	simm.s32 @!p0 $0x1BF5;
	p2 =	por !p2, p0  }
0x20: {  	[sflag:s8] =	ssyncset.s32 @!p0 $0xFFFFF086;
	s6 =	sadd.s32 @!p0 s3, s7;
	s7 =	simm.s32 @!p0 $0x108  }
0x21: {  	s3 =	sadd.s32 s3, s9;
	s6 =	sadd.s32 @!p0 $0x88, s6;
	s7 =	simm.s32 @p2 $0x1082  }
0x22: {  	[simem:s7], [sflag:s8] =	dma.local @!p0 [hbm:s6], $0xF7A  }
0x23: {  	s9 =	sor.u32 $0xD0000000, s2;
	s6 =	simm.s32 $0x108;
	_ =	swait.ge @!p0 [sflag:s8], $0x0  }
0x24: {  	s3 =	sadd.s32 $0x88, s3;
	s6 =	simm.s32 @!p1 $0x1082;
	[sflag:s4] =	ssyncset.s32 $0xFFFFF086  }
0x25: {  	[simem:s6], [sflag:s4] =	dma.local [hbm:s3], $0xF7A  }
0x26: {  	[smem:$0x3F8D] =	sst s1;
	(tag) =	ssettag s2;
	_ =	strace s9  }
0x27: {  	s1 =	sld [smem:$0x3F9D]  }
0x28: {  	s2 =	sld [smem:$0x3F9E]  }
0x29: {  	s4 =	sld [smem:$0x3FA0]  }
0x2a: {  	p0 =	seq.s32 s5, $0x0;
	s5 =	sld [smem:$0x3FA1]  }
0x2b: {  	s6 =	sld [smem:$0x3FA2]  }
0x2c: {  	s7 =	sld [smem:$0x3FA3]  }
0x2d: {  	s3 =	simm.s32 $0x108;
	s8 =	sld [smem:$0x3FA4]  }
0x2e: {  	s3 =	simm.s32 @!p0 $0x1082;
	s9 =	sld [smem:$0x3FA5]  }
0x2f: {  	lr =	sadd.s32 s0, s3;
	s0 =	sld [smem:$0x3F9C]  }
0x30: {  	s3 =	sld [smem:$0x3F9F]  }
0x31: {  	[smem:$0x3FA8] =	sst s10  }
0x32: {  	s10 =	sld [smem:$0x3FA6];
	_ =	sdelay $0x3  }
0x33: {  	p0 =	seq.s32 s10, $0x1;
	s10 =	sld [smem:$0x3FA8];
	_ =	sdelay $0x3  }
0x34: {  	[smem:$0x3FA8] =	sst s10  }
0x35: {  	s10 =	sld [smem:$0x3FA7];
	_ =	sdelay $0x3  }
0x36: {  	p1 =	seq.s32 s10, $0x1;
	s10 =	sld [smem:$0x3FA8];
	_ =	sdelay $0x3  }
0x37: {  	[smem:$0x3FA8] =	sst s10  }
0x38: {  	s10 =	sld [smem:$0x3FA9]  }
0x39: {  	_ = 	snop;
	(pc) =	sbr.ind lr, $3  }
0x3a: {  	_ = 	snop  }
0x3b: {  	_ = 	snop  }
0x3c: {  	p2 =	seq.s32 s10, $0x1;
	s10 =	sld [smem:$0x3FA8]  }
0x3d: {  	_ =	shalt  }
0x3e: {  	_ =	shalt  }
0x3f: {  	_ =	shalt  }
0x40: {  	_ =	shalt  }
0x41: {  	_ =	shalt  }
0x42: {  	_ =	shalt  }
0x43: {  	_ =	shalt  }
0x44: {  	_ =	shalt  }
0x45: {  	_ =	shalt  }
0x46: {  	_ =	shalt  }
0x47: {  	_ =	shalt  }
0x48: {  	_ =	shalt  }
0x49: {  	_ =	shalt  }
0x4a: {  	_ =	shalt  }
0x4b: {  	_ =	shalt  }
0x4c: {  	_ =	shalt  }
0x4d: {  	_ =	shalt  }
0x4e: {  	_ =	shalt  }
0x4f: {  	_ =	shalt  }
0x50: {  	_ =	shalt  }
0x51: {  	_ =	shalt  }
0x52: {  	_ =	shalt  }
0x53: {  	_ =	shalt  }
0x54: {  	_ =	shalt  }
0x55: {  	_ =	shalt  }
0x56: {  	_ =	shalt  }
0x57: {  	_ =	shalt  }
0x58: {  	_ =	shalt  }
0x59: {  	_ =	shalt  }
0x5a: {  	_ =	shalt  }
0x5b: {  	_ =	shalt  }
0x5c: {  	_ =	shalt  }
0x5d: {  	_ =	shalt  }
0x5e: {  	_ =	shalt  }
0x5f: {  	_ =	shalt  }
0x60: {  	_ =	shalt  }
0x61: {  	_ =	shalt  }
0x62: {  	_ =	shalt  }
0x63: {  	_ =	shalt  }
0x64: {  	_ =	shalt  }
0x65: {  	_ =	shalt  }
0x66: {  	_ =	shalt  }
0x67: {  	_ =	shalt  }
0x68: {  	_ =	shalt  }
0x69: {  	_ =	shalt  }
0x6a: {  	_ =	shalt  }
0x6b: {  	_ =	shalt  }
0x6c: {  	_ =	shalt  }
0x6d: {  	_ =	shalt  }
0x6e: {  	_ =	shalt  }
0x6f: {  	_ =	shalt  }
0x70: {  	_ =	shalt  }
0x71: {  	_ =	shalt  }
0x72: {  	_ =	shalt  }
0x73: {  	_ =	shalt  }
0x74: {  	_ =	shalt  }
0x75: {  	_ =	shalt  }
0x76: {  	_ =	shalt  }
0x77: {  	_ =	shalt  }
0x78: {  	_ =	shalt  }
0x79: {  	_ =	shalt  }
0x7a: {  	_ =	shalt  }
0x7b: {  	_ =	shalt  }
0x7c: {  	_ =	shalt  }
0x7d: {  	_ =	shalt  }
0x7e: {  	_ =	shalt  }
0x7f: {  	_ =	shalt  }
0x80: {  	_ =	shalt  }
0x81: {  	_ =	shalt  }
0x82: {  	_ =	shalt  }
0x83: {  	_ =	shalt  }
0x84: {  	_ =	shalt  }
0x85: {  	_ =	shalt  }
0x86: {  	_ =	shalt  }
0x87: {  	_ =	shalt  }
.Lfunc_end0:
.L_simem_size_0:
called_computation_lowered:
.L_overlay_start_0:
0x88: {  	s2 =	sld [smem:$0x3FD9]  }
0x89: {  	s3 =	sld [smem:$0x3FFE];
	_ =	sdelay $0x1  }
0x8a: {  	s1 =	srdreg.scid  }
0x8b: {  	s0 =	sand.u32 $0x1, s1  }
0x8c: {  	s17 =	sshll.u32 s0, $0xA;
	s2 =	sadd.s32 s3, s2  }
0x8d: {  	s2 =	sadd.s32 s2, s17  }
0x8e: {  	[smem:$0x3FB4] =	sst s2  }
0x8f: {  	_ = 	snop  }
0x90: {  	s2 =	sld [smem:$0x3FD0];
	(tm) =	ssettm $0x1  }
0x91: {  	s18 =	sld [smem:$0x3FFB];
	_ =	sdelay $0x3  }
0x92: {  	_ =	strace s18  }
0x93: {  	s3 =	sld [smem:$0x3FFC];
	_ =	sdelay $0x3  }
0x94: {  	_ =	strace s3  }
0x95: {  	s3 =	sld [smem:$0x3FFD];
	_ =	sdelay $0x3  }
0x96: {  	_ =	strace s3  }
0x97: {  	_ =	strace $0x8FFFFFFF  }
0x98: {  	s19 =	sld [smem:$0x3FDB];
	_ =	sdelay $0x1  }
0x99: {  	s4 =	simm.s32 $_scs_section_size  }
0x9a: {  	s5 =	simm.s32 $_size__tile_overlayer_lowered;
	s6 =	simm.s32 $_tile_overlayer_lowered  }
0x9b: {  	s22 =	simm.s32 $0x1BFF;
	s21 =	sshll.u32 s6, $0x1;
	s3 =	sadd.s32 s4, s19  }
0x9c: {  	s7 =	simm.s32 $0x0;
	s20 =	sshll.u32 s5, $0x1;
	s5 =	sadd.s32 s21, s3  }
0x9d: {  	[timem:s7], [sflag:s22] =	dma.local [hbm:s5], s20  }
0x9e: {  	_ =	swait.ge [sflag:s22], s20  }
0x9f: {  	s4 =	ssub.s32 $0x0, s20;
	[sflag:s22] =	ssyncset.done $0x0  }
0xa0: {  	[sflag:s22] =	ssyncadd.s32 s4;
	_ =	sdelay $0x1  }
0xa1: {  	s23 =	simm.s32 $0x1B8B  }
0xa2: {  	_ =	swait.ge [sflag:s23], $0x1  }
0xa3: {  	[sflag:s23] =	ssyncset.done $0x0  }
0xa4: {  	s25 =	simm.s32 $0x1B8E;
	s24 =	sld [smem:$0x3FFE];
	[sflag:s23] =	ssyncadd.s32 $0xFFFFFFFF  }
0xa5: {  	s26 =	simm.s32 $execute0_lowered;
	[smem:$0x3FD2] =	sst s25  }
0xa6: {  	s5 =	sshll.u32 s26, $0x1;
	_ =	strace $0x80000046;
	[dreg:$0x1] =	wrdreg $0xFFFFFFFF  }
0xa7: {  	s28 =	simm.s32 $_size_execute0_lowered;
	s3 =	sadd.s32 s3, s5;
	[dreg:$0x0] =	wrdreg $0x0  }
0xa8: {  	s5 =	sshll.u32 s28, $0x1;
	[dreg:$0x2] =	wrdreg s3  }
0xa9: {  	[dreg:$0x3] =	wrdreg s5  }
0xaa: {  	[dreg:$0x4] =	wrdreg $0xC0  }
0xab: {  	_ =	task [dreg:s7], $0x5FFFF  }
0xac: {  	[dreg:$0x1] =	wrdreg $0xFFFFFFFF  }
0xad: {  	[dreg:$0x0] =	wrdreg $0x60  }
0xae: {  	[dreg:$0x2] =	wrdreg s24  }
0xaf: {  	[dreg:$0x3] =	wrdreg s2  }
0xb0: {  	[dreg:$0x4] =	wrdreg $0xC000  }
0xb1: {  	[dreg:$0x5] =	wrdreg $0x9  }
0xb2: {  	_ =	task.clear_ibuf [dreg:s7], $0x6FFFF;
	_ =	strace $0x90000046  }
0xb3: {  	s29 =	simm.s32 $0x9;
	_ =	strace $0x80000048  }
0xb4: {  	_ =	swait.ge [sflag:s29], $0x1  }
0xb5: {  	[sflag:s29] =	ssyncadd.s32 $0xFFFFFFFF  }
0xb6: {  	_ =	strace $0x90000048  }
0xb7: {  	_ =	sfence  }
0xb8: {  	s30 =	sld [smem:$0x0];
	_ =	sdelay $0x2  }
0xb9: {  	s31 =	sshll.u32 s1, $0xD;
	s1 =	sshrl.u32 s1, $0x2  }
0xba: {  	s3 =	sand.u32 $0x4000, s31;
	s1 =	sadd.s32 s1, s30  }
0xbb: {  	s0 =	sor.u32 s3, s0;
	s1 =	sshll.u32 s1, $0x11  }
0xbc: {  	s0 =	sor.u32 s1, s0  }
0xbd: {  	s0 =	sadd.s32 $0x8F2B, s0  }
0xbe: {  	[sflag:s0] =	ssyncadd.remote.s32 $0x1  }
0xbf: {  	_ =	sfence.sel $0xFFFF  }
0xc0: {  	[dreg:$0x0] =	wrdreg $0xFFFFFFFF;
	(pc) =	sbr.abs _section_cstart, $3  }
0xc1: {  	[dreg:$0x1] =	wrdreg $0xFFFFFFFF  }
0xc2: {  	_ =	task.clear_ibuf [dreg:s7], $0x2FFFF;
	_ =	strace $0x9FFFFFFF  }
0xc3: {  	(tm) =	ssettm $0x7FFFFFFF  }
tec
execute0_lowered:
.L_overlay_start_1:
0x0: {  	(tag) =	ssettag $0x1  }
0x1: {  	s5 =	rddreg [dreg:$0x0]  }
0x2: {  	s1 =	rddreg [dreg:$0x1];
	s0 =	srdreg.scid  }
0x3: {  	s3 =	rddreg [dreg:$0x2];
	s2 =	stileid.u32  }
0x4: {  	s4 =	simm.s32 $0x0;
	s14 =	simm.s32 $0x1;
	s15 =	simm.s32 $0x80  }
0x5: {  	s16 =	simm.s32 $0x100;
	s17 =	simm.s32 $0x180;
	s18 =	simm.s32 $0x2  }
0x6: {  	s19 =	simm.s32 $0x280;
	s20 =	simm.s32 $0x300;
	s8 =	smul.u32 $0x18800, s2  }
0x7: {  	s21 =	simm.s32 $0x380;
	s6 =	sand.u32 $0x1, s0;
	s12 =	smul.u32 $0x1880, s2  }
0x8: {  	s22 =	simm.s32 $0x0;
	s0 =	rddreg [dreg:$0x3];
	s7 =	smul.u32 $0x18800, s6  }
0x9: {  	[smem:$0x7FF] =	sst s4;
	s30 =	sshll.u32 s2, $0x6;
	s9 =	smul.u32 $0x188000, s6  }
0xa: {  	_ =	strace $0x80000047;
	s6 =	ssub.s32 $0x2, s6;
	s29 =	sshrl.u32 s8, $0x3  }
0xb: {  	s11 =	sshrl.u32 s6, $0x1;
	s13 =	sadd.s32 s8, s3;
	s10 =	sadd.s32 s7, s5  }
0xc: {  	s9 =	sadd.s32 s8, s9;
	s7 =	sadd.s32 s29, s5;
	s11 =	ssub.s32 s6, s11  }
0xd: {  	s6 =	sor.u32 $0x1C03, s30;
	s9 =	sshrl.u32 s9, $0x3;
	s31 =	sadd.s32 s12, s10  }
0xe: {  	s8 =	smax.u32 s11, $0x1;
	s10 =	sshrl.u32 s13, $0x3;
	s11 =	simm.s32 $0x3  }
0xf: {  	s12 =	simm.s32 $0x400;
	s13 =	simm.s32 $0x200;
	s9 =	sadd.s32 s9, s5  }
0x10: {  	s5 =	sadd.s32 $0x64C00, s7;
	s7 =	sadd.s32 $0x95C00, s9;
	s9 =	sadd.s32 $0x2C00, s31  }
.LBB2_1:
0x11: {  	[spmem:s10], [sflag:s6] =	dma.local [hbm:s5], $0x3100  }
0x12: {  	_ =	swait.ge [sflag:s11], $0x3100  }
0x13: {  	[sflag:s11] =	ssyncset.done $0x0  }
0x14: {  	[sflag:s11] =	ssyncadd.s32 $0xFFFFCF00  }
0x15: {  	[tilespmem:s12], [sflag:$0x3] =	stream.linear.gather [hbm4b:s1+s4], $0x800, $0x38;
	[tilespmem:$0x19400] =	vst v63  }
0x16: {  	_ =	swait.ge [sflag:s11], $0x800  }
0x17: {  	[sflag:s11] =	ssyncset.done $0x0  }
0x18: {  	s23 =	sadd.s32 $0xFFFFE780, s9;
	[sflag:s11] =	ssyncadd.s32 $0xFFFFF800  }
0x19: {  	s24 =	sadd.s32 $0x32880, s23;
	[bflag:$0x0] =	sbarrier.arrive $0xFFFF  }
0x1a: {  	[tilespmem:s4], [sflag:$0x1] =	stream.linear.gather [hbm4b:s24+s4], $0x200, $0x38;
	[tilespmem:$0x19400] =	vst v63  }
0x1b: {  	s23 =	sadd.s32 $0x328C0, s23  }
0x1c: {  	[tilespmem:s13], [sflag:$0x2] =	stream.linear.gather [hbm4b:s23+s4], $0x200, $0x38;
	[tilespmem:$0x19400] =	vst v63  }
0x1d: {  	_ =	swait.ge [sflag:s14], $0x200  }
0x1e: {  	[sflag:s14] =	ssyncset.done $0x0  }
0x1f: {  	[sflag:s14] =	ssyncadd.s32 $0xFFFFFE00  }
0x20: {  	[spmem:s3] =	stream.indirect.scatter.add.f32 [tilespmem:s12], [sflag:$0x1], $0x10, s4, s15, $0xb8;
	[tilespmem:$0x19400] =	vst v63  }
0x21: {  	_ = 	snop  }
0x22: {  	[spmem:s3] =	stream.indirect.scatter.add.f32 [tilespmem:s12], [sflag:$0x1], $0x10, s15, s15, $0xb8;
	[tilespmem:$0x19400] =	vst v63  }
0x23: {  	_ = 	snop  }
0x24: {  	[spmem:s3] =	stream.indirect.scatter.add.f32 [tilespmem:s12], [sflag:$0x1], $0x10, s16, s15, $0xb8;
	[tilespmem:$0x19400] =	vst v63  }
0x25: {  	_ = 	snop  }
0x26: {  	[spmem:s3] =	stream.indirect.scatter.add.f32 [tilespmem:s12], [sflag:$0x1], $0x10, s17, s15, $0xb8;
	[tilespmem:$0x19400] =	vst v63  }
0x27: {  	_ =	swait.ge [sflag:s18], $0x200  }
0x28: {  	[sflag:s18] =	ssyncset.done $0x0  }
0x29: {  	[sflag:s18] =	ssyncadd.s32 $0xFFFFFE00  }
0x2a: {  	_ =	swait.ge [sflag:s14], $0x800  }
0x2b: {  	[sflag:s14] =	ssyncset.done $0x0  }
0x2c: {  	[sflag:s14] =	ssyncadd.s32 $0xFFFFF800  }
0x2d: {  	_ =	swait.ge [sflag:s14], $0x800  }
0x2e: {  	[sflag:s14] =	ssyncset.done $0x0  }
0x2f: {  	[sflag:s14] =	ssyncadd.s32 $0xFFFFF800  }
0x30: {  	_ =	swait.ge [sflag:s14], $0x800  }
0x31: {  	[sflag:s14] =	ssyncset.done $0x0  }
0x32: {  	[sflag:s14] =	ssyncadd.s32 $0xFFFFF800  }
0x33: {  	_ =	swait.ge [sflag:s14], $0x800  }
0x34: {  	[sflag:s14] =	ssyncset.done $0x0  }
0x35: {  	[sflag:s14] =	ssyncadd.s32 $0xFFFFF800  }
0x36: {  	[spmem:s3] =	stream.indirect.scatter.add.f32 [tilespmem:s12], [sflag:$0x2], $0x10, s13, s15, $0xb8;
	[tilespmem:$0x19400] =	vst v63  }
0x37: {  	_ = 	snop  }
0x38: {  	[spmem:s3] =	stream.indirect.scatter.add.f32 [tilespmem:s12], [sflag:$0x2], $0x10, s19, s15, $0xb8;
	[tilespmem:$0x19400] =	vst v63  }
0x39: {  	_ = 	snop  }
0x3a: {  	[spmem:s3] =	stream.indirect.scatter.add.f32 [tilespmem:s12], [sflag:$0x2], $0x10, s20, s15, $0xb8;
	[tilespmem:$0x19400] =	vst v63  }
0x3b: {  	_ = 	snop  }
0x3c: {  	[spmem:s3] =	stream.indirect.scatter.add.f32 [tilespmem:s12], [sflag:$0x2], $0x10, s21, s15, $0xb8;
	[tilespmem:$0x19400] =	vst v63  }
0x3d: {  	_ =	swait.ge [sflag:s18], $0x800  }
0x3e: {  	[sflag:s18] =	ssyncset.done $0x0  }
0x3f: {  	[sflag:s18] =	ssyncadd.s32 $0xFFFFF800  }
0x40: {  	_ =	swait.ge [sflag:s18], $0x800  }
0x41: {  	[sflag:s18] =	ssyncset.done $0x0  }
0x42: {  	[sflag:s18] =	ssyncadd.s32 $0xFFFFF800  }
0x43: {  	_ =	swait.ge [sflag:s18], $0x800  }
0x44: {  	[sflag:s18] =	ssyncset.done $0x0  }
0x45: {  	[sflag:s18] =	ssyncadd.s32 $0xFFFFF800  }
0x46: {  	_ =	swait.ge [sflag:s18], $0x800  }
0x47: {  	s26 =	simm.s32 $0xFFFFE880;
	s25 =	sadd.s32 $0xFFFFE800, s9;
	[sflag:s18] =	ssyncset.done $0x0  }
.LBB2_2:
0x48: {  	s28 =	sadd.s32 $0x32880, s25  }
0x49: {  	[sflag:s18] =	ssyncadd.s32 $0xFFFFF800;
	s24 =	smov.u32 s26;
	s23 =	sadd.s32 $0x80, s26  }
0x4a: {  	[tilespmem:s4], [sflag:$0x1] =	stream.linear.gather [hbm4b:s28+s4], $0x200, $0x38;
	[tilespmem:$0x19400] =	vst v63  }
0x4b: {  	p0 =	sne.s32 s26, $0xFFFFFF80;
	s25 =	sadd.s32 $0x328C0, s25  }
0x4c: {  	[tilespmem:s13], [sflag:$0x2] =	stream.linear.gather [hbm4b:s25+s4], $0x200, $0x38;
	[tilespmem:$0x19400] =	vst v63  }
0x4d: {  	_ =	swait.ge [sflag:s14], $0x200  }
0x4e: {  	[sflag:s14] =	ssyncset.done $0x0  }
0x4f: {  	[sflag:s14] =	ssyncadd.s32 $0xFFFFFE00  }
0x50: {  	[spmem:s3] =	stream.indirect.scatter.add.f32 [tilespmem:s12], [sflag:$0x1], $0x10, s4, s15, $0xb8;
	[tilespmem:$0x19400] =	vst v63  }
0x51: {  	_ = 	snop  }
0x52: {  	[spmem:s3] =	stream.indirect.scatter.add.f32 [tilespmem:s12], [sflag:$0x1], $0x10, s15, s15, $0xb8;
	[tilespmem:$0x19400] =	vst v63  }
0x53: {  	_ = 	snop  }
0x54: {  	[spmem:s3] =	stream.indirect.scatter.add.f32 [tilespmem:s12], [sflag:$0x1], $0x10, s16, s15, $0xb8;
	[tilespmem:$0x19400] =	vst v63  }
0x55: {  	_ = 	snop  }
0x56: {  	[spmem:s3] =	stream.indirect.scatter.add.f32 [tilespmem:s12], [sflag:$0x1], $0x10, s17, s15, $0xb8;
	[tilespmem:$0x19400] =	vst v63  }
0x57: {  	_ =	swait.ge [sflag:s18], $0x200  }
0x58: {  	[sflag:s18] =	ssyncset.done $0x0  }
0x59: {  	[sflag:s18] =	ssyncadd.s32 $0xFFFFFE00  }
0x5a: {  	_ =	swait.ge [sflag:s14], $0x800  }
0x5b: {  	[sflag:s14] =	ssyncset.done $0x0  }
0x5c: {  	[sflag:s14] =	ssyncadd.s32 $0xFFFFF800  }
0x5d: {  	_ =	swait.ge [sflag:s14], $0x800  }
0x5e: {  	[sflag:s14] =	ssyncset.done $0x0  }
0x5f: {  	[sflag:s14] =	ssyncadd.s32 $0xFFFFF800  }
0x60: {  	_ =	swait.ge [sflag:s14], $0x800  }
0x61: {  	[sflag:s14] =	ssyncset.done $0x0  }
0x62: {  	[sflag:s14] =	ssyncadd.s32 $0xFFFFF800  }
0x63: {  	_ =	swait.ge [sflag:s14], $0x800  }
0x64: {  	[sflag:s14] =	ssyncset.done $0x0  }
0x65: {  	[sflag:s14] =	ssyncadd.s32 $0xFFFFF800  }
0x66: {  	[spmem:s3] =	stream.indirect.scatter.add.f32 [tilespmem:s12], [sflag:$0x2], $0x10, s13, s15, $0xb8;
	[tilespmem:$0x19400] =	vst v63  }
0x67: {  	_ = 	snop  }
0x68: {  	[spmem:s3] =	stream.indirect.scatter.add.f32 [tilespmem:s12], [sflag:$0x2], $0x10, s19, s15, $0xb8;
	[tilespmem:$0x19400] =	vst v63  }
0x69: {  	_ = 	snop  }
0x6a: {  	[spmem:s3] =	stream.indirect.scatter.add.f32 [tilespmem:s12], [sflag:$0x2], $0x10, s20, s15, $0xb8;
	[tilespmem:$0x19400] =	vst v63  }
0x6b: {  	_ = 	snop  }
0x6c: {  	[spmem:s3] =	stream.indirect.scatter.add.f32 [tilespmem:s12], [sflag:$0x2], $0x10, s21, s15, $0xb8;
	[tilespmem:$0x19400] =	vst v63  }
0x6d: {  	_ =	swait.ge [sflag:s18], $0x800  }
0x6e: {  	[sflag:s18] =	ssyncset.done $0x0  }
0x6f: {  	[sflag:s18] =	ssyncadd.s32 $0xFFFFF800  }
0x70: {  	_ =	swait.ge [sflag:s18], $0x800  }
0x71: {  	[sflag:s18] =	ssyncset.done $0x0  }
0x72: {  	[sflag:s18] =	ssyncadd.s32 $0xFFFFF800  }
.Ltmp0:
0x73: {  	_ =	swait.ge [sflag:s18], $0x800;
	(pc) =	sbr.rel @p0 .LBB2_2-.Ltmp0, $4  }
0x74: {  	[sflag:s18] =	ssyncset.done $0x0  }
0x75: {  	[sflag:s18] =	ssyncadd.s32 $0xFFFFF800  }
0x76: {  	_ =	swait.ge [sflag:s18], $0x800  }
0x77: {  	s26 =	smov.u32 s23;
	s25 =	sadd.s32 s24, s9;
	[sflag:s18] =	ssyncset.done $0x0  }
0x78: {  	s23 =	sadd.s32 $0x32880, s25;
	[sflag:s18] =	ssyncadd.s32 $0xFFFFF800  }
0x79: {  	[tilespmem:s4], [sflag:$0x1] =	stream.linear.gather [hbm4b:s23+s4], $0x200, $0x38;
	[tilespmem:$0x19400] =	vst v63  }
0x7a: {  	s31 =	sadd.s32 $0x328C0, s25  }
0x7b: {  	[tilespmem:s13], [sflag:$0x2] =	stream.linear.gather [hbm4b:s31+s4], $0x200, $0x38;
	[tilespmem:$0x19400] =	vst v63  }
0x7c: {  	_ =	swait.ge [sflag:s14], $0x200  }
0x7d: {  	[sflag:s14] =	ssyncset.done $0x0  }
0x7e: {  	[sflag:s14] =	ssyncadd.s32 $0xFFFFFE00  }
0x7f: {  	[spmem:s3] =	stream.indirect.scatter.add.f32 [tilespmem:s12], [sflag:$0x1], $0x10, s4, s15, $0xb8;
	[tilespmem:$0x19400] =	vst v63  }
0x80: {  	_ = 	snop  }
0x81: {  	[spmem:s3] =	stream.indirect.scatter.add.f32 [tilespmem:s12], [sflag:$0x1], $0x10, s15, s15, $0xb8;
	[tilespmem:$0x19400] =	vst v63  }
0x82: {  	_ = 	snop  }
0x83: {  	[spmem:s3] =	stream.indirect.scatter.add.f32 [tilespmem:s12], [sflag:$0x1], $0x10, s16, s15, $0xb8;
	[tilespmem:$0x19400] =	vst v63  }
0x84: {  	_ = 	snop  }
0x85: {  	[spmem:s3] =	stream.indirect.scatter.add.f32 [tilespmem:s12], [sflag:$0x1], $0x10, s17, s15, $0xb8;
	[tilespmem:$0x19400] =	vst v63  }
0x86: {  	_ =	swait.ge [sflag:s18], $0x200  }
0x87: {  	[sflag:s18] =	ssyncset.done $0x0  }
0x88: {  	[sflag:s18] =	ssyncadd.s32 $0xFFFFFE00  }
0x89: {  	_ =	swait.ge [sflag:s14], $0x800  }
0x8a: {  	[sflag:s14] =	ssyncset.done $0x0  }
0x8b: {  	[sflag:s14] =	ssyncadd.s32 $0xFFFFF800  }
0x8c: {  	_ =	swait.ge [sflag:s14], $0x800  }
0x8d: {  	[sflag:s14] =	ssyncset.done $0x0  }
0x8e: {  	[sflag:s14] =	ssyncadd.s32 $0xFFFFF800  }
0x8f: {  	_ =	swait.ge [sflag:s14], $0x800  }
0x90: {  	[sflag:s14] =	ssyncset.done $0x0  }
0x91: {  	[sflag:s14] =	ssyncadd.s32 $0xFFFFF800  }
0x92: {  	_ =	swait.ge [sflag:s14], $0x800  }
0x93: {  	[sflag:s14] =	ssyncset.done $0x0  }
0x94: {  	[sflag:s14] =	ssyncadd.s32 $0xFFFFF800  }
0x95: {  	[spmem:s3] =	stream.indirect.scatter.add.f32 [tilespmem:s12], [sflag:$0x2], $0x10, s13, s15, $0xb8;
	[tilespmem:$0x19400] =	vst v63  }
0x96: {  	_ = 	snop  }
0x97: {  	[spmem:s3] =	stream.indirect.scatter.add.f32 [tilespmem:s12], [sflag:$0x2], $0x10, s19, s15, $0xb8;
	[tilespmem:$0x19400] =	vst v63  }
0x98: {  	_ = 	snop  }
0x99: {  	[spmem:s3] =	stream.indirect.scatter.add.f32 [tilespmem:s12], [sflag:$0x2], $0x10, s20, s15, $0xb8;
	[tilespmem:$0x19400] =	vst v63  }
0x9a: {  	_ = 	snop  }
0x9b: {  	[spmem:s3] =	stream.indirect.scatter.add.f32 [tilespmem:s12], [sflag:$0x2], $0x10, s21, s15, $0xb8;
	[tilespmem:$0x19400] =	vst v63  }
0x9c: {  	_ =	swait.ge [sflag:s18], $0x800  }
0x9d: {  	[sflag:s18] =	ssyncset.done $0x0  }
0x9e: {  	[sflag:s18] =	ssyncadd.s32 $0xFFFFF800  }
0x9f: {  	_ =	swait.ge [sflag:s18], $0x800  }
0xa0: {  	[sflag:s18] =	ssyncset.done $0x0  }
0xa1: {  	[sflag:s18] =	ssyncadd.s32 $0xFFFFF800  }
0xa2: {  	_ =	swait.ge [sflag:s18], $0x800  }
0xa3: {  	[sflag:s18] =	ssyncset.done $0x0  }
0xa4: {  	[sflag:s18] =	ssyncadd.s32 $0xFFFFF800  }
0xa5: {  	_ =	swait.ge [sflag:s18], $0x800  }
0xa6: {  	s22 =	sadd.s32 $0x1, s22;
	[sflag:s18] =	ssyncset.done $0x0  }
0xa7: {  	p0 =	sne.s32 s22, s8;
	[sflag:s18] =	ssyncadd.s32 $0xFFFFF800  }
.Ltmp1:
0xa8: {  	[bflag:$0x0] =	sbarrier.arrive $0xFFFF;
	(pc) =	sbr.rel @p0 .LBB2_1-.Ltmp1, $4  }
0xa9: {  	[hbm:s7], [sflag:s6] =	dma.local [spmem:s10], $0x3100  }
0xaa: {  	_ =	swait.ge [sflag:s11], $0x3100  }
0xab: {  	[sflag:s11] =	ssyncset.done $0x0  }
0xac: {  	[sflag:s11] =	ssyncadd.s32 $0xFFFFCF00  }
0xad: {  	_ =	sfence.sel $0x180000  }
0xae: {  	[bflag:$0x0] =	sbarrier.arrive $0xFFFF  }
0xaf: {  	p0 =	sne.s32 s2, $0x0;
	_ =	strace $0x90000047  }
0xb0: {  	s0 =	sadd.s32 @!p0 $0x100000, s0;
	[bflag:$0x2] =	sbarrier.arrive $0xFFFF  }
0xb1: {  	[sflag:s0] =	ssyncadd.tile.s32 @!p0 $0x1;
	_ =	shalt  }
.Lfunc_end2:
_tile_overlayer_lowered:
.L_overlay_start_2:
0xb2: {  	(tag) =	ssettag $0x2  }
0xb3: {  	s0 =	rddreg [dreg:$0x0];
	s2 =	stileid.u32  }
0xb4: {  	s1 =	rddreg [dreg:$0x1];
	p0 =	sne.s32 s2, $0x0  }
0xb5: {  	s3 =	rddreg [dreg:$0x2];
	[bflag:$0x3] =	sbarrier.arrive $0xFFFF;
	s2 =	simm.s32 @!p0 $0x1C03  }
0xb6: {  	[timem:s3], [sflag:s2] =	dma.local @!p0 [hbm:s0], s1  }
0xb7: {  	s0 =	simm.s32 @!p0 $0x3  }
0xb8: {  	_ =	swait.ge @!p0 [sflag:s0], s1  }
0xb9: {  	s1 =	ssub.s32 @!p0 $0x0, s1;
	[sflag:s0] =	ssyncset.done @!p0 $0x0  }
0xba: {  	[sflag:s0] =	ssyncadd.s32 @!p0 s1  }
0xbb: {  	[bflag:$0x3] =	sbarrier.arrive $0xFFFF  }
0xbc: {  	_ =	shalt  }

</sc_bundles>
